<compile_context>
chip_gen: v7x
topology: tpu7x:2x2x1
jax: 0.10.2.dev20260603
libtpu: 0.0.44.dev20260713+nightly
codegen_flags: <defaults>
</compile_context>

<pallas_src>
import functools
import math

import jax
import jax.numpy as jnp
from jax import lax
from jax.experimental import pallas as pl
from jax.experimental.pallas import tpu as pltpu
from jax.experimental.pallas import tpu_sc as plsc

_B, _S, _D, _N, _SLOTS = 4, 2048, 768, 64, 8
_TS = 1024
_NEG = -1e9

_T = _B * _S
_NW = 32
_TPW = _T // _NW
_CH = 32
_NCH = _TPW // _CH


def _router_body(x_ref, tts_ref, set_ref, wq_ref, desc_ref, bq_ref, temp_ref,
                 w_ref, topk_ref, wp_ref, gidx_ref, wqb_ref):
    b = pl.program_id(0)
    si = pl.program_id(1)

    @pl.when(jnp.logical_and(b == 0, si == 0))
    def _():
        wqb_ref[...] = wq_ref[...].astype(jnp.bfloat16)

    scale = 1.0 / math.sqrt(_D)
    x = x_ref[0].astype(jnp.bfloat16)
    q = jax.lax.dot_general(x, wqb_ref[...], (((1,), (1,)), ((), ())),
                            preferred_element_type=jnp.float32)
    q = q + bq_ref[...]
    qb = q.astype(jnp.bfloat16)
    desc_bf = desc_ref[...].astype(jnp.bfloat16)
    scores = jax.lax.dot_general(qb, desc_bf, (((1,), (1,)), ((), ())),
                                 preferred_element_type=jnp.float32) * scale

    iota_n = jax.lax.broadcasted_iota(jnp.int32, (_TS, _N), 1)
    tts = tts_ref[...]
    mask = jnp.zeros((_TS, _N), dtype=jnp.bool_)
    for k in range(_SLOTS):
        mask = jnp.logical_or(mask, iota_n == tts[:, k][:, None])
    s_masked = jnp.where(mask, scores, _NEG)

    v1 = jnp.max(s_masked, axis=1, keepdims=True)
    i1 = jnp.min(jnp.where(s_masked == v1, iota_n, _N), axis=1)
    hit1 = iota_n == i1[:, None]
    s2 = jnp.where(hit1, -jnp.inf, s_masked)
    v2 = jnp.max(s2, axis=1, keepdims=True)
    i2 = jnp.min(jnp.where(s2 == v2, iota_n, _N), axis=1)
    hit2 = iota_n == i2[:, None]

    temp = jnp.maximum(temp_ref[0, 0], 0.5)
    e2 = jnp.exp((v2 - v1) / temp)
    denom = 1.0 + e2
    w1 = 1.0 / denom
    w2 = e2 / denom
    weights = jnp.where(hit1, w1, 0.0) + jnp.where(hit2, w2, 0.0)

    w_ref[0] = weights
    topk = jnp.concatenate([i1[:, None], i2[:, None]], axis=1)
    topk_ref[0] = topk
    wp_ref[0] = jnp.concatenate([w1, w2], axis=1)
    gidx_ref[0] = topk + b * _N


def _tc_router(token_states, set_states, desc_router, tts, W_q, bq2, temp2):
    grid = (_B, _S // _TS)
    return pl.pallas_call(
        _router_body,
        grid=grid,
        in_specs=[
            pl.BlockSpec((1, _TS, _D), lambda b, s: (b, s, 0)),
            pl.BlockSpec((_TS, _SLOTS), lambda b, s: (s, 0)),
            pl.BlockSpec((1, _N, _D), lambda b, s: (b, 0, 0)),
            pl.BlockSpec((_D, _D), lambda b, s: (0, 0)),
            pl.BlockSpec((_N, _D), lambda b, s: (0, 0)),
            pl.BlockSpec((1, _D), lambda b, s: (0, 0)),
            pl.BlockSpec((1, 1), lambda b, s: (0, 0)),
        ],
        out_specs=[
            pl.BlockSpec((1, _TS, _N), lambda b, s: (b, s, 0)),
            pl.BlockSpec((1, _TS, 2), lambda b, s: (b, s, 0)),
            pl.BlockSpec((1, _TS, 2), lambda b, s: (b, s, 0)),
            pl.BlockSpec((1, _TS, 2), lambda b, s: (b, s, 0)),
        ],
        out_shape=[
            jax.ShapeDtypeStruct((_B, _S, _N), jnp.float32),
            jax.ShapeDtypeStruct((_B, _S, 2), jnp.int32),
            jax.ShapeDtypeStruct((_B, _S, 2), jnp.float32),
            jax.ShapeDtypeStruct((_B, _S, 2), jnp.int32),
        ],
        scratch_shapes=[
            pltpu.VMEM((_D, _D), jnp.bfloat16),
        ],
        compiler_params=pltpu.CompilerParams(
            dimension_semantics=("arbitrary", "arbitrary")),
    )(token_states, tts, set_states, W_q, desc_router, bq2, temp2)


@functools.partial(
    pl.kernel,
    out_type=jax.ShapeDtypeStruct((_T, _D), jnp.float32),
    mesh=plsc.VectorSubcoreMesh(core_axis_name="c", subcore_axis_name="s"),
    scratch_types=[
        pltpu.VMEM((2 * _CH,), jnp.int32),
        pltpu.VMEM((2 * _CH,), jnp.float32),
        pltpu.VMEM((2 * _CH, _D), jnp.float32),
        pltpu.VMEM((_CH, _D), jnp.float32),
        pltpu.SemaphoreType.DMA,
    ],
)
def _sc_combine(set_hbm, gidx_hbm, wp_hbm, out_hbm,
                idx_v, wp_v, rows_v, out_v, sem):
    wid = lax.axis_index("s") * 2 + lax.axis_index("c")
    base = wid * _TPW

    def chunk(c, carry):
        tok0 = base + c * _CH
        pltpu.sync_copy(gidx_hbm.at[pl.ds(tok0 * 2, 2 * _CH)], idx_v)
        pltpu.sync_copy(wp_hbm.at[pl.ds(tok0 * 2, 2 * _CH)], wp_v)
        pltpu.async_copy(set_hbm.at[idx_v], rows_v, sem).wait()

        for t in range(_CH):
            wp16 = wp_v[pl.ds((t // 8) * 16, 16)]
            w1 = wp16[2 * (t % 8)]
            w2 = wp16[2 * (t % 8) + 1]

            def col(j, carry3, t=t, w1=w1, w2=w2):
                a = rows_v[2 * t, pl.ds(j * 16, 16)]
                bb = rows_v[2 * t + 1, pl.ds(j * 16, 16)]
                out_v[t, pl.ds(j * 16, 16)] = a * w1 + bb * w2
                return carry3

            lax.fori_loop(0, _D // 16, col, 0)
        pltpu.sync_copy(out_v, out_hbm.at[pl.ds(tok0, _CH)])
        return carry

    lax.fori_loop(0, _NCH, chunk, 0)


@jax.jit
def kernel(token_states, set_states, desc_router, token_to_sets, W_q, b_q,
           temperature):
    bq2 = b_q.reshape(1, _D)
    temp2 = temperature.reshape(1, 1)
    tts = token_to_sets.astype(jnp.int32)

    weights, topk, wpair, gidx = _tc_router(
        token_states, set_states, desc_router, tts, W_q, bq2, temp2)

    set_flat = set_states.reshape(_B * _N, _D)
    token_repr = _sc_combine(
        set_flat, gidx.reshape(_T * 2), wpair.reshape(_T * 2))
    token_repr = token_repr.reshape(_B, _S, _D)

    bank_indices = topk[:, :, 0]
    return token_repr, bank_indices, weights, topk

# --- scband reference (transcript-rebuilt; emitter-appended) ---
"""Pipeline reference for scband-learned-router-11390253269625 (READ-ONLY COPY).

The authoritative reference and input builder live on the scoring server;
editing this copy changes nothing except your own understanding.
"""

import jax, jax.numpy as jnp
import numpy as np
import math

B, S, D, N, TOPK = 4, 2048, 768, 64, 2
SLOTS = 8
NEG = -1e9

def setup_inputs(seed: int = 0) -> dict:
    key = jax.random.key(seed)
    ks = jax.random.split(key, 6)
    token_states = jax.random.normal(ks[0], (B, S, D), dtype=jnp.float32)
    set_states = jax.random.normal(ks[1], (B, N, D), dtype=jnp.float32)
    desc_router = jax.random.normal(ks[2], (N, D), dtype=jnp.float32)
    token_to_sets = jax.random.randint(ks[3], (S, SLOTS), 0, N)
    W_q = jax.random.normal(ks[4], (D, D), dtype=jnp.float32) * (1.0 / math.sqrt(D))
    b_q = jnp.zeros((D,), dtype=jnp.float32)
    temperature = jnp.ones((1,), dtype=jnp.float32)
    return {"token_states": token_states, "set_states": set_states, "desc_router": desc_router, "token_to_sets": token_to_sets, "W_q": W_q, "b_q": b_q, "temperature": temperature}

def reference(token_states, set_states, desc_router, token_to_sets, W_q, b_q, temperature):
    scale = 1.0 / math.sqrt(D)
    q = token_states @ W_q.T + b_q
    scores = jnp.einsum('bsd,nd->bsn', q, desc_router) * scale
    # restrict_to_sets mask
    rows = jnp.broadcast_to(jnp.arange(S)[:, None], token_to_sets.shape)
    valid = token_to_sets >= 0
    cols = jnp.where(valid, jnp.minimum(token_to_sets, N - 1), 0)
    mask = (jnp.zeros((S, N), jnp.int32).at[rows, cols].add(valid.astype(jnp.int32)) > 0)
    scores = jnp.where(mask[None, :, :], scores, NEG)
    # top-k keep
    topk_scores, topk_idx = jax.lax.top_k(scores, TOPK)
    b_idx = jnp.arange(B)[:, None, None]
    s_idx = jnp.arange(S)[None, :, None]
    scores = jnp.full_like(scores, NEG).at[b_idx, s_idx, topk_idx].set(topk_scores)
    temp = jnp.maximum(temperature, 0.5)
    weights = jax.nn.softmax(scores / temp, axis=-1)
    token_repr = jnp.einsum('bsn,bnd->bsd', weights, set_states)
    bank_indices = jnp.argmax(weights, axis=-1)
    topk_indices = jax.lax.top_k(scores, TOPK)[1]
    return token_repr, bank_indices, weights, topk_indices

if __name__ == "__main__":
    import jax
    _d = setup_inputs()
    print(jax.jit(kernel)(*tuple(_d.values())))

</pallas_src>

<mosaic_0001>
#map = affine_map<(d0, d1) -> (0, 0)>
#map1 = affine_map<(d0, d1) -> (0)>
module attributes {stable_mosaic.version = 14 : i64} {
  func.func @_sc_combine(%arg0: i32, %arg1: i32, %arg2: memref<256x768xf32, #tpu.memory_space<hbm>>, %arg3: memref<16384xi32, #tpu.memory_space<hbm>>, %arg4: memref<16384xf32, #tpu.memory_space<hbm>>, %arg5: memref<8192x768xf32, #tpu.memory_space<hbm>>, %arg6: memref<64xi32, #tpu.memory_space<vmem>>, %arg7: memref<64xf32, #tpu.memory_space<vmem>>, %arg8: memref<64x768xf32, #tpu.memory_space<vmem>>, %arg9: memref<32x768xf32, #tpu.memory_space<vmem>>, %arg10: memref<!tpu.dma_semaphore, #tpu.memory_space<semaphore_mem>>) attributes {dimension_semantics = [#tpu.dimension_semantics<core_parallel>, #tpu.dimension_semantics<subcore_parallel>], iteration_bounds = array<i64: 2, 16>, scalar_prefetch = 0 : i64, scratch_operands = 5 : i64, tpu.core_type = #tpu.core_type<sc_vector_subcore>, window_params = [{transform_indices = #map}, {transform_indices = #map1}, {transform_indices = #map1}, {transform_indices = #map}]} {
    %mul3A = arith.constant 2 : i32
    %mul3A_0 = arith.muli %arg1, %mul3A : i32
    %add3A = arith.addi %mul3A_0, %arg0 : i32
    %mul3A_1 = arith.constant 256 : i32
    %mul3A_2 = arith.muli %add3A, %mul3A_1 : i32
    %scan3A = arith.constant 0 : i32
    %scan3A_3 = arith.constant 0 : i32
    %scan3A_4 = arith.constant 8 : i32
    %scan3A_5 = arith.addi %scan3A_3, %scan3A_4 : i32
    %scan3A_6 = arith.constant 1 : i32
    scf.for %scan3A_8 = %scan3A_3 to %scan3A_5 step %scan3A_6  : i32 {
      %mul3A_9 = arith.constant 32 : i32
      %mul3A_10 = arith.muli %scan3A_8, %mul3A_9 : i32
      %add3A_11 = arith.addi %mul3A_2, %mul3A_10 : i32
      %mul3A_12 = arith.constant 2 : i32
      %mul3A_13 = arith.muli %add3A_11, %mul3A_12 : i32
      "tpu.region"() ({
        %run_scoped3A = tpu.sem_alloc : memref<!tpu.dma_semaphore, #tpu.memory_space<semaphore_mem>>
        %dma_start3A_433 = tpu.memref_slice %arg3[%mul3A_13] : memref<16384xi32, #tpu.memory_space<hbm>> -> memref<64xi32, #tpu.memory_space<hbm>>
        %dma_start3A_434 = tpu.memref_slice %arg3[%mul3A_13] : memref<16384xi32, #tpu.memory_space<hbm>> -> memref<64xi32, #tpu.memory_space<hbm>>
        tpu.enqueue_dma source(%dma_start3A_434 : memref<64xi32, #tpu.memory_space<hbm>>) target(%arg6 : memref<64xi32, #tpu.memory_space<vmem>>) target_semaphore(%run_scoped3A : memref<!tpu.dma_semaphore, #tpu.memory_space<semaphore_mem>>)
        %dma_wait3A_435 = tpu.memref_slice %arg3[%mul3A_13] : memref<16384xi32, #tpu.memory_space<hbm>> -> memref<64xi32, #tpu.memory_space<hbm>>
        %dma_wait3A_436 = tpu.memref_slice %arg3[%mul3A_13] : memref<16384xi32, #tpu.memory_space<hbm>> -> memref<64xi32, #tpu.memory_space<hbm>>
        tpu.wait_dma2 semaphore(%run_scoped3A : memref<!tpu.dma_semaphore, #tpu.memory_space<semaphore_mem>>) src(%dma_wait3A_436 : memref<64xi32, #tpu.memory_space<hbm>>) dst(%arg6 : memref<64xi32, #tpu.memory_space<vmem>>)
        tpu.yield
      }) : () -> ()
      %mul3A_14 = arith.constant 2 : i32
      %mul3A_15 = arith.muli %add3A_11, %mul3A_14 : i32
      "tpu.region"() ({
        %run_scoped3A = tpu.sem_alloc : memref<!tpu.dma_semaphore, #tpu.memory_space<semaphore_mem>>
        %dma_start3A_433 = tpu.memref_slice %arg4[%mul3A_15] : memref<16384xf32, #tpu.memory_space<hbm>> -> memref<64xf32, #tpu.memory_space<hbm>>
        %dma_start3A_434 = tpu.memref_slice %arg4[%mul3A_15] : memref<16384xf32, #tpu.memory_space<hbm>> -> memref<64xf32, #tpu.memory_space<hbm>>
        tpu.enqueue_dma source(%dma_start3A_434 : memref<64xf32, #tpu.memory_space<hbm>>) target(%arg7 : memref<64xf32, #tpu.memory_space<vmem>>) target_semaphore(%run_scoped3A : memref<!tpu.dma_semaphore, #tpu.memory_space<semaphore_mem>>)
        %dma_wait3A_435 = tpu.memref_slice %arg4[%mul3A_15] : memref<16384xf32, #tpu.memory_space<hbm>> -> memref<64xf32, #tpu.memory_space<hbm>>
        %dma_wait3A_436 = tpu.memref_slice %arg4[%mul3A_15] : memref<16384xf32, #tpu.memory_space<hbm>> -> memref<64xf32, #tpu.memory_space<hbm>>
        tpu.wait_dma2 semaphore(%run_scoped3A : memref<!tpu.dma_semaphore, #tpu.memory_space<semaphore_mem>>) src(%dma_wait3A_436 : memref<64xf32, #tpu.memory_space<hbm>>) dst(%arg7 : memref<64xf32, #tpu.memory_space<vmem>>)
        tpu.yield
      }) : () -> ()
      %dma_start3A = arith.constant 0 : i32
      %dma_start3A_16 = arith.constant 0 : i32
      %dma_start3A_17 = tpu.memref_slice %arg2[%dma_start3A, %dma_start3A_16] : memref<256x768xf32, #tpu.memory_space<hbm>> -> memref<256x768xf32, #tpu.memory_space<hbm>>
      tpu.enqueue_indirect_dma source(%dma_start3A_17 : memref<256x768xf32, #tpu.memory_space<hbm>>) target(%arg8 : memref<64x768xf32, #tpu.memory_space<vmem>>) offsets(%arg6 : memref<64xi32, #tpu.memory_space<vmem>>) semaphore(%arg10 : memref<!tpu.dma_semaphore, #tpu.memory_space<semaphore_mem>>)
      %dma_wait3A = arith.constant 0 : i32
      %dma_wait3A_18 = arith.constant 0 : i32
      %dma_wait3A_19 = tpu.memref_slice %arg2[%dma_wait3A, %dma_wait3A_18] : memref<256x768xf32, #tpu.memory_space<hbm>> -> memref<256x768xf32, #tpu.memory_space<hbm>>
      tpu.wait_indirect_dma semaphore(%arg10 : memref<!tpu.dma_semaphore, #tpu.memory_space<semaphore_mem>>) src(%dma_wait3A_19 : memref<256x768xf32, #tpu.memory_space<hbm>>) dst(%arg8 : memref<64x768xf32, #tpu.memory_space<vmem>>)
      %get3A = arith.constant 0 : index
      %get3A_20 = tpu.vector_load %arg7[%get3A] {strides = array<i32>} : memref<64xf32, #tpu.memory_space<vmem>>, vector<16xf32>,
      %get3A_21 = vector.shape_cast %get3A_20 : vector<16xf32> to vector<16xf32>
      %slice3A = vector.extract_strided_slice %get3A_21 {offsets = [0], sizes = [1], strides = [1]} : vector<16xf32> to vector<1xf32>
      %squeeze3A = vector.extract %slice3A[0] : f32 from vector<1xf32>
      %slice3A_22 = vector.extract_strided_slice %get3A_21 {offsets = [1], sizes = [1], strides = [1]} : vector<16xf32> to vector<1xf32>
      %squeeze3A_23 = vector.extract %slice3A_22[0] : f32 from vector<1xf32>
      %scan3A_24 = arith.constant 0 : i32
      %scan3A_25 = arith.constant 0 : i32
      %scan3A_26 = arith.constant 48 : i32
      %scan3A_27 = arith.addi %scan3A_25, %scan3A_26 : i32
      %scan3A_28 = arith.constant 1 : i32
      scf.for %scan3A_433 = %scan3A_25 to %scan3A_27 step %scan3A_28  : i32 {
        %mul3A_434 = arith.constant 16 : i32
        %mul3A_435 = arith.muli %scan3A_433, %mul3A_434 : i32
        %get3A_436 = arith.constant 0 : i32
        %get3A_437 = arith.index_cast %get3A_436 : i32 to index
        %get3A_438 = arith.index_cast %mul3A_435 : i32 to index
        %get3A_439 = tpu.vector_load %arg8[%get3A_437, %get3A_438] {strides = array<i32>} : memref<64x768xf32, #tpu.memory_space<vmem>>, vector<1x16xf32>,
        %get3A_440 = vector.shape_cast %get3A_439 : vector<1x16xf32> to vector<16xf32>
        %mul3A_441 = arith.constant 16 : i32
        %mul3A_442 = arith.muli %scan3A_433, %mul3A_441 : i32
        %get3A_443 = arith.constant 1 : i32
        %get3A_444 = arith.index_cast %get3A_443 : i32 to index
        %get3A_445 = arith.index_cast %mul3A_442 : i32 to index
        %get3A_446 = tpu.vector_load %arg8[%get3A_444, %get3A_445] {strides = array<i32>} : memref<64x768xf32, #tpu.memory_space<vmem>>, vector<1x16xf32>,
        %get3A_447 = vector.shape_cast %get3A_446 : vector<1x16xf32> to vector<16xf32>
        %mul3A_448 = vector.broadcast %squeeze3A : f32 to vector<16xf32>
        %mul3A_449 = arith.mulf %get3A_440, %mul3A_448 : vector<16xf32>
        %mul3A_450 = vector.broadcast %squeeze3A_23 : f32 to vector<16xf32>
        %mul3A_451 = arith.mulf %get3A_447, %mul3A_450 : vector<16xf32>
        %add3A_452 = arith.addf %mul3A_449, %mul3A_451 : vector<16xf32>
        %mul3A_453 = arith.constant 16 : i32
        %mul3A_454 = arith.muli %scan3A_433, %mul3A_453 : i32
        %swap3A = arith.constant 0 : i32
        %swap3A_455 = arith.index_cast %swap3A : i32 to index
        %swap3A_456 = arith.index_cast %mul3A_454 : i32 to index
        %swap3A_457 = tpu.vector_load %arg9[%swap3A_455, %swap3A_456] {strides = array<i32>} : memref<32x768xf32, #tpu.memory_space<vmem>>, vector<1x16xf32>,
        %swap3A_458 = vector.shape_cast %swap3A_457 : vector<1x16xf32> to vector<16xf32>
        %swap3A_459 = vector.shape_cast %add3A_452 : vector<16xf32> to vector<1x16xf32>
        tpu.vector_store %arg9[%swap3A_455, %swap3A_456], %swap3A_459 {strides = array<i32>} : memref<32x768xf32, #tpu.memory_space<vmem>>, vector<1x16xf32>,
      }
      %scan3A_29 = arith.constant 48 : i32
      %get3A_30 = arith.constant 0 : index
      %get3A_31 = tpu.vector_load %arg7[%get3A_30] {strides = array<i32>} : memref<64xf32, #tpu.memory_space<vmem>>, vector<16xf32>,
      %get3A_32 = vector.shape_cast %get3A_31 : vector<16xf32> to vector<16xf32>
      %slice3A_33 = vector.extract_strided_slice %get3A_32 {offsets = [2], sizes = [1], strides = [1]} : vector<16xf32> to vector<1xf32>
      %squeeze3A_34 = vector.extract %slice3A_33[0] : f32 from vector<1xf32>
      %slice3A_35 = vector.extract_strided_slice %get3A_32 {offsets = [3], sizes = [1], strides = [1]} : vector<16xf32> to vector<1xf32>
      %squeeze3A_36 = vector.extract %slice3A_35[0] : f32 from vector<1xf32>
      %scan3A_37 = arith.constant 0 : i32
      %scan3A_38 = arith.constant 0 : i32
      %scan3A_39 = arith.constant 48 : i32
      %scan3A_40 = arith.addi %scan3A_38, %scan3A_39 : i32
      %scan3A_41 = arith.constant 1 : i32
      scf.for %scan3A_433 = %scan3A_38 to %scan3A_40 step %scan3A_41  : i32 {
        %mul3A_434 = arith.constant 16 : i32
        %mul3A_435 = arith.muli %scan3A_433, %mul3A_434 : i32
        %get3A_436 = arith.constant 2 : i32
        %get3A_437 = arith.index_cast %get3A_436 : i32 to index
        %get3A_438 = arith.index_cast %mul3A_435 : i32 to index
        %get3A_439 = tpu.vector_load %arg8[%get3A_437, %get3A_438] {strides = array<i32>} : memref<64x768xf32, #tpu.memory_space<vmem>>, vector<1x16xf32>,
        %get3A_440 = vector.shape_cast %get3A_439 : vector<1x16xf32> to vector<16xf32>
        %mul3A_441 = arith.constant 16 : i32
        %mul3A_442 = arith.muli %scan3A_433, %mul3A_441 : i32
        %get3A_443 = arith.constant 3 : i32
        %get3A_444 = arith.index_cast %get3A_443 : i32 to index
        %get3A_445 = arith.index_cast %mul3A_442 : i32 to index
        %get3A_446 = tpu.vector_load %arg8[%get3A_444, %get3A_445] {strides = array<i32>} : memref<64x768xf32, #tpu.memory_space<vmem>>, vector<1x16xf32>,
        %get3A_447 = vector.shape_cast %get3A_446 : vector<1x16xf32> to vector<16xf32>
        %mul3A_448 = vector.broadcast %squeeze3A_34 : f32 to vector<16xf32>
        %mul3A_449 = arith.mulf %get3A_440, %mul3A_448 : vector<16xf32>
        %mul3A_450 = vector.broadcast %squeeze3A_36 : f32 to vector<16xf32>
        %mul3A_451 = arith.mulf %get3A_447, %mul3A_450 : vector<16xf32>
        %add3A_452 = arith.addf %mul3A_449, %mul3A_451 : vector<16xf32>
        %mul3A_453 = arith.constant 16 : i32
        %mul3A_454 = arith.muli %scan3A_433, %mul3A_453 : i32
        %swap3A = arith.constant 1 : i32
        %swap3A_455 = arith.index_cast %swap3A : i32 to index
        %swap3A_456 = arith.index_cast %mul3A_454 : i32 to index
        %swap3A_457 = tpu.vector_load %arg9[%swap3A_455, %swap3A_456] {strides = array<i32>} : memref<32x768xf32, #tpu.memory_space<vmem>>, vector<1x16xf32>,
        %swap3A_458 = vector.shape_cast %swap3A_457 : vector<1x16xf32> to vector<16xf32>
        %swap3A_459 = vector.shape_cast %add3A_452 : vector<16xf32> to vector<1x16xf32>
        tpu.vector_store %arg9[%swap3A_455, %swap3A_456], %swap3A_459 {strides = array<i32>} : memref<32x768xf32, #tpu.memory_space<vmem>>, vector<1x16xf32>,
      }
      %scan3A_42 = arith.constant 48 : i32
      %get3A_43 = arith.constant 0 : index
      %get3A_44 = tpu.vector_load %arg7[%get3A_43] {strides = array<i32>} : memref<64xf32, #tpu.memory_space<vmem>>, vector<16xf32>,
      %get3A_45 = vector.shape_cast %get3A_44 : vector<16xf32> to vector<16xf32>
      %slice3A_46 = vector.extract_strided_slice %get3A_45 {offsets = [4], sizes = [1], strides = [1]} : vector<16xf32> to vector<1xf32>
      %squeeze3A_47 = vector.extract %slice3A_46[0] : f32 from vector<1xf32>
      %slice3A_48 = vector.extract_strided_slice %get3A_45 {offsets = [5], sizes = [1], strides = [1]} : vector<16xf32> to vector<1xf32>
      %squeeze3A_49 = vector.extract %slice3A_48[0] : f32 from vector<1xf32>
      %scan3A_50 = arith.constant 0 : i32
      %scan3A_51 = arith.constant 0 : i32
      %scan3A_52 = arith.constant 48 : i32
      %scan3A_53 = arith.addi %scan3A_51, %scan3A_52 : i32
      %scan3A_54 = arith.constant 1 : i32
      scf.for %scan3A_433 = %scan3A_51 to %scan3A_53 step %scan3A_54  : i32 {
        %mul3A_434 = arith.constant 16 : i32
        %mul3A_435 = arith.muli %scan3A_433, %mul3A_434 : i32
        %get3A_436 = arith.constant 4 : i32
        %get3A_437 = arith.index_cast %get3A_436 : i32 to index
        %get3A_438 = arith.index_cast %mul3A_435 : i32 to index
        %get3A_439 = tpu.vector_load %arg8[%get3A_437, %get3A_438] {strides = array<i32>} : memref<64x768xf32, #tpu.memory_space<vmem>>, vector<1x16xf32>,
        %get3A_440 = vector.shape_cast %get3A_439 : vector<1x16xf32> to vector<16xf32>
        %mul3A_441 = arith.constant 16 : i32
        %mul3A_442 = arith.muli %scan3A_433, %mul3A_441 : i32
        %get3A_443 = arith.constant 5 : i32
        %get3A_444 = arith.index_cast %get3A_443 : i32 to index
        %get3A_445 = arith.index_cast %mul3A_442 : i32 to index
        %get3A_446 = tpu.vector_load %arg8[%get3A_444, %get3A_445] {strides = array<i32>} : memref<64x768xf32, #tpu.memory_space<vmem>>, vector<1x16xf32>,
        %get3A_447 = vector.shape_cast %get3A_446 : vector<1x16xf32> to vector<16xf32>
        %mul3A_448 = vector.broadcast %squeeze3A_47 : f32 to vector<16xf32>
        %mul3A_449 = arith.mulf %get3A_440, %mul3A_448 : vector<16xf32>
        %mul3A_450 = vector.broadcast %squeeze3A_49 : f32 to vector<16xf32>
        %mul3A_451 = arith.mulf %get3A_447, %mul3A_450 : vector<16xf32>
        %add3A_452 = arith.addf %mul3A_449, %mul3A_451 : vector<16xf32>
        %mul3A_453 = arith.constant 16 : i32
        %mul3A_454 = arith.muli %scan3A_433, %mul3A_453 : i32
        %swap3A = arith.constant 2 : i32
        %swap3A_455 = arith.index_cast %swap3A : i32 to index
        %swap3A_456 = arith.index_cast %mul3A_454 : i32 to index
        %swap3A_457 = tpu.vector_load %arg9[%swap3A_455, %swap3A_456] {strides = array<i32>} : memref<32x768xf32, #tpu.memory_space<vmem>>, vector<1x16xf32>,
        %swap3A_458 = vector.shape_cast %swap3A_457 : vector<1x16xf32> to vector<16xf32>
        %swap3A_459 = vector.shape_cast %add3A_452 : vector<16xf32> to vector<1x16xf32>
        tpu.vector_store %arg9[%swap3A_455, %swap3A_456], %swap3A_459 {strides = array<i32>} : memref<32x768xf32, #tpu.memory_space<vmem>>, vector<1x16xf32>,
      }
      %scan3A_55 = arith.constant 48 : i32
      %get3A_56 = arith.constant 0 : index
      %get3A_57 = tpu.vector_load %arg7[%get3A_56] {strides = array<i32>} : memref<64xf32, #tpu.memory_space<vmem>>, vector<16xf32>,
      %get3A_58 = vector.shape_cast %get3A_57 : vector<16xf32> to vector<16xf32>
      %slice3A_59 = vector.extract_strided_slice %get3A_58 {offsets = [6], sizes = [1], strides = [1]} : vector<16xf32> to vector<1xf32>
      %squeeze3A_60 = vector.extract %slice3A_59[0] : f32 from vector<1xf32>
      %slice3A_61 = vector.extract_strided_slice %get3A_58 {offsets = [7], sizes = [1], strides = [1]} : vector<16xf32> to vector<1xf32>
      %squeeze3A_62 = vector.extract %slice3A_61[0] : f32 from vector<1xf32>
      %scan3A_63 = arith.constant 0 : i32
      %scan3A_64 = arith.constant 0 : i32
      %scan3A_65 = arith.constant 48 : i32
      %scan3A_66 = arith.addi %scan3A_64, %scan3A_65 : i32
      %scan3A_67 = arith.constant 1 : i32
      scf.for %scan3A_433 = %scan3A_64 to %scan3A_66 step %scan3A_67  : i32 {
        %mul3A_434 = arith.constant 16 : i32
        %mul3A_435 = arith.muli %scan3A_433, %mul3A_434 : i32
        %get3A_436 = arith.constant 6 : i32
        %get3A_437 = arith.index_cast %get3A_436 : i32 to index
        %get3A_438 = arith.index_cast %mul3A_435 : i32 to index
        %get3A_439 = tpu.vector_load %arg8[%get3A_437, %get3A_438] {strides = array<i32>} : memref<64x768xf32, #tpu.memory_space<vmem>>, vector<1x16xf32>,
        %get3A_440 = vector.shape_cast %get3A_439 : vector<1x16xf32> to vector<16xf32>
        %mul3A_441 = arith.constant 16 : i32
        %mul3A_442 = arith.muli %scan3A_433, %mul3A_441 : i32
        %get3A_443 = arith.constant 7 : i32
        %get3A_444 = arith.index_cast %get3A_443 : i32 to index
        %get3A_445 = arith.index_cast %mul3A_442 : i32 to index
        %get3A_446 = tpu.vector_load %arg8[%get3A_444, %get3A_445] {strides = array<i32>} : memref<64x768xf32, #tpu.memory_space<vmem>>, vector<1x16xf32>,
        %get3A_447 = vector.shape_cast %get3A_446 : vector<1x16xf32> to vector<16xf32>
        %mul3A_448 = vector.broadcast %squeeze3A_60 : f32 to vector<16xf32>
        %mul3A_449 = arith.mulf %get3A_440, %mul3A_448 : vector<16xf32>
        %mul3A_450 = vector.broadcast %squeeze3A_62 : f32 to vector<16xf32>
        %mul3A_451 = arith.mulf %get3A_447, %mul3A_450 : vector<16xf32>
        %add3A_452 = arith.addf %mul3A_449, %mul3A_451 : vector<16xf32>
        %mul3A_453 = arith.constant 16 : i32
        %mul3A_454 = arith.muli %scan3A_433, %mul3A_453 : i32
        %swap3A = arith.constant 3 : i32
        %swap3A_455 = arith.index_cast %swap3A : i32 to index
        %swap3A_456 = arith.index_cast %mul3A_454 : i32 to index
        %swap3A_457 = tpu.vector_load %arg9[%swap3A_455, %swap3A_456] {strides = array<i32>} : memref<32x768xf32, #tpu.memory_space<vmem>>, vector<1x16xf32>,
        %swap3A_458 = vector.shape_cast %swap3A_457 : vector<1x16xf32> to vector<16xf32>
        %swap3A_459 = vector.shape_cast %add3A_452 : vector<16xf32> to vector<1x16xf32>
        tpu.vector_store %arg9[%swap3A_455, %swap3A_456], %swap3A_459 {strides = array<i32>} : memref<32x768xf32, #tpu.memory_space<vmem>>, vector<1x16xf32>,
      }
      %scan3A_68 = arith.constant 48 : i32
      %get3A_69 = arith.constant 0 : index
      %get3A_70 = tpu.vector_load %arg7[%get3A_69] {strides = array<i32>} : memref<64xf32, #tpu.memory_space<vmem>>, vector<16xf32>,
      %get3A_71 = vector.shape_cast %get3A_70 : vector<16xf32> to vector<16xf32>
      %slice3A_72 = vector.extract_strided_slice %get3A_71 {offsets = [8], sizes = [1], strides = [1]} : vector<16xf32> to vector<1xf32>
      %squeeze3A_73 = vector.extract %slice3A_72[0] : f32 from vector<1xf32>
      %slice3A_74 = vector.extract_strided_slice %get3A_71 {offsets = [9], sizes = [1], strides = [1]} : vector<16xf32> to vector<1xf32>
      %squeeze3A_75 = vector.extract %slice3A_74[0] : f32 from vector<1xf32>
      %scan3A_76 = arith.constant 0 : i32
      %scan3A_77 = arith.constant 0 : i32
      %scan3A_78 = arith.constant 48 : i32
      %scan3A_79 = arith.addi %scan3A_77, %scan3A_78 : i32
      %scan3A_80 = arith.constant 1 : i32
      scf.for %scan3A_433 = %scan3A_77 to %scan3A_79 step %scan3A_80  : i32 {
        %mul3A_434 = arith.constant 16 : i32
        %mul3A_435 = arith.muli %scan3A_433, %mul3A_434 : i32
        %get3A_436 = arith.constant 8 : i32
        %get3A_437 = arith.index_cast %get3A_436 : i32 to index
        %get3A_438 = arith.index_cast %mul3A_435 : i32 to index
        %get3A_439 = tpu.vector_load %arg8[%get3A_437, %get3A_438] {strides = array<i32>} : memref<64x768xf32, #tpu.memory_space<vmem>>, vector<1x16xf32>,
        %get3A_440 = vector.shape_cast %get3A_439 : vector<1x16xf32> to vector<16xf32>
        %mul3A_441 = arith.constant 16 : i32
        %mul3A_442 = arith.muli %scan3A_433, %mul3A_441 : i32
        %get3A_443 = arith.constant 9 : i32
        %get3A_444 = arith.index_cast %get3A_443 : i32 to index
        %get3A_445 = arith.index_cast %mul3A_442 : i32 to index
        %get3A_446 = tpu.vector_load %arg8[%get3A_444, %get3A_445] {strides = array<i32>} : memref<64x768xf32, #tpu.memory_space<vmem>>, vector<1x16xf32>,
        %get3A_447 = vector.shape_cast %get3A_446 : vector<1x16xf32> to vector<16xf32>
        %mul3A_448 = vector.broadcast %squeeze3A_73 : f32 to vector<16xf32>
        %mul3A_449 = arith.mulf %get3A_440, %mul3A_448 : vector<16xf32>
        %mul3A_450 = vector.broadcast %squeeze3A_75 : f32 to vector<16xf32>
        %mul3A_451 = arith.mulf %get3A_447, %mul3A_450 : vector<16xf32>
        %add3A_452 = arith.addf %mul3A_449, %mul3A_451 : vector<16xf32>
        %mul3A_453 = arith.constant 16 : i32
        %mul3A_454 = arith.muli %scan3A_433, %mul3A_453 : i32
        %swap3A = arith.constant 4 : i32
        %swap3A_455 = arith.index_cast %swap3A : i32 to index
        %swap3A_456 = arith.index_cast %mul3A_454 : i32 to index
        %swap3A_457 = tpu.vector_load %arg9[%swap3A_455, %swap3A_456] {strides = array<i32>} : memref<32x768xf32, #tpu.memory_space<vmem>>, vector<1x16xf32>,
        %swap3A_458 = vector.shape_cast %swap3A_457 : vector<1x16xf32> to vector<16xf32>
        %swap3A_459 = vector.shape_cast %add3A_452 : vector<16xf32> to vector<1x16xf32>
        tpu.vector_store %arg9[%swap3A_455, %swap3A_456], %swap3A_459 {strides = array<i32>} : memref<32x768xf32, #tpu.memory_space<vmem>>, vector<1x16xf32>,
      }
      %scan3A_81 = arith.constant 48 : i32
      %get3A_82 = arith.constant 0 : index
      %get3A_83 = tpu.vector_load %arg7[%get3A_82] {strides = array<i32>} : memref<64xf32, #tpu.memory_space<vmem>>, vector<16xf32>,
      %get3A_84 = vector.shape_cast %get3A_83 : vector<16xf32> to vector<16xf32>
      %slice3A_85 = vector.extract_strided_slice %get3A_84 {offsets = [10], sizes = [1], strides = [1]} : vector<16xf32> to vector<1xf32>
      %squeeze3A_86 = vector.extract %slice3A_85[0] : f32 from vector<1xf32>
      %slice3A_87 = vector.extract_strided_slice %get3A_84 {offsets = [11], sizes = [1], strides = [1]} : vector<16xf32> to vector<1xf32>
      %squeeze3A_88 = vector.extract %slice3A_87[0] : f32 from vector<1xf32>
      %scan3A_89 = arith.constant 0 : i32
      %scan3A_90 = arith.constant 0 : i32
      %scan3A_91 = arith.constant 48 : i32
      %scan3A_92 = arith.addi %scan3A_90, %scan3A_91 : i32
      %scan3A_93 = arith.constant 1 : i32
      scf.for %scan3A_433 = %scan3A_90 to %scan3A_92 step %scan3A_93  : i32 {
        %mul3A_434 = arith.constant 16 : i32
        %mul3A_435 = arith.muli %scan3A_433, %mul3A_434 : i32
        %get3A_436 = arith.constant 10 : i32
        %get3A_437 = arith.index_cast %get3A_436 : i32 to index
        %get3A_438 = arith.index_cast %mul3A_435 : i32 to index
        %get3A_439 = tpu.vector_load %arg8[%get3A_437, %get3A_438] {strides = array<i32>} : memref<64x768xf32, #tpu.memory_space<vmem>>, vector<1x16xf32>,
        %get3A_440 = vector.shape_cast %get3A_439 : vector<1x16xf32> to vector<16xf32>
        %mul3A_441 = arith.constant 16 : i32
        %mul3A_442 = arith.muli %scan3A_433, %mul3A_441 : i32
        %get3A_443 = arith.constant 11 : i32
        %get3A_444 = arith.index_cast %get3A_443 : i32 to index
        %get3A_445 = arith.index_cast %mul3A_442 : i32 to index
        %get3A_446 = tpu.vector_load %arg8[%get3A_444, %get3A_445] {strides = array<i32>} : memref<64x768xf32, #tpu.memory_space<vmem>>, vector<1x16xf32>,
        %get3A_447 = vector.shape_cast %get3A_446 : vector<1x16xf32> to vector<16xf32>
        %mul3A_448 = vector.broadcast %squeeze3A_86 : f32 to vector<16xf32>
        %mul3A_449 = arith.mulf %get3A_440, %mul3A_448 : vector<16xf32>
        %mul3A_450 = vector.broadcast %squeeze3A_88 : f32 to vector<16xf32>
        %mul3A_451 = arith.mulf %get3A_447, %mul3A_450 : vector<16xf32>
        %add3A_452 = arith.addf %mul3A_449, %mul3A_451 : vector<16xf32>
        %mul3A_453 = arith.constant 16 : i32
        %mul3A_454 = arith.muli %scan3A_433, %mul3A_453 : i32
        %swap3A = arith.constant 5 : i32
        %swap3A_455 = arith.index_cast %swap3A : i32 to index
        %swap3A_456 = arith.index_cast %mul3A_454 : i32 to index
        %swap3A_457 = tpu.vector_load %arg9[%swap3A_455, %swap3A_456] {strides = array<i32>} : memref<32x768xf32, #tpu.memory_space<vmem>>, vector<1x16xf32>,
        %swap3A_458 = vector.shape_cast %swap3A_457 : vector<1x16xf32> to vector<16xf32>
        %swap3A_459 = vector.shape_cast %add3A_452 : vector<16xf32> to vector<1x16xf32>
        tpu.vector_store %arg9[%swap3A_455, %swap3A_456], %swap3A_459 {strides = array<i32>} : memref<32x768xf32, #tpu.memory_space<vmem>>, vector<1x16xf32>,
      }
      %scan3A_94 = arith.constant 48 : i32
      %get3A_95 = arith.constant 0 : index
      %get3A_96 = tpu.vector_load %arg7[%get3A_95] {strides = array<i32>} : memref<64xf32, #tpu.memory_space<vmem>>, vector<16xf32>,
      %get3A_97 = vector.shape_cast %get3A_96 : vector<16xf32> to vector<16xf32>
      %slice3A_98 = vector.extract_strided_slice %get3A_97 {offsets = [12], sizes = [1], strides = [1]} : vector<16xf32> to vector<1xf32>
      %squeeze3A_99 = vector.extract %slice3A_98[0] : f32 from vector<1xf32>
      %slice3A_100 = vector.extract_strided_slice %get3A_97 {offsets = [13], sizes = [1], strides = [1]} : vector<16xf32> to vector<1xf32>
      %squeeze3A_101 = vector.extract %slice3A_100[0] : f32 from vector<1xf32>
      %scan3A_102 = arith.constant 0 : i32
      %scan3A_103 = arith.constant 0 : i32
      %scan3A_104 = arith.constant 48 : i32
      %scan3A_105 = arith.addi %scan3A_103, %scan3A_104 : i32
      %scan3A_106 = arith.constant 1 : i32
      scf.for %scan3A_433 = %scan3A_103 to %scan3A_105 step %scan3A_106  : i32 {
        %mul3A_434 = arith.constant 16 : i32
        %mul3A_435 = arith.muli %scan3A_433, %mul3A_434 : i32
        %get3A_436 = arith.constant 12 : i32
        %get3A_437 = arith.index_cast %get3A_436 : i32 to index
        %get3A_438 = arith.index_cast %mul3A_435 : i32 to index
        %get3A_439 = tpu.vector_load %arg8[%get3A_437, %get3A_438] {strides = array<i32>} : memref<64x768xf32, #tpu.memory_space<vmem>>, vector<1x16xf32>,
        %get3A_440 = vector.shape_cast %get3A_439 : vector<1x16xf32> to vector<16xf32>
        %mul3A_441 = arith.constant 16 : i32
        %mul3A_442 = arith.muli %scan3A_433, %mul3A_441 : i32
        %get3A_443 = arith.constant 13 : i32
        %get3A_444 = arith.index_cast %get3A_443 : i32 to index
        %get3A_445 = arith.index_cast %mul3A_442 : i32 to index
        %get3A_446 = tpu.vector_load %arg8[%get3A_444, %get3A_445] {strides = array<i32>} : memref<64x768xf32, #tpu.memory_space<vmem>>, vector<1x16xf32>,
        %get3A_447 = vector.shape_cast %get3A_446 : vector<1x16xf32> to vector<16xf32>
        %mul3A_448 = vector.broadcast %squeeze3A_99 : f32 to vector<16xf32>
        %mul3A_449 = arith.mulf %get3A_440, %mul3A_448 : vector<16xf32>
        %mul3A_450 = vector.broadcast %squeeze3A_101 : f32 to vector<16xf32>
        %mul3A_451 = arith.mulf %get3A_447, %mul3A_450 : vector<16xf32>
        %add3A_452 = arith.addf %mul3A_449, %mul3A_451 : vector<16xf32>
        %mul3A_453 = arith.constant 16 : i32
        %mul3A_454 = arith.muli %scan3A_433, %mul3A_453 : i32
        %swap3A = arith.constant 6 : i32
        %swap3A_455 = arith.index_cast %swap3A : i32 to index
        %swap3A_456 = arith.index_cast %mul3A_454 : i32 to index
        %swap3A_457 = tpu.vector_load %arg9[%swap3A_455, %swap3A_456] {strides = array<i32>} : memref<32x768xf32, #tpu.memory_space<vmem>>, vector<1x16xf32>,
        %swap3A_458 = vector.shape_cast %swap3A_457 : vector<1x16xf32> to vector<16xf32>
        %swap3A_459 = vector.shape_cast %add3A_452 : vector<16xf32> to vector<1x16xf32>
        tpu.vector_store %arg9[%swap3A_455, %swap3A_456], %swap3A_459 {strides = array<i32>} : memref<32x768xf32, #tpu.memory_space<vmem>>, vector<1x16xf32>,
      }
      %scan3A_107 = arith.constant 48 : i32
      %get3A_108 = arith.constant 0 : index
      %get3A_109 = tpu.vector_load %arg7[%get3A_108] {strides = array<i32>} : memref<64xf32, #tpu.memory_space<vmem>>, vector<16xf32>,
      %get3A_110 = vector.shape_cast %get3A_109 : vector<16xf32> to vector<16xf32>
      %slice3A_111 = vector.extract_strided_slice %get3A_110 {offsets = [14], sizes = [1], strides = [1]} : vector<16xf32> to vector<1xf32>
      %squeeze3A_112 = vector.extract %slice3A_111[0] : f32 from vector<1xf32>
      %slice3A_113 = vector.extract_strided_slice %get3A_110 {offsets = [15], sizes = [1], strides = [1]} : vector<16xf32> to vector<1xf32>
      %squeeze3A_114 = vector.extract %slice3A_113[0] : f32 from vector<1xf32>
      %scan3A_115 = arith.constant 0 : i32
      %scan3A_116 = arith.constant 0 : i32
      %scan3A_117 = arith.constant 48 : i32
      %scan3A_118 = arith.addi %scan3A_116, %scan3A_117 : i32
      %scan3A_119 = arith.constant 1 : i32
      scf.for %scan3A_433 = %scan3A_116 to %scan3A_118 step %scan3A_119  : i32 {
        %mul3A_434 = arith.constant 16 : i32
        %mul3A_435 = arith.muli %scan3A_433, %mul3A_434 : i32
        %get3A_436 = arith.constant 14 : i32
        %get3A_437 = arith.index_cast %get3A_436 : i32 to index
        %get3A_438 = arith.index_cast %mul3A_435 : i32 to index
        %get3A_439 = tpu.vector_load %arg8[%get3A_437, %get3A_438] {strides = array<i32>} : memref<64x768xf32, #tpu.memory_space<vmem>>, vector<1x16xf32>,
        %get3A_440 = vector.shape_cast %get3A_439 : vector<1x16xf32> to vector<16xf32>
        %mul3A_441 = arith.constant 16 : i32
        %mul3A_442 = arith.muli %scan3A_433, %mul3A_441 : i32
        %get3A_443 = arith.constant 15 : i32
        %get3A_444 = arith.index_cast %get3A_443 : i32 to index
        %get3A_445 = arith.index_cast %mul3A_442 : i32 to index
        %get3A_446 = tpu.vector_load %arg8[%get3A_444, %get3A_445] {strides = array<i32>} : memref<64x768xf32, #tpu.memory_space<vmem>>, vector<1x16xf32>,
        %get3A_447 = vector.shape_cast %get3A_446 : vector<1x16xf32> to vector<16xf32>
        %mul3A_448 = vector.broadcast %squeeze3A_112 : f32 to vector<16xf32>
        %mul3A_449 = arith.mulf %get3A_440, %mul3A_448 : vector<16xf32>
        %mul3A_450 = vector.broadcast %squeeze3A_114 : f32 to vector<16xf32>
        %mul3A_451 = arith.mulf %get3A_447, %mul3A_450 : vector<16xf32>
        %add3A_452 = arith.addf %mul3A_449, %mul3A_451 : vector<16xf32>
        %mul3A_453 = arith.constant 16 : i32
        %mul3A_454 = arith.muli %scan3A_433, %mul3A_453 : i32
        %swap3A = arith.constant 7 : i32
        %swap3A_455 = arith.index_cast %swap3A : i32 to index
        %swap3A_456 = arith.index_cast %mul3A_454 : i32 to index
        %swap3A_457 = tpu.vector_load %arg9[%swap3A_455, %swap3A_456] {strides = array<i32>} : memref<32x768xf32, #tpu.memory_space<vmem>>, vector<1x16xf32>,
        %swap3A_458 = vector.shape_cast %swap3A_457 : vector<1x16xf32> to vector<16xf32>
        %swap3A_459 = vector.shape_cast %add3A_452 : vector<16xf32> to vector<1x16xf32>
        tpu.vector_store %arg9[%swap3A_455, %swap3A_456], %swap3A_459 {strides = array<i32>} : memref<32x768xf32, #tpu.memory_space<vmem>>, vector<1x16xf32>,
      }
      %scan3A_120 = arith.constant 48 : i32
      %get3A_121 = arith.constant 16 : index
      %get3A_122 = tpu.vector_load %arg7[%get3A_121] {strides = array<i32>} : memref<64xf32, #tpu.memory_space<vmem>>, vector<16xf32>,
      %get3A_123 = vector.shape_cast %get3A_122 : vector<16xf32> to vector<16xf32>
      %slice3A_124 = vector.extract_strided_slice %get3A_123 {offsets = [0], sizes = [1], strides = [1]} : vector<16xf32> to vector<1xf32>
      %squeeze3A_125 = vector.extract %slice3A_124[0] : f32 from vector<1xf32>
      %slice3A_126 = vector.extract_strided_slice %get3A_123 {offsets = [1], sizes = [1], strides = [1]} : vector<16xf32> to vector<1xf32>
      %squeeze3A_127 = vector.extract %slice3A_126[0] : f32 from vector<1xf32>
      %scan3A_128 = arith.constant 0 : i32
      %scan3A_129 = arith.constant 0 : i32
      %scan3A_130 = arith.constant 48 : i32
      %scan3A_131 = arith.addi %scan3A_129, %scan3A_130 : i32
      %scan3A_132 = arith.constant 1 : i32
      scf.for %scan3A_433 = %scan3A_129 to %scan3A_131 step %scan3A_132  : i32 {
        %mul3A_434 = arith.constant 16 : i32
        %mul3A_435 = arith.muli %scan3A_433, %mul3A_434 : i32
        %get3A_436 = arith.constant 16 : i32
        %get3A_437 = arith.index_cast %get3A_436 : i32 to index
        %get3A_438 = arith.index_cast %mul3A_435 : i32 to index
        %get3A_439 = tpu.vector_load %arg8[%get3A_437, %get3A_438] {strides = array<i32>} : memref<64x768xf32, #tpu.memory_space<vmem>>, vector<1x16xf32>,
        %get3A_440 = vector.shape_cast %get3A_439 : vector<1x16xf32> to vector<16xf32>
        %mul3A_441 = arith.constant 16 : i32
        %mul3A_442 = arith.muli %scan3A_433, %mul3A_441 : i32
        %get3A_443 = arith.constant 17 : i32
        %get3A_444 = arith.index_cast %get3A_443 : i32 to index
        %get3A_445 = arith.index_cast %mul3A_442 : i32 to index
        %get3A_446 = tpu.vector_load %arg8[%get3A_444, %get3A_445] {strides = array<i32>} : memref<64x768xf32, #tpu.memory_space<vmem>>, vector<1x16xf32>,
        %get3A_447 = vector.shape_cast %get3A_446 : vector<1x16xf32> to vector<16xf32>
        %mul3A_448 = vector.broadcast %squeeze3A_125 : f32 to vector<16xf32>
        %mul3A_449 = arith.mulf %get3A_440, %mul3A_448 : vector<16xf32>
        %mul3A_450 = vector.broadcast %squeeze3A_127 : f32 to vector<16xf32>
        %mul3A_451 = arith.mulf %get3A_447, %mul3A_450 : vector<16xf32>
        %add3A_452 = arith.addf %mul3A_449, %mul3A_451 : vector<16xf32>
        %mul3A_453 = arith.constant 16 : i32
        %mul3A_454 = arith.muli %scan3A_433, %mul3A_453 : i32
        %swap3A = arith.constant 8 : i32
        %swap3A_455 = arith.index_cast %swap3A : i32 to index
        %swap3A_456 = arith.index_cast %mul3A_454 : i32 to index
        %swap3A_457 = tpu.vector_load %arg9[%swap3A_455, %swap3A_456] {strides = array<i32>} : memref<32x768xf32, #tpu.memory_space<vmem>>, vector<1x16xf32>,
        %swap3A_458 = vector.shape_cast %swap3A_457 : vector<1x16xf32> to vector<16xf32>
        %swap3A_459 = vector.shape_cast %add3A_452 : vector<16xf32> to vector<1x16xf32>
        tpu.vector_store %arg9[%swap3A_455, %swap3A_456], %swap3A_459 {strides = array<i32>} : memref<32x768xf32, #tpu.memory_space<vmem>>, vector<1x16xf32>,
      }
      %scan3A_133 = arith.constant 48 : i32
      %get3A_134 = arith.constant 16 : index
      %get3A_135 = tpu.vector_load %arg7[%get3A_134] {strides = array<i32>} : memref<64xf32, #tpu.memory_space<vmem>>, vector<16xf32>,
      %get3A_136 = vector.shape_cast %get3A_135 : vector<16xf32> to vector<16xf32>
      %slice3A_137 = vector.extract_strided_slice %get3A_136 {offsets = [2], sizes = [1], strides = [1]} : vector<16xf32> to vector<1xf32>
      %squeeze3A_138 = vector.extract %slice3A_137[0] : f32 from vector<1xf32>
      %slice3A_139 = vector.extract_strided_slice %get3A_136 {offsets = [3], sizes = [1], strides = [1]} : vector<16xf32> to vector<1xf32>
      %squeeze3A_140 = vector.extract %slice3A_139[0] : f32 from vector<1xf32>
      %scan3A_141 = arith.constant 0 : i32
      %scan3A_142 = arith.constant 0 : i32
      %scan3A_143 = arith.constant 48 : i32
      %scan3A_144 = arith.addi %scan3A_142, %scan3A_143 : i32
      %scan3A_145 = arith.constant 1 : i32
      scf.for %scan3A_433 = %scan3A_142 to %scan3A_144 step %scan3A_145  : i32 {
        %mul3A_434 = arith.constant 16 : i32
        %mul3A_435 = arith.muli %scan3A_433, %mul3A_434 : i32
        %get3A_436 = arith.constant 18 : i32
        %get3A_437 = arith.index_cast %get3A_436 : i32 to index
        %get3A_438 = arith.index_cast %mul3A_435 : i32 to index
        %get3A_439 = tpu.vector_load %arg8[%get3A_437, %get3A_438] {strides = array<i32>} : memref<64x768xf32, #tpu.memory_space<vmem>>, vector<1x16xf32>,
        %get3A_440 = vector.shape_cast %get3A_439 : vector<1x16xf32> to vector<16xf32>
        %mul3A_441 = arith.constant 16 : i32
        %mul3A_442 = arith.muli %scan3A_433, %mul3A_441 : i32
        %get3A_443 = arith.constant 19 : i32
        %get3A_444 = arith.index_cast %get3A_443 : i32 to index
        %get3A_445 = arith.index_cast %mul3A_442 : i32 to index
        %get3A_446 = tpu.vector_load %arg8[%get3A_444, %get3A_445] {strides = array<i32>} : memref<64x768xf32, #tpu.memory_space<vmem>>, vector<1x16xf32>,
        %get3A_447 = vector.shape_cast %get3A_446 : vector<1x16xf32> to vector<16xf32>
        %mul3A_448 = vector.broadcast %squeeze3A_138 : f32 to vector<16xf32>
        %mul3A_449 = arith.mulf %get3A_440, %mul3A_448 : vector<16xf32>
        %mul3A_450 = vector.broadcast %squeeze3A_140 : f32 to vector<16xf32>
        %mul3A_451 = arith.mulf %get3A_447, %mul3A_450 : vector<16xf32>
        %add3A_452 = arith.addf %mul3A_449, %mul3A_451 : vector<16xf32>
        %mul3A_453 = arith.constant 16 : i32
        %mul3A_454 = arith.muli %scan3A_433, %mul3A_453 : i32
        %swap3A = arith.constant 9 : i32
        %swap3A_455 = arith.index_cast %swap3A : i32 to index
        %swap3A_456 = arith.index_cast %mul3A_454 : i32 to index
        %swap3A_457 = tpu.vector_load %arg9[%swap3A_455, %swap3A_456] {strides = array<i32>} : memref<32x768xf32, #tpu.memory_space<vmem>>, vector<1x16xf32>,
        %swap3A_458 = vector.shape_cast %swap3A_457 : vector<1x16xf32> to vector<16xf32>
        %swap3A_459 = vector.shape_cast %add3A_452 : vector<16xf32> to vector<1x16xf32>
        tpu.vector_store %arg9[%swap3A_455, %swap3A_456], %swap3A_459 {strides = array<i32>} : memref<32x768xf32, #tpu.memory_space<vmem>>, vector<1x16xf32>,
      }
      %scan3A_146 = arith.constant 48 : i32
      %get3A_147 = arith.constant 16 : index
      %get3A_148 = tpu.vector_load %arg7[%get3A_147] {strides = array<i32>} : memref<64xf32, #tpu.memory_space<vmem>>, vector<16xf32>,
      %get3A_149 = vector.shape_cast %get3A_148 : vector<16xf32> to vector<16xf32>
      %slice3A_150 = vector.extract_strided_slice %get3A_149 {offsets = [4], sizes = [1], strides = [1]} : vector<16xf32> to vector<1xf32>
      %squeeze3A_151 = vector.extract %slice3A_150[0] : f32 from vector<1xf32>
      %slice3A_152 = vector.extract_strided_slice %get3A_149 {offsets = [5], sizes = [1], strides = [1]} : vector<16xf32> to vector<1xf32>
      %squeeze3A_153 = vector.extract %slice3A_152[0] : f32 from vector<1xf32>
      %scan3A_154 = arith.constant 0 : i32
      %scan3A_155 = arith.constant 0 : i32
      %scan3A_156 = arith.constant 48 : i32
      %scan3A_157 = arith.addi %scan3A_155, %scan3A_156 : i32
      %scan3A_158 = arith.constant 1 : i32
      scf.for %scan3A_433 = %scan3A_155 to %scan3A_157 step %scan3A_158  : i32 {
        %mul3A_434 = arith.constant 16 : i32
        %mul3A_435 = arith.muli %scan3A_433, %mul3A_434 : i32
        %get3A_436 = arith.constant 20 : i32
        %get3A_437 = arith.index_cast %get3A_436 : i32 to index
        %get3A_438 = arith.index_cast %mul3A_435 : i32 to index
        %get3A_439 = tpu.vector_load %arg8[%get3A_437, %get3A_438] {strides = array<i32>} : memref<64x768xf32, #tpu.memory_space<vmem>>, vector<1x16xf32>,
        %get3A_440 = vector.shape_cast %get3A_439 : vector<1x16xf32> to vector<16xf32>
        %mul3A_441 = arith.constant 16 : i32
        %mul3A_442 = arith.muli %scan3A_433, %mul3A_441 : i32
        %get3A_443 = arith.constant 21 : i32
        %get3A_444 = arith.index_cast %get3A_443 : i32 to index
        %get3A_445 = arith.index_cast %mul3A_442 : i32 to index
        %get3A_446 = tpu.vector_load %arg8[%get3A_444, %get3A_445] {strides = array<i32>} : memref<64x768xf32, #tpu.memory_space<vmem>>, vector<1x16xf32>,
        %get3A_447 = vector.shape_cast %get3A_446 : vector<1x16xf32> to vector<16xf32>
        %mul3A_448 = vector.broadcast %squeeze3A_151 : f32 to vector<16xf32>
        %mul3A_449 = arith.mulf %get3A_440, %mul3A_448 : vector<16xf32>
        %mul3A_450 = vector.broadcast %squeeze3A_153 : f32 to vector<16xf32>
        %mul3A_451 = arith.mulf %get3A_447, %mul3A_450 : vector<16xf32>
        %add3A_452 = arith.addf %mul3A_449, %mul3A_451 : vector<16xf32>
        %mul3A_453 = arith.constant 16 : i32
        %mul3A_454 = arith.muli %scan3A_433, %mul3A_453 : i32
        %swap3A = arith.constant 10 : i32
        %swap3A_455 = arith.index_cast %swap3A : i32 to index
        %swap3A_456 = arith.index_cast %mul3A_454 : i32 to index
        %swap3A_457 = tpu.vector_load %arg9[%swap3A_455, %swap3A_456] {strides = array<i32>} : memref<32x768xf32, #tpu.memory_space<vmem>>, vector<1x16xf32>,
        %swap3A_458 = vector.shape_cast %swap3A_457 : vector<1x16xf32> to vector<16xf32>
        %swap3A_459 = vector.shape_cast %add3A_452 : vector<16xf32> to vector<1x16xf32>
        tpu.vector_store %arg9[%swap3A_455, %swap3A_456], %swap3A_459 {strides = array<i32>} : memref<32x768xf32, #tpu.memory_space<vmem>>, vector<1x16xf32>,
      }
      %scan3A_159 = arith.constant 48 : i32
      %get3A_160 = arith.constant 16 : index
      %get3A_161 = tpu.vector_load %arg7[%get3A_160] {strides = array<i32>} : memref<64xf32, #tpu.memory_space<vmem>>, vector<16xf32>,
      %get3A_162 = vector.shape_cast %get3A_161 : vector<16xf32> to vector<16xf32>
      %slice3A_163 = vector.extract_strided_slice %get3A_162 {offsets = [6], sizes = [1], strides = [1]} : vector<16xf32> to vector<1xf32>
      %squeeze3A_164 = vector.extract %slice3A_163[0] : f32 from vector<1xf32>
      %slice3A_165 = vector.extract_strided_slice %get3A_162 {offsets = [7], sizes = [1], strides = [1]} : vector<16xf32> to vector<1xf32>
      %squeeze3A_166 = vector.extract %slice3A_165[0] : f32 from vector<1xf32>
      %scan3A_167 = arith.constant 0 : i32
      %scan3A_168 = arith.constant 0 : i32
      %scan3A_169 = arith.constant 48 : i32
      %scan3A_170 = arith.addi %scan3A_168, %scan3A_169 : i32
      %scan3A_171 = arith.constant 1 : i32
      scf.for %scan3A_433 = %scan3A_168 to %scan3A_170 step %scan3A_171  : i32 {
        %mul3A_434 = arith.constant 16 : i32
        %mul3A_435 = arith.muli %scan3A_433, %mul3A_434 : i32
        %get3A_436 = arith.constant 22 : i32
        %get3A_437 = arith.index_cast %get3A_436 : i32 to index
        %get3A_438 = arith.index_cast %mul3A_435 : i32 to index
        %get3A_439 = tpu.vector_load %arg8[%get3A_437, %get3A_438] {strides = array<i32>} : memref<64x768xf32, #tpu.memory_space<vmem>>, vector<1x16xf32>,
        %get3A_440 = vector.shape_cast %get3A_439 : vector<1x16xf32> to vector<16xf32>
        %mul3A_441 = arith.constant 16 : i32
        %mul3A_442 = arith.muli %scan3A_433, %mul3A_441 : i32
        %get3A_443 = arith.constant 23 : i32
        %get3A_444 = arith.index_cast %get3A_443 : i32 to index
        %get3A_445 = arith.index_cast %mul3A_442 : i32 to index
        %get3A_446 = tpu.vector_load %arg8[%get3A_444, %get3A_445] {strides = array<i32>} : memref<64x768xf32, #tpu.memory_space<vmem>>, vector<1x16xf32>,
        %get3A_447 = vector.shape_cast %get3A_446 : vector<1x16xf32> to vector<16xf32>
        %mul3A_448 = vector.broadcast %squeeze3A_164 : f32 to vector<16xf32>
        %mul3A_449 = arith.mulf %get3A_440, %mul3A_448 : vector<16xf32>
        %mul3A_450 = vector.broadcast %squeeze3A_166 : f32 to vector<16xf32>
        %mul3A_451 = arith.mulf %get3A_447, %mul3A_450 : vector<16xf32>
        %add3A_452 = arith.addf %mul3A_449, %mul3A_451 : vector<16xf32>
        %mul3A_453 = arith.constant 16 : i32
        %mul3A_454 = arith.muli %scan3A_433, %mul3A_453 : i32
        %swap3A = arith.constant 11 : i32
        %swap3A_455 = arith.index_cast %swap3A : i32 to index
        %swap3A_456 = arith.index_cast %mul3A_454 : i32 to index
        %swap3A_457 = tpu.vector_load %arg9[%swap3A_455, %swap3A_456] {strides = array<i32>} : memref<32x768xf32, #tpu.memory_space<vmem>>, vector<1x16xf32>,
        %swap3A_458 = vector.shape_cast %swap3A_457 : vector<1x16xf32> to vector<16xf32>
        %swap3A_459 = vector.shape_cast %add3A_452 : vector<16xf32> to vector<1x16xf32>
        tpu.vector_store %arg9[%swap3A_455, %swap3A_456], %swap3A_459 {strides = array<i32>} : memref<32x768xf32, #tpu.memory_space<vmem>>, vector<1x16xf32>,
      }
      %scan3A_172 = arith.constant 48 : i32
      %get3A_173 = arith.constant 16 : index
      %get3A_174 = tpu.vector_load %arg7[%get3A_173] {strides = array<i32>} : memref<64xf32, #tpu.memory_space<vmem>>, vector<16xf32>,
      %get3A_175 = vector.shape_cast %get3A_174 : vector<16xf32> to vector<16xf32>
      %slice3A_176 = vector.extract_strided_slice %get3A_175 {offsets = [8], sizes = [1], strides = [1]} : vector<16xf32> to vector<1xf32>
      %squeeze3A_177 = vector.extract %slice3A_176[0] : f32 from vector<1xf32>
      %slice3A_178 = vector.extract_strided_slice %get3A_175 {offsets = [9], sizes = [1], strides = [1]} : vector<16xf32> to vector<1xf32>
      %squeeze3A_179 = vector.extract %slice3A_178[0] : f32 from vector<1xf32>
      %scan3A_180 = arith.constant 0 : i32
      %scan3A_181 = arith.constant 0 : i32
      %scan3A_182 = arith.constant 48 : i32
      %scan3A_183 = arith.addi %scan3A_181, %scan3A_182 : i32
      %scan3A_184 = arith.constant 1 : i32
      scf.for %scan3A_433 = %scan3A_181 to %scan3A_183 step %scan3A_184  : i32 {
        %mul3A_434 = arith.constant 16 : i32
        %mul3A_435 = arith.muli %scan3A_433, %mul3A_434 : i32
        %get3A_436 = arith.constant 24 : i32
        %get3A_437 = arith.index_cast %get3A_436 : i32 to index
        %get3A_438 = arith.index_cast %mul3A_435 : i32 to index
        %get3A_439 = tpu.vector_load %arg8[%get3A_437, %get3A_438] {strides = array<i32>} : memref<64x768xf32, #tpu.memory_space<vmem>>, vector<1x16xf32>,
        %get3A_440 = vector.shape_cast %get3A_439 : vector<1x16xf32> to vector<16xf32>
        %mul3A_441 = arith.constant 16 : i32
        %mul3A_442 = arith.muli %scan3A_433, %mul3A_441 : i32
        %get3A_443 = arith.constant 25 : i32
        %get3A_444 = arith.index_cast %get3A_443 : i32 to index
        %get3A_445 = arith.index_cast %mul3A_442 : i32 to index
        %get3A_446 = tpu.vector_load %arg8[%get3A_444, %get3A_445] {strides = array<i32>} : memref<64x768xf32, #tpu.memory_space<vmem>>, vector<1x16xf32>,
        %get3A_447 = vector.shape_cast %get3A_446 : vector<1x16xf32> to vector<16xf32>
        %mul3A_448 = vector.broadcast %squeeze3A_177 : f32 to vector<16xf32>
        %mul3A_449 = arith.mulf %get3A_440, %mul3A_448 : vector<16xf32>
        %mul3A_450 = vector.broadcast %squeeze3A_179 : f32 to vector<16xf32>
        %mul3A_451 = arith.mulf %get3A_447, %mul3A_450 : vector<16xf32>
        %add3A_452 = arith.addf %mul3A_449, %mul3A_451 : vector<16xf32>
        %mul3A_453 = arith.constant 16 : i32
        %mul3A_454 = arith.muli %scan3A_433, %mul3A_453 : i32
        %swap3A = arith.constant 12 : i32
        %swap3A_455 = arith.index_cast %swap3A : i32 to index
        %swap3A_456 = arith.index_cast %mul3A_454 : i32 to index
        %swap3A_457 = tpu.vector_load %arg9[%swap3A_455, %swap3A_456] {strides = array<i32>} : memref<32x768xf32, #tpu.memory_space<vmem>>, vector<1x16xf32>,
        %swap3A_458 = vector.shape_cast %swap3A_457 : vector<1x16xf32> to vector<16xf32>
        %swap3A_459 = vector.shape_cast %add3A_452 : vector<16xf32> to vector<1x16xf32>
        tpu.vector_store %arg9[%swap3A_455, %swap3A_456], %swap3A_459 {strides = array<i32>} : memref<32x768xf32, #tpu.memory_space<vmem>>, vector<1x16xf32>,
      }
      %scan3A_185 = arith.constant 48 : i32
      %get3A_186 = arith.constant 16 : index
      %get3A_187 = tpu.vector_load %arg7[%get3A_186] {strides = array<i32>} : memref<64xf32, #tpu.memory_space<vmem>>, vector<16xf32>,
      %get3A_188 = vector.shape_cast %get3A_187 : vector<16xf32> to vector<16xf32>
      %slice3A_189 = vector.extract_strided_slice %get3A_188 {offsets = [10], sizes = [1], strides = [1]} : vector<16xf32> to vector<1xf32>
      %squeeze3A_190 = vector.extract %slice3A_189[0] : f32 from vector<1xf32>
      %slice3A_191 = vector.extract_strided_slice %get3A_188 {offsets = [11], sizes = [1], strides = [1]} : vector<16xf32> to vector<1xf32>
      %squeeze3A_192 = vector.extract %slice3A_191[0] : f32 from vector<1xf32>
      %scan3A_193 = arith.constant 0 : i32
      %scan3A_194 = arith.constant 0 : i32
      %scan3A_195 = arith.constant 48 : i32
      %scan3A_196 = arith.addi %scan3A_194, %scan3A_195 : i32
      %scan3A_197 = arith.constant 1 : i32
      scf.for %scan3A_433 = %scan3A_194 to %scan3A_196 step %scan3A_197  : i32 {
        %mul3A_434 = arith.constant 16 : i32
        %mul3A_435 = arith.muli %scan3A_433, %mul3A_434 : i32
        %get3A_436 = arith.constant 26 : i32
        %get3A_437 = arith.index_cast %get3A_436 : i32 to index
        %get3A_438 = arith.index_cast %mul3A_435 : i32 to index
        %get3A_439 = tpu.vector_load %arg8[%get3A_437, %get3A_438] {strides = array<i32>} : memref<64x768xf32, #tpu.memory_space<vmem>>, vector<1x16xf32>,
        %get3A_440 = vector.shape_cast %get3A_439 : vector<1x16xf32> to vector<16xf32>
        %mul3A_441 = arith.constant 16 : i32
        %mul3A_442 = arith.muli %scan3A_433, %mul3A_441 : i32
        %get3A_443 = arith.constant 27 : i32
        %get3A_444 = arith.index_cast %get3A_443 : i32 to index
        %get3A_445 = arith.index_cast %mul3A_442 : i32 to index
        %get3A_446 = tpu.vector_load %arg8[%get3A_444, %get3A_445] {strides = array<i32>} : memref<64x768xf32, #tpu.memory_space<vmem>>, vector<1x16xf32>,
        %get3A_447 = vector.shape_cast %get3A_446 : vector<1x16xf32> to vector<16xf32>
        %mul3A_448 = vector.broadcast %squeeze3A_190 : f32 to vector<16xf32>
        %mul3A_449 = arith.mulf %get3A_440, %mul3A_448 : vector<16xf32>
        %mul3A_450 = vector.broadcast %squeeze3A_192 : f32 to vector<16xf32>
        %mul3A_451 = arith.mulf %get3A_447, %mul3A_450 : vector<16xf32>
        %add3A_452 = arith.addf %mul3A_449, %mul3A_451 : vector<16xf32>
        %mul3A_453 = arith.constant 16 : i32
        %mul3A_454 = arith.muli %scan3A_433, %mul3A_453 : i32
        %swap3A = arith.constant 13 : i32
        %swap3A_455 = arith.index_cast %swap3A : i32 to index
        %swap3A_456 = arith.index_cast %mul3A_454 : i32 to index
        %swap3A_457 = tpu.vector_load %arg9[%swap3A_455, %swap3A_456] {strides = array<i32>} : memref<32x768xf32, #tpu.memory_space<vmem>>, vector<1x16xf32>,
        %swap3A_458 = vector.shape_cast %swap3A_457 : vector<1x16xf32> to vector<16xf32>
        %swap3A_459 = vector.shape_cast %add3A_452 : vector<16xf32> to vector<1x16xf32>
        tpu.vector_store %arg9[%swap3A_455, %swap3A_456], %swap3A_459 {strides = array<i32>} : memref<32x768xf32, #tpu.memory_space<vmem>>, vector<1x16xf32>,
      }
      %scan3A_198 = arith.constant 48 : i32
      %get3A_199 = arith.constant 16 : index
      %get3A_200 = tpu.vector_load %arg7[%get3A_199] {strides = array<i32>} : memref<64xf32, #tpu.memory_space<vmem>>, vector<16xf32>,
      %get3A_201 = vector.shape_cast %get3A_200 : vector<16xf32> to vector<16xf32>
      %slice3A_202 = vector.extract_strided_slice %get3A_201 {offsets = [12], sizes = [1], strides = [1]} : vector<16xf32> to vector<1xf32>
      %squeeze3A_203 = vector.extract %slice3A_202[0] : f32 from vector<1xf32>
      %slice3A_204 = vector.extract_strided_slice %get3A_201 {offsets = [13], sizes = [1], strides = [1]} : vector<16xf32> to vector<1xf32>
      %squeeze3A_205 = vector.extract %slice3A_204[0] : f32 from vector<1xf32>
      %scan3A_206 = arith.constant 0 : i32
      %scan3A_207 = arith.constant 0 : i32
      %scan3A_208 = arith.constant 48 : i32
      %scan3A_209 = arith.addi %scan3A_207, %scan3A_208 : i32
      %scan3A_210 = arith.constant 1 : i32
      scf.for %scan3A_433 = %scan3A_207 to %scan3A_209 step %scan3A_210  : i32 {
        %mul3A_434 = arith.constant 16 : i32
        %mul3A_435 = arith.muli %scan3A_433, %mul3A_434 : i32
        %get3A_436 = arith.constant 28 : i32
        %get3A_437 = arith.index_cast %get3A_436 : i32 to index
        %get3A_438 = arith.index_cast %mul3A_435 : i32 to index
        %get3A_439 = tpu.vector_load %arg8[%get3A_437, %get3A_438] {strides = array<i32>} : memref<64x768xf32, #tpu.memory_space<vmem>>, vector<1x16xf32>,
        %get3A_440 = vector.shape_cast %get3A_439 : vector<1x16xf32> to vector<16xf32>
        %mul3A_441 = arith.constant 16 : i32
        %mul3A_442 = arith.muli %scan3A_433, %mul3A_441 : i32
        %get3A_443 = arith.constant 29 : i32
        %get3A_444 = arith.index_cast %get3A_443 : i32 to index
        %get3A_445 = arith.index_cast %mul3A_442 : i32 to index
        %get3A_446 = tpu.vector_load %arg8[%get3A_444, %get3A_445] {strides = array<i32>} : memref<64x768xf32, #tpu.memory_space<vmem>>, vector<1x16xf32>,
        %get3A_447 = vector.shape_cast %get3A_446 : vector<1x16xf32> to vector<16xf32>
        %mul3A_448 = vector.broadcast %squeeze3A_203 : f32 to vector<16xf32>
        %mul3A_449 = arith.mulf %get3A_440, %mul3A_448 : vector<16xf32>
        %mul3A_450 = vector.broadcast %squeeze3A_205 : f32 to vector<16xf32>
        %mul3A_451 = arith.mulf %get3A_447, %mul3A_450 : vector<16xf32>
        %add3A_452 = arith.addf %mul3A_449, %mul3A_451 : vector<16xf32>
        %mul3A_453 = arith.constant 16 : i32
        %mul3A_454 = arith.muli %scan3A_433, %mul3A_453 : i32
        %swap3A = arith.constant 14 : i32
        %swap3A_455 = arith.index_cast %swap3A : i32 to index
        %swap3A_456 = arith.index_cast %mul3A_454 : i32 to index
        %swap3A_457 = tpu.vector_load %arg9[%swap3A_455, %swap3A_456] {strides = array<i32>} : memref<32x768xf32, #tpu.memory_space<vmem>>, vector<1x16xf32>,
        %swap3A_458 = vector.shape_cast %swap3A_457 : vector<1x16xf32> to vector<16xf32>
        %swap3A_459 = vector.shape_cast %add3A_452 : vector<16xf32> to vector<1x16xf32>
        tpu.vector_store %arg9[%swap3A_455, %swap3A_456], %swap3A_459 {strides = array<i32>} : memref<32x768xf32, #tpu.memory_space<vmem>>, vector<1x16xf32>,
      }
      %scan3A_211 = arith.constant 48 : i32
      %get3A_212 = arith.constant 16 : index
      %get3A_213 = tpu.vector_load %arg7[%get3A_212] {strides = array<i32>} : memref<64xf32, #tpu.memory_space<vmem>>, vector<16xf32>,
      %get3A_214 = vector.shape_cast %get3A_213 : vector<16xf32> to vector<16xf32>
      %slice3A_215 = vector.extract_strided_slice %get3A_214 {offsets = [14], sizes = [1], strides = [1]} : vector<16xf32> to vector<1xf32>
      %squeeze3A_216 = vector.extract %slice3A_215[0] : f32 from vector<1xf32>
      %slice3A_217 = vector.extract_strided_slice %get3A_214 {offsets = [15], sizes = [1], strides = [1]} : vector<16xf32> to vector<1xf32>
      %squeeze3A_218 = vector.extract %slice3A_217[0] : f32 from vector<1xf32>
      %scan3A_219 = arith.constant 0 : i32
      %scan3A_220 = arith.constant 0 : i32
      %scan3A_221 = arith.constant 48 : i32
      %scan3A_222 = arith.addi %scan3A_220, %scan3A_221 : i32
      %scan3A_223 = arith.constant 1 : i32
      scf.for %scan3A_433 = %scan3A_220 to %scan3A_222 step %scan3A_223  : i32 {
        %mul3A_434 = arith.constant 16 : i32
        %mul3A_435 = arith.muli %scan3A_433, %mul3A_434 : i32
        %get3A_436 = arith.constant 30 : i32
        %get3A_437 = arith.index_cast %get3A_436 : i32 to index
        %get3A_438 = arith.index_cast %mul3A_435 : i32 to index
        %get3A_439 = tpu.vector_load %arg8[%get3A_437, %get3A_438] {strides = array<i32>} : memref<64x768xf32, #tpu.memory_space<vmem>>, vector<1x16xf32>,
        %get3A_440 = vector.shape_cast %get3A_439 : vector<1x16xf32> to vector<16xf32>
        %mul3A_441 = arith.constant 16 : i32
        %mul3A_442 = arith.muli %scan3A_433, %mul3A_441 : i32
        %get3A_443 = arith.constant 31 : i32
        %get3A_444 = arith.index_cast %get3A_443 : i32 to index
        %get3A_445 = arith.index_cast %mul3A_442 : i32 to index
        %get3A_446 = tpu.vector_load %arg8[%get3A_444, %get3A_445] {strides = array<i32>} : memref<64x768xf32, #tpu.memory_space<vmem>>, vector<1x16xf32>,
        %get3A_447 = vector.shape_cast %get3A_446 : vector<1x16xf32> to vector<16xf32>
        %mul3A_448 = vector.broadcast %squeeze3A_216 : f32 to vector<16xf32>
        %mul3A_449 = arith.mulf %get3A_440, %mul3A_448 : vector<16xf32>
        %mul3A_450 = vector.broadcast %squeeze3A_218 : f32 to vector<16xf32>
        %mul3A_451 = arith.mulf %get3A_447, %mul3A_450 : vector<16xf32>
        %add3A_452 = arith.addf %mul3A_449, %mul3A_451 : vector<16xf32>
        %mul3A_453 = arith.constant 16 : i32
        %mul3A_454 = arith.muli %scan3A_433, %mul3A_453 : i32
        %swap3A = arith.constant 15 : i32
        %swap3A_455 = arith.index_cast %swap3A : i32 to index
        %swap3A_456 = arith.index_cast %mul3A_454 : i32 to index
        %swap3A_457 = tpu.vector_load %arg9[%swap3A_455, %swap3A_456] {strides = array<i32>} : memref<32x768xf32, #tpu.memory_space<vmem>>, vector<1x16xf32>,
        %swap3A_458 = vector.shape_cast %swap3A_457 : vector<1x16xf32> to vector<16xf32>
        %swap3A_459 = vector.shape_cast %add3A_452 : vector<16xf32> to vector<1x16xf32>
        tpu.vector_store %arg9[%swap3A_455, %swap3A_456], %swap3A_459 {strides = array<i32>} : memref<32x768xf32, #tpu.memory_space<vmem>>, vector<1x16xf32>,
      }
      %scan3A_224 = arith.constant 48 : i32
      %get3A_225 = arith.constant 32 : index
      %get3A_226 = tpu.vector_load %arg7[%get3A_225] {strides = array<i32>} : memref<64xf32, #tpu.memory_space<vmem>>, vector<16xf32>,
      %get3A_227 = vector.shape_cast %get3A_226 : vector<16xf32> to vector<16xf32>
      %slice3A_228 = vector.extract_strided_slice %get3A_227 {offsets = [0], sizes = [1], strides = [1]} : vector<16xf32> to vector<1xf32>
      %squeeze3A_229 = vector.extract %slice3A_228[0] : f32 from vector<1xf32>
      %slice3A_230 = vector.extract_strided_slice %get3A_227 {offsets = [1], sizes = [1], strides = [1]} : vector<16xf32> to vector<1xf32>
      %squeeze3A_231 = vector.extract %slice3A_230[0] : f32 from vector<1xf32>
      %scan3A_232 = arith.constant 0 : i32
      %scan3A_233 = arith.constant 0 : i32
      %scan3A_234 = arith.constant 48 : i32
      %scan3A_235 = arith.addi %scan3A_233, %scan3A_234 : i32
      %scan3A_236 = arith.constant 1 : i32
      scf.for %scan3A_433 = %scan3A_233 to %scan3A_235 step %scan3A_236  : i32 {
        %mul3A_434 = arith.constant 16 : i32
        %mul3A_435 = arith.muli %scan3A_433, %mul3A_434 : i32
        %get3A_436 = arith.constant 32 : i32
        %get3A_437 = arith.index_cast %get3A_436 : i32 to index
        %get3A_438 = arith.index_cast %mul3A_435 : i32 to index
        %get3A_439 = tpu.vector_load %arg8[%get3A_437, %get3A_438] {strides = array<i32>} : memref<64x768xf32, #tpu.memory_space<vmem>>, vector<1x16xf32>,
        %get3A_440 = vector.shape_cast %get3A_439 : vector<1x16xf32> to vector<16xf32>
        %mul3A_441 = arith.constant 16 : i32
        %mul3A_442 = arith.muli %scan3A_433, %mul3A_441 : i32
        %get3A_443 = arith.constant 33 : i32
        %get3A_444 = arith.index_cast %get3A_443 : i32 to index
        %get3A_445 = arith.index_cast %mul3A_442 : i32 to index
        %get3A_446 = tpu.vector_load %arg8[%get3A_444, %get3A_445] {strides = array<i32>} : memref<64x768xf32, #tpu.memory_space<vmem>>, vector<1x16xf32>,
        %get3A_447 = vector.shape_cast %get3A_446 : vector<1x16xf32> to vector<16xf32>
        %mul3A_448 = vector.broadcast %squeeze3A_229 : f32 to vector<16xf32>
        %mul3A_449 = arith.mulf %get3A_440, %mul3A_448 : vector<16xf32>
        %mul3A_450 = vector.broadcast %squeeze3A_231 : f32 to vector<16xf32>
        %mul3A_451 = arith.mulf %get3A_447, %mul3A_450 : vector<16xf32>
        %add3A_452 = arith.addf %mul3A_449, %mul3A_451 : vector<16xf32>
        %mul3A_453 = arith.constant 16 : i32
        %mul3A_454 = arith.muli %scan3A_433, %mul3A_453 : i32
        %swap3A = arith.constant 16 : i32
        %swap3A_455 = arith.index_cast %swap3A : i32 to index
        %swap3A_456 = arith.index_cast %mul3A_454 : i32 to index
        %swap3A_457 = tpu.vector_load %arg9[%swap3A_455, %swap3A_456] {strides = array<i32>} : memref<32x768xf32, #tpu.memory_space<vmem>>, vector<1x16xf32>,
        %swap3A_458 = vector.shape_cast %swap3A_457 : vector<1x16xf32> to vector<16xf32>
        %swap3A_459 = vector.shape_cast %add3A_452 : vector<16xf32> to vector<1x16xf32>
        tpu.vector_store %arg9[%swap3A_455, %swap3A_456], %swap3A_459 {strides = array<i32>} : memref<32x768xf32, #tpu.memory_space<vmem>>, vector<1x16xf32>,
      }
      %scan3A_237 = arith.constant 48 : i32
      %get3A_238 = arith.constant 32 : index
      %get3A_239 = tpu.vector_load %arg7[%get3A_238] {strides = array<i32>} : memref<64xf32, #tpu.memory_space<vmem>>, vector<16xf32>,
      %get3A_240 = vector.shape_cast %get3A_239 : vector<16xf32> to vector<16xf32>
      %slice3A_241 = vector.extract_strided_slice %get3A_240 {offsets = [2], sizes = [1], strides = [1]} : vector<16xf32> to vector<1xf32>
      %squeeze3A_242 = vector.extract %slice3A_241[0] : f32 from vector<1xf32>
      %slice3A_243 = vector.extract_strided_slice %get3A_240 {offsets = [3], sizes = [1], strides = [1]} : vector<16xf32> to vector<1xf32>
      %squeeze3A_244 = vector.extract %slice3A_243[0] : f32 from vector<1xf32>
      %scan3A_245 = arith.constant 0 : i32
      %scan3A_246 = arith.constant 0 : i32
      %scan3A_247 = arith.constant 48 : i32
      %scan3A_248 = arith.addi %scan3A_246, %scan3A_247 : i32
      %scan3A_249 = arith.constant 1 : i32
      scf.for %scan3A_433 = %scan3A_246 to %scan3A_248 step %scan3A_249  : i32 {
        %mul3A_434 = arith.constant 16 : i32
        %mul3A_435 = arith.muli %scan3A_433, %mul3A_434 : i32
        %get3A_436 = arith.constant 34 : i32
        %get3A_437 = arith.index_cast %get3A_436 : i32 to index
        %get3A_438 = arith.index_cast %mul3A_435 : i32 to index
        %get3A_439 = tpu.vector_load %arg8[%get3A_437, %get3A_438] {strides = array<i32>} : memref<64x768xf32, #tpu.memory_space<vmem>>, vector<1x16xf32>,
        %get3A_440 = vector.shape_cast %get3A_439 : vector<1x16xf32> to vector<16xf32>
        %mul3A_441 = arith.constant 16 : i32
        %mul3A_442 = arith.muli %scan3A_433, %mul3A_441 : i32
        %get3A_443 = arith.constant 35 : i32
        %get3A_444 = arith.index_cast %get3A_443 : i32 to index
        %get3A_445 = arith.index_cast %mul3A_442 : i32 to index
        %get3A_446 = tpu.vector_load %arg8[%get3A_444, %get3A_445] {strides = array<i32>} : memref<64x768xf32, #tpu.memory_space<vmem>>, vector<1x16xf32>,
        %get3A_447 = vector.shape_cast %get3A_446 : vector<1x16xf32> to vector<16xf32>
        %mul3A_448 = vector.broadcast %squeeze3A_242 : f32 to vector<16xf32>
        %mul3A_449 = arith.mulf %get3A_440, %mul3A_448 : vector<16xf32>
        %mul3A_450 = vector.broadcast %squeeze3A_244 : f32 to vector<16xf32>
        %mul3A_451 = arith.mulf %get3A_447, %mul3A_450 : vector<16xf32>
        %add3A_452 = arith.addf %mul3A_449, %mul3A_451 : vector<16xf32>
        %mul3A_453 = arith.constant 16 : i32
        %mul3A_454 = arith.muli %scan3A_433, %mul3A_453 : i32
        %swap3A = arith.constant 17 : i32
        %swap3A_455 = arith.index_cast %swap3A : i32 to index
        %swap3A_456 = arith.index_cast %mul3A_454 : i32 to index
        %swap3A_457 = tpu.vector_load %arg9[%swap3A_455, %swap3A_456] {strides = array<i32>} : memref<32x768xf32, #tpu.memory_space<vmem>>, vector<1x16xf32>,
        %swap3A_458 = vector.shape_cast %swap3A_457 : vector<1x16xf32> to vector<16xf32>
        %swap3A_459 = vector.shape_cast %add3A_452 : vector<16xf32> to vector<1x16xf32>
        tpu.vector_store %arg9[%swap3A_455, %swap3A_456], %swap3A_459 {strides = array<i32>} : memref<32x768xf32, #tpu.memory_space<vmem>>, vector<1x16xf32>,
      }
      %scan3A_250 = arith.constant 48 : i32
      %get3A_251 = arith.constant 32 : index
      %get3A_252 = tpu.vector_load %arg7[%get3A_251] {strides = array<i32>} : memref<64xf32, #tpu.memory_space<vmem>>, vector<16xf32>,
      %get3A_253 = vector.shape_cast %get3A_252 : vector<16xf32> to vector<16xf32>
      %slice3A_254 = vector.extract_strided_slice %get3A_253 {offsets = [4], sizes = [1], strides = [1]} : vector<16xf32> to vector<1xf32>
      %squeeze3A_255 = vector.extract %slice3A_254[0] : f32 from vector<1xf32>
      %slice3A_256 = vector.extract_strided_slice %get3A_253 {offsets = [5], sizes = [1], strides = [1]} : vector<16xf32> to vector<1xf32>
      %squeeze3A_257 = vector.extract %slice3A_256[0] : f32 from vector<1xf32>
      %scan3A_258 = arith.constant 0 : i32
      %scan3A_259 = arith.constant 0 : i32
      %scan3A_260 = arith.constant 48 : i32
      %scan3A_261 = arith.addi %scan3A_259, %scan3A_260 : i32
      %scan3A_262 = arith.constant 1 : i32
      scf.for %scan3A_433 = %scan3A_259 to %scan3A_261 step %scan3A_262  : i32 {
        %mul3A_434 = arith.constant 16 : i32
        %mul3A_435 = arith.muli %scan3A_433, %mul3A_434 : i32
        %get3A_436 = arith.constant 36 : i32
        %get3A_437 = arith.index_cast %get3A_436 : i32 to index
        %get3A_438 = arith.index_cast %mul3A_435 : i32 to index
        %get3A_439 = tpu.vector_load %arg8[%get3A_437, %get3A_438] {strides = array<i32>} : memref<64x768xf32, #tpu.memory_space<vmem>>, vector<1x16xf32>,
        %get3A_440 = vector.shape_cast %get3A_439 : vector<1x16xf32> to vector<16xf32>
        %mul3A_441 = arith.constant 16 : i32
        %mul3A_442 = arith.muli %scan3A_433, %mul3A_441 : i32
        %get3A_443 = arith.constant 37 : i32
        %get3A_444 = arith.index_cast %get3A_443 : i32 to index
        %get3A_445 = arith.index_cast %mul3A_442 : i32 to index
        %get3A_446 = tpu.vector_load %arg8[%get3A_444, %get3A_445] {strides = array<i32>} : memref<64x768xf32, #tpu.memory_space<vmem>>, vector<1x16xf32>,
        %get3A_447 = vector.shape_cast %get3A_446 : vector<1x16xf32> to vector<16xf32>
        %mul3A_448 = vector.broadcast %squeeze3A_255 : f32 to vector<16xf32>
        %mul3A_449 = arith.mulf %get3A_440, %mul3A_448 : vector<16xf32>
        %mul3A_450 = vector.broadcast %squeeze3A_257 : f32 to vector<16xf32>
        %mul3A_451 = arith.mulf %get3A_447, %mul3A_450 : vector<16xf32>
        %add3A_452 = arith.addf %mul3A_449, %mul3A_451 : vector<16xf32>
        %mul3A_453 = arith.constant 16 : i32
        %mul3A_454 = arith.muli %scan3A_433, %mul3A_453 : i32
        %swap3A = arith.constant 18 : i32
        %swap3A_455 = arith.index_cast %swap3A : i32 to index
        %swap3A_456 = arith.index_cast %mul3A_454 : i32 to index
        %swap3A_457 = tpu.vector_load %arg9[%swap3A_455, %swap3A_456] {strides = array<i32>} : memref<32x768xf32, #tpu.memory_space<vmem>>, vector<1x16xf32>,
        %swap3A_458 = vector.shape_cast %swap3A_457 : vector<1x16xf32> to vector<16xf32>
        %swap3A_459 = vector.shape_cast %add3A_452 : vector<16xf32> to vector<1x16xf32>
        tpu.vector_store %arg9[%swap3A_455, %swap3A_456], %swap3A_459 {strides = array<i32>} : memref<32x768xf32, #tpu.memory_space<vmem>>, vector<1x16xf32>,
      }
      %scan3A_263 = arith.constant 48 : i32
      %get3A_264 = arith.constant 32 : index
      %get3A_265 = tpu.vector_load %arg7[%get3A_264] {strides = array<i32>} : memref<64xf32, #tpu.memory_space<vmem>>, vector<16xf32>,
      %get3A_266 = vector.shape_cast %get3A_265 : vector<16xf32> to vector<16xf32>
      %slice3A_267 = vector.extract_strided_slice %get3A_266 {offsets = [6], sizes = [1], strides = [1]} : vector<16xf32> to vector<1xf32>
      %squeeze3A_268 = vector.extract %slice3A_267[0] : f32 from vector<1xf32>
      %slice3A_269 = vector.extract_strided_slice %get3A_266 {offsets = [7], sizes = [1], strides = [1]} : vector<16xf32> to vector<1xf32>
      %squeeze3A_270 = vector.extract %slice3A_269[0] : f32 from vector<1xf32>
      %scan3A_271 = arith.constant 0 : i32
      %scan3A_272 = arith.constant 0 : i32
      %scan3A_273 = arith.constant 48 : i32
      %scan3A_274 = arith.addi %scan3A_272, %scan3A_273 : i32
      %scan3A_275 = arith.constant 1 : i32
      scf.for %scan3A_433 = %scan3A_272 to %scan3A_274 step %scan3A_275  : i32 {
        %mul3A_434 = arith.constant 16 : i32
        %mul3A_435 = arith.muli %scan3A_433, %mul3A_434 : i32
        %get3A_436 = arith.constant 38 : i32
        %get3A_437 = arith.index_cast %get3A_436 : i32 to index
        %get3A_438 = arith.index_cast %mul3A_435 : i32 to index
        %get3A_439 = tpu.vector_load %arg8[%get3A_437, %get3A_438] {strides = array<i32>} : memref<64x768xf32, #tpu.memory_space<vmem>>, vector<1x16xf32>,
        %get3A_440 = vector.shape_cast %get3A_439 : vector<1x16xf32> to vector<16xf32>
        %mul3A_441 = arith.constant 16 : i32
        %mul3A_442 = arith.muli %scan3A_433, %mul3A_441 : i32
        %get3A_443 = arith.constant 39 : i32
        %get3A_444 = arith.index_cast %get3A_443 : i32 to index
        %get3A_445 = arith.index_cast %mul3A_442 : i32 to index
        %get3A_446 = tpu.vector_load %arg8[%get3A_444, %get3A_445] {strides = array<i32>} : memref<64x768xf32, #tpu.memory_space<vmem>>, vector<1x16xf32>,
        %get3A_447 = vector.shape_cast %get3A_446 : vector<1x16xf32> to vector<16xf32>
        %mul3A_448 = vector.broadcast %squeeze3A_268 : f32 to vector<16xf32>
        %mul3A_449 = arith.mulf %get3A_440, %mul3A_448 : vector<16xf32>
        %mul3A_450 = vector.broadcast %squeeze3A_270 : f32 to vector<16xf32>
        %mul3A_451 = arith.mulf %get3A_447, %mul3A_450 : vector<16xf32>
        %add3A_452 = arith.addf %mul3A_449, %mul3A_451 : vector<16xf32>
        %mul3A_453 = arith.constant 16 : i32
        %mul3A_454 = arith.muli %scan3A_433, %mul3A_453 : i32
        %swap3A = arith.constant 19 : i32
        %swap3A_455 = arith.index_cast %swap3A : i32 to index
        %swap3A_456 = arith.index_cast %mul3A_454 : i32 to index
        %swap3A_457 = tpu.vector_load %arg9[%swap3A_455, %swap3A_456] {strides = array<i32>} : memref<32x768xf32, #tpu.memory_space<vmem>>, vector<1x16xf32>,
        %swap3A_458 = vector.shape_cast %swap3A_457 : vector<1x16xf32> to vector<16xf32>
        %swap3A_459 = vector.shape_cast %add3A_452 : vector<16xf32> to vector<1x16xf32>
        tpu.vector_store %arg9[%swap3A_455, %swap3A_456], %swap3A_459 {strides = array<i32>} : memref<32x768xf32, #tpu.memory_space<vmem>>, vector<1x16xf32>,
      }
      %scan3A_276 = arith.constant 48 : i32
      %get3A_277 = arith.constant 32 : index
      %get3A_278 = tpu.vector_load %arg7[%get3A_277] {strides = array<i32>} : memref<64xf32, #tpu.memory_space<vmem>>, vector<16xf32>,
      %get3A_279 = vector.shape_cast %get3A_278 : vector<16xf32> to vector<16xf32>
      %slice3A_280 = vector.extract_strided_slice %get3A_279 {offsets = [8], sizes = [1], strides = [1]} : vector<16xf32> to vector<1xf32>
      %squeeze3A_281 = vector.extract %slice3A_280[0] : f32 from vector<1xf32>
      %slice3A_282 = vector.extract_strided_slice %get3A_279 {offsets = [9], sizes = [1], strides = [1]} : vector<16xf32> to vector<1xf32>
      %squeeze3A_283 = vector.extract %slice3A_282[0] : f32 from vector<1xf32>
      %scan3A_284 = arith.constant 0 : i32
      %scan3A_285 = arith.constant 0 : i32
      %scan3A_286 = arith.constant 48 : i32
      %scan3A_287 = arith.addi %scan3A_285, %scan3A_286 : i32
      %scan3A_288 = arith.constant 1 : i32
      scf.for %scan3A_433 = %scan3A_285 to %scan3A_287 step %scan3A_288  : i32 {
        %mul3A_434 = arith.constant 16 : i32
        %mul3A_435 = arith.muli %scan3A_433, %mul3A_434 : i32
        %get3A_436 = arith.constant 40 : i32
        %get3A_437 = arith.index_cast %get3A_436 : i32 to index
        %get3A_438 = arith.index_cast %mul3A_435 : i32 to index
        %get3A_439 = tpu.vector_load %arg8[%get3A_437, %get3A_438] {strides = array<i32>} : memref<64x768xf32, #tpu.memory_space<vmem>>, vector<1x16xf32>,
        %get3A_440 = vector.shape_cast %get3A_439 : vector<1x16xf32> to vector<16xf32>
        %mul3A_441 = arith.constant 16 : i32
        %mul3A_442 = arith.muli %scan3A_433, %mul3A_441 : i32
        %get3A_443 = arith.constant 41 : i32
        %get3A_444 = arith.index_cast %get3A_443 : i32 to index
        %get3A_445 = arith.index_cast %mul3A_442 : i32 to index
        %get3A_446 = tpu.vector_load %arg8[%get3A_444, %get3A_445] {strides = array<i32>} : memref<64x768xf32, #tpu.memory_space<vmem>>, vector<1x16xf32>,
        %get3A_447 = vector.shape_cast %get3A_446 : vector<1x16xf32> to vector<16xf32>
        %mul3A_448 = vector.broadcast %squeeze3A_281 : f32 to vector<16xf32>
        %mul3A_449 = arith.mulf %get3A_440, %mul3A_448 : vector<16xf32>
        %mul3A_450 = vector.broadcast %squeeze3A_283 : f32 to vector<16xf32>
        %mul3A_451 = arith.mulf %get3A_447, %mul3A_450 : vector<16xf32>
        %add3A_452 = arith.addf %mul3A_449, %mul3A_451 : vector<16xf32>
        %mul3A_453 = arith.constant 16 : i32
        %mul3A_454 = arith.muli %scan3A_433, %mul3A_453 : i32
        %swap3A = arith.constant 20 : i32
        %swap3A_455 = arith.index_cast %swap3A : i32 to index
        %swap3A_456 = arith.index_cast %mul3A_454 : i32 to index
        %swap3A_457 = tpu.vector_load %arg9[%swap3A_455, %swap3A_456] {strides = array<i32>} : memref<32x768xf32, #tpu.memory_space<vmem>>, vector<1x16xf32>,
        %swap3A_458 = vector.shape_cast %swap3A_457 : vector<1x16xf32> to vector<16xf32>
        %swap3A_459 = vector.shape_cast %add3A_452 : vector<16xf32> to vector<1x16xf32>
        tpu.vector_store %arg9[%swap3A_455, %swap3A_456], %swap3A_459 {strides = array<i32>} : memref<32x768xf32, #tpu.memory_space<vmem>>, vector<1x16xf32>,
      }
      %scan3A_289 = arith.constant 48 : i32
      %get3A_290 = arith.constant 32 : index
      %get3A_291 = tpu.vector_load %arg7[%get3A_290] {strides = array<i32>} : memref<64xf32, #tpu.memory_space<vmem>>, vector<16xf32>,
      %get3A_292 = vector.shape_cast %get3A_291 : vector<16xf32> to vector<16xf32>
      %slice3A_293 = vector.extract_strided_slice %get3A_292 {offsets = [10], sizes = [1], strides = [1]} : vector<16xf32> to vector<1xf32>
      %squeeze3A_294 = vector.extract %slice3A_293[0] : f32 from vector<1xf32>
      %slice3A_295 = vector.extract_strided_slice %get3A_292 {offsets = [11], sizes = [1], strides = [1]} : vector<16xf32> to vector<1xf32>
      %squeeze3A_296 = vector.extract %slice3A_295[0] : f32 from vector<1xf32>
      %scan3A_297 = arith.constant 0 : i32
      %scan3A_298 = arith.constant 0 : i32
      %scan3A_299 = arith.constant 48 : i32
      %scan3A_300 = arith.addi %scan3A_298, %scan3A_299 : i32
      %scan3A_301 = arith.constant 1 : i32
      scf.for %scan3A_433 = %scan3A_298 to %scan3A_300 step %scan3A_301  : i32 {
        %mul3A_434 = arith.constant 16 : i32
        %mul3A_435 = arith.muli %scan3A_433, %mul3A_434 : i32
        %get3A_436 = arith.constant 42 : i32
        %get3A_437 = arith.index_cast %get3A_436 : i32 to index
        %get3A_438 = arith.index_cast %mul3A_435 : i32 to index
        %get3A_439 = tpu.vector_load %arg8[%get3A_437, %get3A_438] {strides = array<i32>} : memref<64x768xf32, #tpu.memory_space<vmem>>, vector<1x16xf32>,
        %get3A_440 = vector.shape_cast %get3A_439 : vector<1x16xf32> to vector<16xf32>
        %mul3A_441 = arith.constant 16 : i32
        %mul3A_442 = arith.muli %scan3A_433, %mul3A_441 : i32
        %get3A_443 = arith.constant 43 : i32
        %get3A_444 = arith.index_cast %get3A_443 : i32 to index
        %get3A_445 = arith.index_cast %mul3A_442 : i32 to index
        %get3A_446 = tpu.vector_load %arg8[%get3A_444, %get3A_445] {strides = array<i32>} : memref<64x768xf32, #tpu.memory_space<vmem>>, vector<1x16xf32>,
        %get3A_447 = vector.shape_cast %get3A_446 : vector<1x16xf32> to vector<16xf32>
        %mul3A_448 = vector.broadcast %squeeze3A_294 : f32 to vector<16xf32>
        %mul3A_449 = arith.mulf %get3A_440, %mul3A_448 : vector<16xf32>
        %mul3A_450 = vector.broadcast %squeeze3A_296 : f32 to vector<16xf32>
        %mul3A_451 = arith.mulf %get3A_447, %mul3A_450 : vector<16xf32>
        %add3A_452 = arith.addf %mul3A_449, %mul3A_451 : vector<16xf32>
        %mul3A_453 = arith.constant 16 : i32
        %mul3A_454 = arith.muli %scan3A_433, %mul3A_453 : i32
        %swap3A = arith.constant 21 : i32
        %swap3A_455 = arith.index_cast %swap3A : i32 to index
        %swap3A_456 = arith.index_cast %mul3A_454 : i32 to index
        %swap3A_457 = tpu.vector_load %arg9[%swap3A_455, %swap3A_456] {strides = array<i32>} : memref<32x768xf32, #tpu.memory_space<vmem>>, vector<1x16xf32>,
        %swap3A_458 = vector.shape_cast %swap3A_457 : vector<1x16xf32> to vector<16xf32>
        %swap3A_459 = vector.shape_cast %add3A_452 : vector<16xf32> to vector<1x16xf32>
        tpu.vector_store %arg9[%swap3A_455, %swap3A_456], %swap3A_459 {strides = array<i32>} : memref<32x768xf32, #tpu.memory_space<vmem>>, vector<1x16xf32>,
      }
      %scan3A_302 = arith.constant 48 : i32
      %get3A_303 = arith.constant 32 : index
      %get3A_304 = tpu.vector_load %arg7[%get3A_303] {strides = array<i32>} : memref<64xf32, #tpu.memory_space<vmem>>, vector<16xf32>,
      %get3A_305 = vector.shape_cast %get3A_304 : vector<16xf32> to vector<16xf32>
      %slice3A_306 = vector.extract_strided_slice %get3A_305 {offsets = [12], sizes = [1], strides = [1]} : vector<16xf32> to vector<1xf32>
      %squeeze3A_307 = vector.extract %slice3A_306[0] : f32 from vector<1xf32>
      %slice3A_308 = vector.extract_strided_slice %get3A_305 {offsets = [13], sizes = [1], strides = [1]} : vector<16xf32> to vector<1xf32>
      %squeeze3A_309 = vector.extract %slice3A_308[0] : f32 from vector<1xf32>
      %scan3A_310 = arith.constant 0 : i32
      %scan3A_311 = arith.constant 0 : i32
      %scan3A_312 = arith.constant 48 : i32
      %scan3A_313 = arith.addi %scan3A_311, %scan3A_312 : i32
      %scan3A_314 = arith.constant 1 : i32
      scf.for %scan3A_433 = %scan3A_311 to %scan3A_313 step %scan3A_314  : i32 {
        %mul3A_434 = arith.constant 16 : i32
        %mul3A_435 = arith.muli %scan3A_433, %mul3A_434 : i32
        %get3A_436 = arith.constant 44 : i32
        %get3A_437 = arith.index_cast %get3A_436 : i32 to index
        %get3A_438 = arith.index_cast %mul3A_435 : i32 to index
        %get3A_439 = tpu.vector_load %arg8[%get3A_437, %get3A_438] {strides = array<i32>} : memref<64x768xf32, #tpu.memory_space<vmem>>, vector<1x16xf32>,
        %get3A_440 = vector.shape_cast %get3A_439 : vector<1x16xf32> to vector<16xf32>
        %mul3A_441 = arith.constant 16 : i32
        %mul3A_442 = arith.muli %scan3A_433, %mul3A_441 : i32
        %get3A_443 = arith.constant 45 : i32
        %get3A_444 = arith.index_cast %get3A_443 : i32 to index
        %get3A_445 = arith.index_cast %mul3A_442 : i32 to index
        %get3A_446 = tpu.vector_load %arg8[%get3A_444, %get3A_445] {strides = array<i32>} : memref<64x768xf32, #tpu.memory_space<vmem>>, vector<1x16xf32>,
        %get3A_447 = vector.shape_cast %get3A_446 : vector<1x16xf32> to vector<16xf32>
        %mul3A_448 = vector.broadcast %squeeze3A_307 : f32 to vector<16xf32>
        %mul3A_449 = arith.mulf %get3A_440, %mul3A_448 : vector<16xf32>
        %mul3A_450 = vector.broadcast %squeeze3A_309 : f32 to vector<16xf32>
        %mul3A_451 = arith.mulf %get3A_447, %mul3A_450 : vector<16xf32>
        %add3A_452 = arith.addf %mul3A_449, %mul3A_451 : vector<16xf32>
        %mul3A_453 = arith.constant 16 : i32
        %mul3A_454 = arith.muli %scan3A_433, %mul3A_453 : i32
        %swap3A = arith.constant 22 : i32
        %swap3A_455 = arith.index_cast %swap3A : i32 to index
        %swap3A_456 = arith.index_cast %mul3A_454 : i32 to index
        %swap3A_457 = tpu.vector_load %arg9[%swap3A_455, %swap3A_456] {strides = array<i32>} : memref<32x768xf32, #tpu.memory_space<vmem>>, vector<1x16xf32>,
        %swap3A_458 = vector.shape_cast %swap3A_457 : vector<1x16xf32> to vector<16xf32>
        %swap3A_459 = vector.shape_cast %add3A_452 : vector<16xf32> to vector<1x16xf32>
        tpu.vector_store %arg9[%swap3A_455, %swap3A_456], %swap3A_459 {strides = array<i32>} : memref<32x768xf32, #tpu.memory_space<vmem>>, vector<1x16xf32>,
      }
      %scan3A_315 = arith.constant 48 : i32
      %get3A_316 = arith.constant 32 : index
      %get3A_317 = tpu.vector_load %arg7[%get3A_316] {strides = array<i32>} : memref<64xf32, #tpu.memory_space<vmem>>, vector<16xf32>,
      %get3A_318 = vector.shape_cast %get3A_317 : vector<16xf32> to vector<16xf32>
      %slice3A_319 = vector.extract_strided_slice %get3A_318 {offsets = [14], sizes = [1], strides = [1]} : vector<16xf32> to vector<1xf32>
      %squeeze3A_320 = vector.extract %slice3A_319[0] : f32 from vector<1xf32>
      %slice3A_321 = vector.extract_strided_slice %get3A_318 {offsets = [15], sizes = [1], strides = [1]} : vector<16xf32> to vector<1xf32>
      %squeeze3A_322 = vector.extract %slice3A_321[0] : f32 from vector<1xf32>
      %scan3A_323 = arith.constant 0 : i32
      %scan3A_324 = arith.constant 0 : i32
      %scan3A_325 = arith.constant 48 : i32
      %scan3A_326 = arith.addi %scan3A_324, %scan3A_325 : i32
      %scan3A_327 = arith.constant 1 : i32
      scf.for %scan3A_433 = %scan3A_324 to %scan3A_326 step %scan3A_327  : i32 {
        %mul3A_434 = arith.constant 16 : i32
        %mul3A_435 = arith.muli %scan3A_433, %mul3A_434 : i32
        %get3A_436 = arith.constant 46 : i32
        %get3A_437 = arith.index_cast %get3A_436 : i32 to index
        %get3A_438 = arith.index_cast %mul3A_435 : i32 to index
        %get3A_439 = tpu.vector_load %arg8[%get3A_437, %get3A_438] {strides = array<i32>} : memref<64x768xf32, #tpu.memory_space<vmem>>, vector<1x16xf32>,
        %get3A_440 = vector.shape_cast %get3A_439 : vector<1x16xf32> to vector<16xf32>
        %mul3A_441 = arith.constant 16 : i32
        %mul3A_442 = arith.muli %scan3A_433, %mul3A_441 : i32
        %get3A_443 = arith.constant 47 : i32
        %get3A_444 = arith.index_cast %get3A_443 : i32 to index
        %get3A_445 = arith.index_cast %mul3A_442 : i32 to index
        %get3A_446 = tpu.vector_load %arg8[%get3A_444, %get3A_445] {strides = array<i32>} : memref<64x768xf32, #tpu.memory_space<vmem>>, vector<1x16xf32>,
        %get3A_447 = vector.shape_cast %get3A_446 : vector<1x16xf32> to vector<16xf32>
        %mul3A_448 = vector.broadcast %squeeze3A_320 : f32 to vector<16xf32>
        %mul3A_449 = arith.mulf %get3A_440, %mul3A_448 : vector<16xf32>
        %mul3A_450 = vector.broadcast %squeeze3A_322 : f32 to vector<16xf32>
        %mul3A_451 = arith.mulf %get3A_447, %mul3A_450 : vector<16xf32>
        %add3A_452 = arith.addf %mul3A_449, %mul3A_451 : vector<16xf32>
        %mul3A_453 = arith.constant 16 : i32
        %mul3A_454 = arith.muli %scan3A_433, %mul3A_453 : i32
        %swap3A = arith.constant 23 : i32
        %swap3A_455 = arith.index_cast %swap3A : i32 to index
        %swap3A_456 = arith.index_cast %mul3A_454 : i32 to index
        %swap3A_457 = tpu.vector_load %arg9[%swap3A_455, %swap3A_456] {strides = array<i32>} : memref<32x768xf32, #tpu.memory_space<vmem>>, vector<1x16xf32>,
        %swap3A_458 = vector.shape_cast %swap3A_457 : vector<1x16xf32> to vector<16xf32>
        %swap3A_459 = vector.shape_cast %add3A_452 : vector<16xf32> to vector<1x16xf32>
        tpu.vector_store %arg9[%swap3A_455, %swap3A_456], %swap3A_459 {strides = array<i32>} : memref<32x768xf32, #tpu.memory_space<vmem>>, vector<1x16xf32>,
      }
      %scan3A_328 = arith.constant 48 : i32
      %get3A_329 = arith.constant 48 : index
      %get3A_330 = tpu.vector_load %arg7[%get3A_329] {strides = array<i32>} : memref<64xf32, #tpu.memory_space<vmem>>, vector<16xf32>,
      %get3A_331 = vector.shape_cast %get3A_330 : vector<16xf32> to vector<16xf32>
      %slice3A_332 = vector.extract_strided_slice %get3A_331 {offsets = [0], sizes = [1], strides = [1]} : vector<16xf32> to vector<1xf32>
      %squeeze3A_333 = vector.extract %slice3A_332[0] : f32 from vector<1xf32>
      %slice3A_334 = vector.extract_strided_slice %get3A_331 {offsets = [1], sizes = [1], strides = [1]} : vector<16xf32> to vector<1xf32>
      %squeeze3A_335 = vector.extract %slice3A_334[0] : f32 from vector<1xf32>
      %scan3A_336 = arith.constant 0 : i32
      %scan3A_337 = arith.constant 0 : i32
      %scan3A_338 = arith.constant 48 : i32
      %scan3A_339 = arith.addi %scan3A_337, %scan3A_338 : i32
      %scan3A_340 = arith.constant 1 : i32
      scf.for %scan3A_433 = %scan3A_337 to %scan3A_339 step %scan3A_340  : i32 {
        %mul3A_434 = arith.constant 16 : i32
        %mul3A_435 = arith.muli %scan3A_433, %mul3A_434 : i32
        %get3A_436 = arith.constant 48 : i32
        %get3A_437 = arith.index_cast %get3A_436 : i32 to index
        %get3A_438 = arith.index_cast %mul3A_435 : i32 to index
        %get3A_439 = tpu.vector_load %arg8[%get3A_437, %get3A_438] {strides = array<i32>} : memref<64x768xf32, #tpu.memory_space<vmem>>, vector<1x16xf32>,
        %get3A_440 = vector.shape_cast %get3A_439 : vector<1x16xf32> to vector<16xf32>
        %mul3A_441 = arith.constant 16 : i32
        %mul3A_442 = arith.muli %scan3A_433, %mul3A_441 : i32
        %get3A_443 = arith.constant 49 : i32
        %get3A_444 = arith.index_cast %get3A_443 : i32 to index
        %get3A_445 = arith.index_cast %mul3A_442 : i32 to index
        %get3A_446 = tpu.vector_load %arg8[%get3A_444, %get3A_445] {strides = array<i32>} : memref<64x768xf32, #tpu.memory_space<vmem>>, vector<1x16xf32>,
        %get3A_447 = vector.shape_cast %get3A_446 : vector<1x16xf32> to vector<16xf32>
        %mul3A_448 = vector.broadcast %squeeze3A_333 : f32 to vector<16xf32>
        %mul3A_449 = arith.mulf %get3A_440, %mul3A_448 : vector<16xf32>
        %mul3A_450 = vector.broadcast %squeeze3A_335 : f32 to vector<16xf32>
        %mul3A_451 = arith.mulf %get3A_447, %mul3A_450 : vector<16xf32>
        %add3A_452 = arith.addf %mul3A_449, %mul3A_451 : vector<16xf32>
        %mul3A_453 = arith.constant 16 : i32
        %mul3A_454 = arith.muli %scan3A_433, %mul3A_453 : i32
        %swap3A = arith.constant 24 : i32
        %swap3A_455 = arith.index_cast %swap3A : i32 to index
        %swap3A_456 = arith.index_cast %mul3A_454 : i32 to index
        %swap3A_457 = tpu.vector_load %arg9[%swap3A_455, %swap3A_456] {strides = array<i32>} : memref<32x768xf32, #tpu.memory_space<vmem>>, vector<1x16xf32>,
        %swap3A_458 = vector.shape_cast %swap3A_457 : vector<1x16xf32> to vector<16xf32>
        %swap3A_459 = vector.shape_cast %add3A_452 : vector<16xf32> to vector<1x16xf32>
        tpu.vector_store %arg9[%swap3A_455, %swap3A_456], %swap3A_459 {strides = array<i32>} : memref<32x768xf32, #tpu.memory_space<vmem>>, vector<1x16xf32>,
      }
      %scan3A_341 = arith.constant 48 : i32
      %get3A_342 = arith.constant 48 : index
      %get3A_343 = tpu.vector_load %arg7[%get3A_342] {strides = array<i32>} : memref<64xf32, #tpu.memory_space<vmem>>, vector<16xf32>,
      %get3A_344 = vector.shape_cast %get3A_343 : vector<16xf32> to vector<16xf32>
      %slice3A_345 = vector.extract_strided_slice %get3A_344 {offsets = [2], sizes = [1], strides = [1]} : vector<16xf32> to vector<1xf32>
      %squeeze3A_346 = vector.extract %slice3A_345[0] : f32 from vector<1xf32>
      %slice3A_347 = vector.extract_strided_slice %get3A_344 {offsets = [3], sizes = [1], strides = [1]} : vector<16xf32> to vector<1xf32>
      %squeeze3A_348 = vector.extract %slice3A_347[0] : f32 from vector<1xf32>
      %scan3A_349 = arith.constant 0 : i32
      %scan3A_350 = arith.constant 0 : i32
      %scan3A_351 = arith.constant 48 : i32
      %scan3A_352 = arith.addi %scan3A_350, %scan3A_351 : i32
      %scan3A_353 = arith.constant 1 : i32
      scf.for %scan3A_433 = %scan3A_350 to %scan3A_352 step %scan3A_353  : i32 {
        %mul3A_434 = arith.constant 16 : i32
        %mul3A_435 = arith.muli %scan3A_433, %mul3A_434 : i32
        %get3A_436 = arith.constant 50 : i32
        %get3A_437 = arith.index_cast %get3A_436 : i32 to index
        %get3A_438 = arith.index_cast %mul3A_435 : i32 to index
        %get3A_439 = tpu.vector_load %arg8[%get3A_437, %get3A_438] {strides = array<i32>} : memref<64x768xf32, #tpu.memory_space<vmem>>, vector<1x16xf32>,
        %get3A_440 = vector.shape_cast %get3A_439 : vector<1x16xf32> to vector<16xf32>
        %mul3A_441 = arith.constant 16 : i32
        %mul3A_442 = arith.muli %scan3A_433, %mul3A_441 : i32
        %get3A_443 = arith.constant 51 : i32
        %get3A_444 = arith.index_cast %get3A_443 : i32 to index
        %get3A_445 = arith.index_cast %mul3A_442 : i32 to index
        %get3A_446 = tpu.vector_load %arg8[%get3A_444, %get3A_445] {strides = array<i32>} : memref<64x768xf32, #tpu.memory_space<vmem>>, vector<1x16xf32>,
        %get3A_447 = vector.shape_cast %get3A_446 : vector<1x16xf32> to vector<16xf32>
        %mul3A_448 = vector.broadcast %squeeze3A_346 : f32 to vector<16xf32>
        %mul3A_449 = arith.mulf %get3A_440, %mul3A_448 : vector<16xf32>
        %mul3A_450 = vector.broadcast %squeeze3A_348 : f32 to vector<16xf32>
        %mul3A_451 = arith.mulf %get3A_447, %mul3A_450 : vector<16xf32>
        %add3A_452 = arith.addf %mul3A_449, %mul3A_451 : vector<16xf32>
        %mul3A_453 = arith.constant 16 : i32
        %mul3A_454 = arith.muli %scan3A_433, %mul3A_453 : i32
        %swap3A = arith.constant 25 : i32
        %swap3A_455 = arith.index_cast %swap3A : i32 to index
        %swap3A_456 = arith.index_cast %mul3A_454 : i32 to index
        %swap3A_457 = tpu.vector_load %arg9[%swap3A_455, %swap3A_456] {strides = array<i32>} : memref<32x768xf32, #tpu.memory_space<vmem>>, vector<1x16xf32>,
        %swap3A_458 = vector.shape_cast %swap3A_457 : vector<1x16xf32> to vector<16xf32>
        %swap3A_459 = vector.shape_cast %add3A_452 : vector<16xf32> to vector<1x16xf32>
        tpu.vector_store %arg9[%swap3A_455, %swap3A_456], %swap3A_459 {strides = array<i32>} : memref<32x768xf32, #tpu.memory_space<vmem>>, vector<1x16xf32>,
      }
      %scan3A_354 = arith.constant 48 : i32
      %get3A_355 = arith.constant 48 : index
      %get3A_356 = tpu.vector_load %arg7[%get3A_355] {strides = array<i32>} : memref<64xf32, #tpu.memory_space<vmem>>, vector<16xf32>,
      %get3A_357 = vector.shape_cast %get3A_356 : vector<16xf32> to vector<16xf32>
      %slice3A_358 = vector.extract_strided_slice %get3A_357 {offsets = [4], sizes = [1], strides = [1]} : vector<16xf32> to vector<1xf32>
      %squeeze3A_359 = vector.extract %slice3A_358[0] : f32 from vector<1xf32>
      %slice3A_360 = vector.extract_strided_slice %get3A_357 {offsets = [5], sizes = [1], strides = [1]} : vector<16xf32> to vector<1xf32>
      %squeeze3A_361 = vector.extract %slice3A_360[0] : f32 from vector<1xf32>
      %scan3A_362 = arith.constant 0 : i32
      %scan3A_363 = arith.constant 0 : i32
      %scan3A_364 = arith.constant 48 : i32
      %scan3A_365 = arith.addi %scan3A_363, %scan3A_364 : i32
      %scan3A_366 = arith.constant 1 : i32
      scf.for %scan3A_433 = %scan3A_363 to %scan3A_365 step %scan3A_366  : i32 {
        %mul3A_434 = arith.constant 16 : i32
        %mul3A_435 = arith.muli %scan3A_433, %mul3A_434 : i32
        %get3A_436 = arith.constant 52 : i32
        %get3A_437 = arith.index_cast %get3A_436 : i32 to index
        %get3A_438 = arith.index_cast %mul3A_435 : i32 to index
        %get3A_439 = tpu.vector_load %arg8[%get3A_437, %get3A_438] {strides = array<i32>} : memref<64x768xf32, #tpu.memory_space<vmem>>, vector<1x16xf32>,
        %get3A_440 = vector.shape_cast %get3A_439 : vector<1x16xf32> to vector<16xf32>
        %mul3A_441 = arith.constant 16 : i32
        %mul3A_442 = arith.muli %scan3A_433, %mul3A_441 : i32
        %get3A_443 = arith.constant 53 : i32
        %get3A_444 = arith.index_cast %get3A_443 : i32 to index
        %get3A_445 = arith.index_cast %mul3A_442 : i32 to index
        %get3A_446 = tpu.vector_load %arg8[%get3A_444, %get3A_445] {strides = array<i32>} : memref<64x768xf32, #tpu.memory_space<vmem>>, vector<1x16xf32>,
        %get3A_447 = vector.shape_cast %get3A_446 : vector<1x16xf32> to vector<16xf32>
        %mul3A_448 = vector.broadcast %squeeze3A_359 : f32 to vector<16xf32>
        %mul3A_449 = arith.mulf %get3A_440, %mul3A_448 : vector<16xf32>
        %mul3A_450 = vector.broadcast %squeeze3A_361 : f32 to vector<16xf32>
        %mul3A_451 = arith.mulf %get3A_447, %mul3A_450 : vector<16xf32>
        %add3A_452 = arith.addf %mul3A_449, %mul3A_451 : vector<16xf32>
        %mul3A_453 = arith.constant 16 : i32
        %mul3A_454 = arith.muli %scan3A_433, %mul3A_453 : i32
        %swap3A = arith.constant 26 : i32
        %swap3A_455 = arith.index_cast %swap3A : i32 to index
        %swap3A_456 = arith.index_cast %mul3A_454 : i32 to index
        %swap3A_457 = tpu.vector_load %arg9[%swap3A_455, %swap3A_456] {strides = array<i32>} : memref<32x768xf32, #tpu.memory_space<vmem>>, vector<1x16xf32>,
        %swap3A_458 = vector.shape_cast %swap3A_457 : vector<1x16xf32> to vector<16xf32>
        %swap3A_459 = vector.shape_cast %add3A_452 : vector<16xf32> to vector<1x16xf32>
        tpu.vector_store %arg9[%swap3A_455, %swap3A_456], %swap3A_459 {strides = array<i32>} : memref<32x768xf32, #tpu.memory_space<vmem>>, vector<1x16xf32>,
      }
      %scan3A_367 = arith.constant 48 : i32
      %get3A_368 = arith.constant 48 : index
      %get3A_369 = tpu.vector_load %arg7[%get3A_368] {strides = array<i32>} : memref<64xf32, #tpu.memory_space<vmem>>, vector<16xf32>,
      %get3A_370 = vector.shape_cast %get3A_369 : vector<16xf32> to vector<16xf32>
      %slice3A_371 = vector.extract_strided_slice %get3A_370 {offsets = [6], sizes = [1], strides = [1]} : vector<16xf32> to vector<1xf32>
      %squeeze3A_372 = vector.extract %slice3A_371[0] : f32 from vector<1xf32>
      %slice3A_373 = vector.extract_strided_slice %get3A_370 {offsets = [7], sizes = [1], strides = [1]} : vector<16xf32> to vector<1xf32>
      %squeeze3A_374 = vector.extract %slice3A_373[0] : f32 from vector<1xf32>
      %scan3A_375 = arith.constant 0 : i32
      %scan3A_376 = arith.constant 0 : i32
      %scan3A_377 = arith.constant 48 : i32
      %scan3A_378 = arith.addi %scan3A_376, %scan3A_377 : i32
      %scan3A_379 = arith.constant 1 : i32
      scf.for %scan3A_433 = %scan3A_376 to %scan3A_378 step %scan3A_379  : i32 {
        %mul3A_434 = arith.constant 16 : i32
        %mul3A_435 = arith.muli %scan3A_433, %mul3A_434 : i32
        %get3A_436 = arith.constant 54 : i32
        %get3A_437 = arith.index_cast %get3A_436 : i32 to index
        %get3A_438 = arith.index_cast %mul3A_435 : i32 to index
        %get3A_439 = tpu.vector_load %arg8[%get3A_437, %get3A_438] {strides = array<i32>} : memref<64x768xf32, #tpu.memory_space<vmem>>, vector<1x16xf32>,
        %get3A_440 = vector.shape_cast %get3A_439 : vector<1x16xf32> to vector<16xf32>
        %mul3A_441 = arith.constant 16 : i32
        %mul3A_442 = arith.muli %scan3A_433, %mul3A_441 : i32
        %get3A_443 = arith.constant 55 : i32
        %get3A_444 = arith.index_cast %get3A_443 : i32 to index
        %get3A_445 = arith.index_cast %mul3A_442 : i32 to index
        %get3A_446 = tpu.vector_load %arg8[%get3A_444, %get3A_445] {strides = array<i32>} : memref<64x768xf32, #tpu.memory_space<vmem>>, vector<1x16xf32>,
        %get3A_447 = vector.shape_cast %get3A_446 : vector<1x16xf32> to vector<16xf32>
        %mul3A_448 = vector.broadcast %squeeze3A_372 : f32 to vector<16xf32>
        %mul3A_449 = arith.mulf %get3A_440, %mul3A_448 : vector<16xf32>
        %mul3A_450 = vector.broadcast %squeeze3A_374 : f32 to vector<16xf32>
        %mul3A_451 = arith.mulf %get3A_447, %mul3A_450 : vector<16xf32>
        %add3A_452 = arith.addf %mul3A_449, %mul3A_451 : vector<16xf32>
        %mul3A_453 = arith.constant 16 : i32
        %mul3A_454 = arith.muli %scan3A_433, %mul3A_453 : i32
        %swap3A = arith.constant 27 : i32
        %swap3A_455 = arith.index_cast %swap3A : i32 to index
        %swap3A_456 = arith.index_cast %mul3A_454 : i32 to index
        %swap3A_457 = tpu.vector_load %arg9[%swap3A_455, %swap3A_456] {strides = array<i32>} : memref<32x768xf32, #tpu.memory_space<vmem>>, vector<1x16xf32>,
        %swap3A_458 = vector.shape_cast %swap3A_457 : vector<1x16xf32> to vector<16xf32>
        %swap3A_459 = vector.shape_cast %add3A_452 : vector<16xf32> to vector<1x16xf32>
        tpu.vector_store %arg9[%swap3A_455, %swap3A_456], %swap3A_459 {strides = array<i32>} : memref<32x768xf32, #tpu.memory_space<vmem>>, vector<1x16xf32>,
      }
      %scan3A_380 = arith.constant 48 : i32
      %get3A_381 = arith.constant 48 : index
      %get3A_382 = tpu.vector_load %arg7[%get3A_381] {strides = array<i32>} : memref<64xf32, #tpu.memory_space<vmem>>, vector<16xf32>,
      %get3A_383 = vector.shape_cast %get3A_382 : vector<16xf32> to vector<16xf32>
      %slice3A_384 = vector.extract_strided_slice %get3A_383 {offsets = [8], sizes = [1], strides = [1]} : vector<16xf32> to vector<1xf32>
      %squeeze3A_385 = vector.extract %slice3A_384[0] : f32 from vector<1xf32>
      %slice3A_386 = vector.extract_strided_slice %get3A_383 {offsets = [9], sizes = [1], strides = [1]} : vector<16xf32> to vector<1xf32>
      %squeeze3A_387 = vector.extract %slice3A_386[0] : f32 from vector<1xf32>
      %scan3A_388 = arith.constant 0 : i32
      %scan3A_389 = arith.constant 0 : i32
      %scan3A_390 = arith.constant 48 : i32
      %scan3A_391 = arith.addi %scan3A_389, %scan3A_390 : i32
      %scan3A_392 = arith.constant 1 : i32
      scf.for %scan3A_433 = %scan3A_389 to %scan3A_391 step %scan3A_392  : i32 {
        %mul3A_434 = arith.constant 16 : i32
        %mul3A_435 = arith.muli %scan3A_433, %mul3A_434 : i32
        %get3A_436 = arith.constant 56 : i32
        %get3A_437 = arith.index_cast %get3A_436 : i32 to index
        %get3A_438 = arith.index_cast %mul3A_435 : i32 to index
        %get3A_439 = tpu.vector_load %arg8[%get3A_437, %get3A_438] {strides = array<i32>} : memref<64x768xf32, #tpu.memory_space<vmem>>, vector<1x16xf32>,
        %get3A_440 = vector.shape_cast %get3A_439 : vector<1x16xf32> to vector<16xf32>
        %mul3A_441 = arith.constant 16 : i32
        %mul3A_442 = arith.muli %scan3A_433, %mul3A_441 : i32
        %get3A_443 = arith.constant 57 : i32
        %get3A_444 = arith.index_cast %get3A_443 : i32 to index
        %get3A_445 = arith.index_cast %mul3A_442 : i32 to index
        %get3A_446 = tpu.vector_load %arg8[%get3A_444, %get3A_445] {strides = array<i32>} : memref<64x768xf32, #tpu.memory_space<vmem>>, vector<1x16xf32>,
        %get3A_447 = vector.shape_cast %get3A_446 : vector<1x16xf32> to vector<16xf32>
        %mul3A_448 = vector.broadcast %squeeze3A_385 : f32 to vector<16xf32>
        %mul3A_449 = arith.mulf %get3A_440, %mul3A_448 : vector<16xf32>
        %mul3A_450 = vector.broadcast %squeeze3A_387 : f32 to vector<16xf32>
        %mul3A_451 = arith.mulf %get3A_447, %mul3A_450 : vector<16xf32>
        %add3A_452 = arith.addf %mul3A_449, %mul3A_451 : vector<16xf32>
        %mul3A_453 = arith.constant 16 : i32
        %mul3A_454 = arith.muli %scan3A_433, %mul3A_453 : i32
        %swap3A = arith.constant 28 : i32
        %swap3A_455 = arith.index_cast %swap3A : i32 to index
        %swap3A_456 = arith.index_cast %mul3A_454 : i32 to index
        %swap3A_457 = tpu.vector_load %arg9[%swap3A_455, %swap3A_456] {strides = array<i32>} : memref<32x768xf32, #tpu.memory_space<vmem>>, vector<1x16xf32>,
        %swap3A_458 = vector.shape_cast %swap3A_457 : vector<1x16xf32> to vector<16xf32>
        %swap3A_459 = vector.shape_cast %add3A_452 : vector<16xf32> to vector<1x16xf32>
        tpu.vector_store %arg9[%swap3A_455, %swap3A_456], %swap3A_459 {strides = array<i32>} : memref<32x768xf32, #tpu.memory_space<vmem>>, vector<1x16xf32>,
      }
      %scan3A_393 = arith.constant 48 : i32
      %get3A_394 = arith.constant 48 : index
      %get3A_395 = tpu.vector_load %arg7[%get3A_394] {strides = array<i32>} : memref<64xf32, #tpu.memory_space<vmem>>, vector<16xf32>,
      %get3A_396 = vector.shape_cast %get3A_395 : vector<16xf32> to vector<16xf32>
      %slice3A_397 = vector.extract_strided_slice %get3A_396 {offsets = [10], sizes = [1], strides = [1]} : vector<16xf32> to vector<1xf32>
      %squeeze3A_398 = vector.extract %slice3A_397[0] : f32 from vector<1xf32>
      %slice3A_399 = vector.extract_strided_slice %get3A_396 {offsets = [11], sizes = [1], strides = [1]} : vector<16xf32> to vector<1xf32>
      %squeeze3A_400 = vector.extract %slice3A_399[0] : f32 from vector<1xf32>
      %scan3A_401 = arith.constant 0 : i32
      %scan3A_402 = arith.constant 0 : i32
      %scan3A_403 = arith.constant 48 : i32
      %scan3A_404 = arith.addi %scan3A_402, %scan3A_403 : i32
      %scan3A_405 = arith.constant 1 : i32
      scf.for %scan3A_433 = %scan3A_402 to %scan3A_404 step %scan3A_405  : i32 {
        %mul3A_434 = arith.constant 16 : i32
        %mul3A_435 = arith.muli %scan3A_433, %mul3A_434 : i32
        %get3A_436 = arith.constant 58 : i32
        %get3A_437 = arith.index_cast %get3A_436 : i32 to index
        %get3A_438 = arith.index_cast %mul3A_435 : i32 to index
        %get3A_439 = tpu.vector_load %arg8[%get3A_437, %get3A_438] {strides = array<i32>} : memref<64x768xf32, #tpu.memory_space<vmem>>, vector<1x16xf32>,
        %get3A_440 = vector.shape_cast %get3A_439 : vector<1x16xf32> to vector<16xf32>
        %mul3A_441 = arith.constant 16 : i32
        %mul3A_442 = arith.muli %scan3A_433, %mul3A_441 : i32
        %get3A_443 = arith.constant 59 : i32
        %get3A_444 = arith.index_cast %get3A_443 : i32 to index
        %get3A_445 = arith.index_cast %mul3A_442 : i32 to index
        %get3A_446 = tpu.vector_load %arg8[%get3A_444, %get3A_445] {strides = array<i32>} : memref<64x768xf32, #tpu.memory_space<vmem>>, vector<1x16xf32>,
        %get3A_447 = vector.shape_cast %get3A_446 : vector<1x16xf32> to vector<16xf32>
        %mul3A_448 = vector.broadcast %squeeze3A_398 : f32 to vector<16xf32>
        %mul3A_449 = arith.mulf %get3A_440, %mul3A_448 : vector<16xf32>
        %mul3A_450 = vector.broadcast %squeeze3A_400 : f32 to vector<16xf32>
        %mul3A_451 = arith.mulf %get3A_447, %mul3A_450 : vector<16xf32>
        %add3A_452 = arith.addf %mul3A_449, %mul3A_451 : vector<16xf32>
        %mul3A_453 = arith.constant 16 : i32
        %mul3A_454 = arith.muli %scan3A_433, %mul3A_453 : i32
        %swap3A = arith.constant 29 : i32
        %swap3A_455 = arith.index_cast %swap3A : i32 to index
        %swap3A_456 = arith.index_cast %mul3A_454 : i32 to index
        %swap3A_457 = tpu.vector_load %arg9[%swap3A_455, %swap3A_456] {strides = array<i32>} : memref<32x768xf32, #tpu.memory_space<vmem>>, vector<1x16xf32>,
        %swap3A_458 = vector.shape_cast %swap3A_457 : vector<1x16xf32> to vector<16xf32>
        %swap3A_459 = vector.shape_cast %add3A_452 : vector<16xf32> to vector<1x16xf32>
        tpu.vector_store %arg9[%swap3A_455, %swap3A_456], %swap3A_459 {strides = array<i32>} : memref<32x768xf32, #tpu.memory_space<vmem>>, vector<1x16xf32>,
      }
      %scan3A_406 = arith.constant 48 : i32
      %get3A_407 = arith.constant 48 : index
      %get3A_408 = tpu.vector_load %arg7[%get3A_407] {strides = array<i32>} : memref<64xf32, #tpu.memory_space<vmem>>, vector<16xf32>,
      %get3A_409 = vector.shape_cast %get3A_408 : vector<16xf32> to vector<16xf32>
      %slice3A_410 = vector.extract_strided_slice %get3A_409 {offsets = [12], sizes = [1], strides = [1]} : vector<16xf32> to vector<1xf32>
      %squeeze3A_411 = vector.extract %slice3A_410[0] : f32 from vector<1xf32>
      %slice3A_412 = vector.extract_strided_slice %get3A_409 {offsets = [13], sizes = [1], strides = [1]} : vector<16xf32> to vector<1xf32>
      %squeeze3A_413 = vector.extract %slice3A_412[0] : f32 from vector<1xf32>
      %scan3A_414 = arith.constant 0 : i32
      %scan3A_415 = arith.constant 0 : i32
      %scan3A_416 = arith.constant 48 : i32
      %scan3A_417 = arith.addi %scan3A_415, %scan3A_416 : i32
      %scan3A_418 = arith.constant 1 : i32
      scf.for %scan3A_433 = %scan3A_415 to %scan3A_417 step %scan3A_418  : i32 {
        %mul3A_434 = arith.constant 16 : i32
        %mul3A_435 = arith.muli %scan3A_433, %mul3A_434 : i32
        %get3A_436 = arith.constant 60 : i32
        %get3A_437 = arith.index_cast %get3A_436 : i32 to index
        %get3A_438 = arith.index_cast %mul3A_435 : i32 to index
        %get3A_439 = tpu.vector_load %arg8[%get3A_437, %get3A_438] {strides = array<i32>} : memref<64x768xf32, #tpu.memory_space<vmem>>, vector<1x16xf32>,
        %get3A_440 = vector.shape_cast %get3A_439 : vector<1x16xf32> to vector<16xf32>
        %mul3A_441 = arith.constant 16 : i32
        %mul3A_442 = arith.muli %scan3A_433, %mul3A_441 : i32
        %get3A_443 = arith.constant 61 : i32
        %get3A_444 = arith.index_cast %get3A_443 : i32 to index
        %get3A_445 = arith.index_cast %mul3A_442 : i32 to index
        %get3A_446 = tpu.vector_load %arg8[%get3A_444, %get3A_445] {strides = array<i32>} : memref<64x768xf32, #tpu.memory_space<vmem>>, vector<1x16xf32>,
        %get3A_447 = vector.shape_cast %get3A_446 : vector<1x16xf32> to vector<16xf32>
        %mul3A_448 = vector.broadcast %squeeze3A_411 : f32 to vector<16xf32>
        %mul3A_449 = arith.mulf %get3A_440, %mul3A_448 : vector<16xf32>
        %mul3A_450 = vector.broadcast %squeeze3A_413 : f32 to vector<16xf32>
        %mul3A_451 = arith.mulf %get3A_447, %mul3A_450 : vector<16xf32>
        %add3A_452 = arith.addf %mul3A_449, %mul3A_451 : vector<16xf32>
        %mul3A_453 = arith.constant 16 : i32
        %mul3A_454 = arith.muli %scan3A_433, %mul3A_453 : i32
        %swap3A = arith.constant 30 : i32
        %swap3A_455 = arith.index_cast %swap3A : i32 to index
        %swap3A_456 = arith.index_cast %mul3A_454 : i32 to index
        %swap3A_457 = tpu.vector_load %arg9[%swap3A_455, %swap3A_456] {strides = array<i32>} : memref<32x768xf32, #tpu.memory_space<vmem>>, vector<1x16xf32>,
        %swap3A_458 = vector.shape_cast %swap3A_457 : vector<1x16xf32> to vector<16xf32>
        %swap3A_459 = vector.shape_cast %add3A_452 : vector<16xf32> to vector<1x16xf32>
        tpu.vector_store %arg9[%swap3A_455, %swap3A_456], %swap3A_459 {strides = array<i32>} : memref<32x768xf32, #tpu.memory_space<vmem>>, vector<1x16xf32>,
      }
      %scan3A_419 = arith.constant 48 : i32
      %get3A_420 = arith.constant 48 : index
      %get3A_421 = tpu.vector_load %arg7[%get3A_420] {strides = array<i32>} : memref<64xf32, #tpu.memory_space<vmem>>, vector<16xf32>,
      %get3A_422 = vector.shape_cast %get3A_421 : vector<16xf32> to vector<16xf32>
      %slice3A_423 = vector.extract_strided_slice %get3A_422 {offsets = [14], sizes = [1], strides = [1]} : vector<16xf32> to vector<1xf32>
      %squeeze3A_424 = vector.extract %slice3A_423[0] : f32 from vector<1xf32>
      %slice3A_425 = vector.extract_strided_slice %get3A_422 {offsets = [15], sizes = [1], strides = [1]} : vector<16xf32> to vector<1xf32>
      %squeeze3A_426 = vector.extract %slice3A_425[0] : f32 from vector<1xf32>
      %scan3A_427 = arith.constant 0 : i32
      %scan3A_428 = arith.constant 0 : i32
      %scan3A_429 = arith.constant 48 : i32
      %scan3A_430 = arith.addi %scan3A_428, %scan3A_429 : i32
      %scan3A_431 = arith.constant 1 : i32
      scf.for %scan3A_433 = %scan3A_428 to %scan3A_430 step %scan3A_431  : i32 {
        %mul3A_434 = arith.constant 16 : i32
        %mul3A_435 = arith.muli %scan3A_433, %mul3A_434 : i32
        %get3A_436 = arith.constant 62 : i32
        %get3A_437 = arith.index_cast %get3A_436 : i32 to index
        %get3A_438 = arith.index_cast %mul3A_435 : i32 to index
        %get3A_439 = tpu.vector_load %arg8[%get3A_437, %get3A_438] {strides = array<i32>} : memref<64x768xf32, #tpu.memory_space<vmem>>, vector<1x16xf32>,
        %get3A_440 = vector.shape_cast %get3A_439 : vector<1x16xf32> to vector<16xf32>
        %mul3A_441 = arith.constant 16 : i32
        %mul3A_442 = arith.muli %scan3A_433, %mul3A_441 : i32
        %get3A_443 = arith.constant 63 : i32
        %get3A_444 = arith.index_cast %get3A_443 : i32 to index
        %get3A_445 = arith.index_cast %mul3A_442 : i32 to index
        %get3A_446 = tpu.vector_load %arg8[%get3A_444, %get3A_445] {strides = array<i32>} : memref<64x768xf32, #tpu.memory_space<vmem>>, vector<1x16xf32>,
        %get3A_447 = vector.shape_cast %get3A_446 : vector<1x16xf32> to vector<16xf32>
        %mul3A_448 = vector.broadcast %squeeze3A_424 : f32 to vector<16xf32>
        %mul3A_449 = arith.mulf %get3A_440, %mul3A_448 : vector<16xf32>
        %mul3A_450 = vector.broadcast %squeeze3A_426 : f32 to vector<16xf32>
        %mul3A_451 = arith.mulf %get3A_447, %mul3A_450 : vector<16xf32>
        %add3A_452 = arith.addf %mul3A_449, %mul3A_451 : vector<16xf32>
        %mul3A_453 = arith.constant 16 : i32
        %mul3A_454 = arith.muli %scan3A_433, %mul3A_453 : i32
        %swap3A = arith.constant 31 : i32
        %swap3A_455 = arith.index_cast %swap3A : i32 to index
        %swap3A_456 = arith.index_cast %mul3A_454 : i32 to index
        %swap3A_457 = tpu.vector_load %arg9[%swap3A_455, %swap3A_456] {strides = array<i32>} : memref<32x768xf32, #tpu.memory_space<vmem>>, vector<1x16xf32>,
        %swap3A_458 = vector.shape_cast %swap3A_457 : vector<1x16xf32> to vector<16xf32>
        %swap3A_459 = vector.shape_cast %add3A_452 : vector<16xf32> to vector<1x16xf32>
        tpu.vector_store %arg9[%swap3A_455, %swap3A_456], %swap3A_459 {strides = array<i32>} : memref<32x768xf32, #tpu.memory_space<vmem>>, vector<1x16xf32>,
      }
      %scan3A_432 = arith.constant 48 : i32
      "tpu.region"() ({
        %run_scoped3A = tpu.sem_alloc : memref<!tpu.dma_semaphore, #tpu.memory_space<semaphore_mem>>
        %dma_start3A_433 = arith.constant 0 : i32
        %dma_start3A_434 = tpu.memref_slice %arg5[%add3A_11, %dma_start3A_433] : memref<8192x768xf32, #tpu.memory_space<hbm>> -> memref<32x768xf32, #tpu.memory_space<hbm>>
        %dma_start3A_435 = arith.constant 0 : i32
        %dma_start3A_436 = tpu.memref_slice %arg5[%add3A_11, %dma_start3A_435] : memref<8192x768xf32, #tpu.memory_space<hbm>> -> memref<32x768xf32, #tpu.memory_space<hbm>>
        tpu.enqueue_dma source(%arg9 : memref<32x768xf32, #tpu.memory_space<vmem>>) target(%dma_start3A_436 : memref<32x768xf32, #tpu.memory_space<hbm>>) target_semaphore(%run_scoped3A : memref<!tpu.dma_semaphore, #tpu.memory_space<semaphore_mem>>)
        %dma_wait3A_437 = arith.constant 0 : i32
        %dma_wait3A_438 = tpu.memref_slice %arg5[%add3A_11, %dma_wait3A_437] : memref<8192x768xf32, #tpu.memory_space<hbm>> -> memref<32x768xf32, #tpu.memory_space<hbm>>
        %dma_wait3A_439 = arith.constant 0 : i32
        %dma_wait3A_440 = tpu.memref_slice %arg5[%add3A_11, %dma_wait3A_439] : memref<8192x768xf32, #tpu.memory_space<hbm>> -> memref<32x768xf32, #tpu.memory_space<hbm>>
        tpu.wait_dma2 semaphore(%run_scoped3A : memref<!tpu.dma_semaphore, #tpu.memory_space<semaphore_mem>>) src(%arg9 : memref<32x768xf32, #tpu.memory_space<vmem>>) dst(%dma_wait3A_440 : memref<32x768xf32, #tpu.memory_space<hbm>>)
        tpu.yield
      }) : () -> ()
    }
    %scan3A_7 = arith.constant 8 : i32
    return
  }
}

module attributes {stable_mosaic.version = 14 : i64} {
  func.func @_router_body(%arg0: i32, %arg1: i32, %arg2: memref<1x1024x768xf32, #tpu.memory_space<vmem>>, %arg3: memref<1024x8xi32, #tpu.memory_space<vmem>>, %arg4: memref<1x64x768xf32, #tpu.memory_space<vmem>>, %arg5: memref<768x768xf32, #tpu.memory_space<vmem>>, %arg6: memref<64x768xf32, #tpu.memory_space<vmem>>, %arg7: memref<1x768xf32, #tpu.memory_space<vmem>>, %arg8: memref<1x1xf32, #tpu.memory_space<vmem>>, %arg9: memref<1x1024x64xf32, #tpu.memory_space<vmem>>, %arg10: memref<1x1024x2xi32, #tpu.memory_space<vmem>>, %arg11: memref<1x1024x2xf32, #tpu.memory_space<vmem>>, %arg12: memref<1x1024x2xi32, #tpu.memory_space<vmem>>, %arg13: memref<768x768xbf16, #tpu.memory_space<vmem>>) attributes {dimension_semantics = [#tpu.dimension_semantics<arbitrary>, #tpu.dimension_semantics<arbitrary>], iteration_bounds = array<i64: 4, 2>, scalar_prefetch = 0 : i64, scratch_operands = 1 : i64, tpu.core_type = #tpu.core_type<tc>, window_params = [{transform_indices = @transform_0, window_bounds = array<i64: 1, 1024, 768>}, {transform_indices = @transform_1, window_bounds = array<i64: 1024, 8>}, {transform_indices = @transform_2, window_bounds = array<i64: 1, 64, 768>}, {pipeline_mode = #tpu.pipeline_mode<synchronous>, transform_indices = @transform_3, window_bounds = array<i64: 768, 768>}, {pipeline_mode = #tpu.pipeline_mode<synchronous>, transform_indices = @transform_4, window_bounds = array<i64: 64, 768>}, {pipeline_mode = #tpu.pipeline_mode<synchronous>, transform_indices = @transform_5, window_bounds = array<i64: 1, 768>}, {pipeline_mode = #tpu.pipeline_mode<synchronous>, transform_indices = @transform_6, window_bounds = array<i64: 1, 1>}, {transform_indices = @transform_7, window_bounds = array<i64: 1, 1024, 64>}, {transform_indices = @transform_8, window_bounds = array<i64: 1, 1024, 2>}, {transform_indices = @transform_9, window_bounds = array<i64: 1, 1024, 2>}, {transform_indices = @transform_10, window_bounds = array<i64: 1, 1024, 2>}]} {
    %eq3A = arith.constant 0 : i32
    %eq3A_0 = arith.cmpi eq, %arg0, %eq3A : i32
    %eq3A_1 = arith.constant 0 : i32
    %eq3A_2 = arith.cmpi eq, %arg1, %eq3A_1 : i32
    %and3A = arith.andi %eq3A_0, %eq3A_2 : i1
    %convert_element_type3A = arith.extui %and3A : i1 to i32
    %cond3A = arith.constant 0 : i32
    %cond3A_3 = arith.cmpi ne, %convert_element_type3A, %cond3A : i32
    scf.if %cond3A_3 {
      %get3A_157 = arith.constant 0 : index
      %get3A_158 = arith.constant 0 : index
      %get3A_159 = vector.load %arg5[%get3A_157, %get3A_158] : memref<768x768xf32, #tpu.memory_space<vmem>>, vector<768x768xf32>
      %convert_element_type3A_160 = arith.truncf %get3A_159 : vector<768x768xf32> to vector<768x768xbf16>
      %swap3A_161 = arith.constant 0 : index
      %swap3A_162 = arith.constant 0 : index
      %swap3A_163 = vector.load %arg13[%swap3A_161, %swap3A_162] : memref<768x768xbf16, #tpu.memory_space<vmem>>, vector<768x768xbf16>
      tpu.vector_store %arg13[%swap3A_161, %swap3A_162], %convert_element_type3A_160 {strides = array<i32>} : memref<768x768xbf16, #tpu.memory_space<vmem>>, vector<768x768xbf16>,
    } else {
    }
    %get3A = arith.constant 0 : index
    %get3A_4 = arith.constant 0 : index
    %get3A_5 = arith.constant 0 : index
    %get3A_6 = vector.load %arg2[%get3A, %get3A_4, %get3A_5] : memref<1x1024x768xf32, #tpu.memory_space<vmem>>, vector<1x1024x768xf32>
    %get3A_7 = vector.shape_cast %get3A_6 : vector<1x1024x768xf32> to vector<1024x768xf32>
    %convert_element_type3A_8 = arith.truncf %get3A_7 : vector<1024x768xf32> to vector<1024x768xbf16>
    %get3A_9 = arith.constant 0 : index
    %get3A_10 = arith.constant 0 : index
    %get3A_11 = vector.load %arg13[%get3A_9, %get3A_10] : memref<768x768xbf16, #tpu.memory_space<vmem>>, vector<768x768xbf16>
    %dot_general3A = arith.constant dense<0.000000e+00> : vector<1024x768xf32>
    %dot_general3A_12 = tpu.matmul %convert_element_type3A_8, %get3A_11, %dot_general3A {dimension_numbers = #tpu.dot_dimension_numbers<[1], [1], [0], [0], [0, 0, 1, 0], [], []>, transpose_lhs_hint = false} : vector<1024x768xbf16>, vector<768x768xbf16>, vector<1024x768xf32> -> vector<1024x768xf32>
    %get3A_13 = arith.constant 0 : index
    %get3A_14 = arith.constant 0 : index
    %get3A_15 = vector.load %arg7[%get3A_13, %get3A_14] : memref<1x768xf32, #tpu.memory_space<vmem>>, vector<1x768xf32>
    %add3A = vector.broadcast %get3A_15 : vector<1x768xf32> to vector<1024x768xf32>
    %add3A_16 = arith.addf %dot_general3A_12, %add3A : vector<1024x768xf32>
    %convert_element_type3A_17 = arith.truncf %add3A_16 : vector<1024x768xf32> to vector<1024x768xbf16>
    %get3A_18 = arith.constant 0 : index
    %get3A_19 = arith.constant 0 : index
    %get3A_20 = vector.load %arg6[%get3A_18, %get3A_19] : memref<64x768xf32, #tpu.memory_space<vmem>>, vector<64x768xf32>
    %convert_element_type3A_21 = arith.truncf %get3A_20 : vector<64x768xf32> to vector<64x768xbf16>
    %dot_general3A_22 = arith.constant dense<0.000000e+00> : vector<1024x64xf32>
    %dot_general3A_23 = tpu.matmul %convert_element_type3A_17, %convert_element_type3A_21, %dot_general3A_22 {dimension_numbers = #tpu.dot_dimension_numbers<[1], [1], [0], [0], [0, 0, 1, 0], [], []>, transpose_lhs_hint = false} : vector<1024x768xbf16>, vector<64x768xbf16>, vector<1024x64xf32> -> vector<1024x64xf32>
    %mul3A = arith.constant 0.0360843912 : f32
    %mul3A_24 = vector.broadcast %mul3A : f32 to vector<1024x64xf32>
    %mul3A_25 = arith.mulf %dot_general3A_23, %mul3A_24 : vector<1024x64xf32>
    %iota3A = tpu.iota {dimensions = array<i32: 1>} : vector<1024x64xi32>
    %get3A_26 = arith.constant 0 : index
    %get3A_27 = arith.constant 0 : index
    %get3A_28 = vector.load %arg3[%get3A_26, %get3A_27] : memref<1024x8xi32, #tpu.memory_space<vmem>>, vector<1024x8xi32>
    %broadcast_in_dim3A = arith.constant false
    %broadcast_in_dim3A_29 = vector.broadcast %broadcast_in_dim3A : i1 to vector<1024x64xi1>
    %slice3A = vector.extract_strided_slice %get3A_28 {offsets = [0, 0], sizes = [1024, 1], strides = [1, 1]} : vector<1024x8xi32> to vector<1024x1xi32>
    %squeeze3A = vector.shape_cast %slice3A : vector<1024x1xi32> to vector<1024xi32>
    %broadcast_in_dim3A_30 = vector.shape_cast %squeeze3A : vector<1024xi32> to vector<1024x1xi32>
    %eq3A_31 = vector.broadcast %broadcast_in_dim3A_30 : vector<1024x1xi32> to vector<1024x64xi32>
    %eq3A_32 = arith.cmpi eq, %iota3A, %eq3A_31 : vector<1024x64xi32>
    %or3A = arith.ori %broadcast_in_dim3A_29, %eq3A_32 : vector<1024x64xi1>
    %slice3A_33 = vector.extract_strided_slice %get3A_28 {offsets = [0, 1], sizes = [1024, 1], strides = [1, 1]} : vector<1024x8xi32> to vector<1024x1xi32>
    %squeeze3A_34 = vector.shape_cast %slice3A_33 : vector<1024x1xi32> to vector<1024xi32>
    %broadcast_in_dim3A_35 = vector.shape_cast %squeeze3A_34 : vector<1024xi32> to vector<1024x1xi32>
    %eq3A_36 = vector.broadcast %broadcast_in_dim3A_35 : vector<1024x1xi32> to vector<1024x64xi32>
    %eq3A_37 = arith.cmpi eq, %iota3A, %eq3A_36 : vector<1024x64xi32>
    %or3A_38 = arith.ori %or3A, %eq3A_37 : vector<1024x64xi1>
    %slice3A_39 = vector.extract_strided_slice %get3A_28 {offsets = [0, 2], sizes = [1024, 1], strides = [1, 1]} : vector<1024x8xi32> to vector<1024x1xi32>
    %squeeze3A_40 = vector.shape_cast %slice3A_39 : vector<1024x1xi32> to vector<1024xi32>
    %broadcast_in_dim3A_41 = vector.shape_cast %squeeze3A_40 : vector<1024xi32> to vector<1024x1xi32>
    %eq3A_42 = vector.broadcast %broadcast_in_dim3A_41 : vector<1024x1xi32> to vector<1024x64xi32>
    %eq3A_43 = arith.cmpi eq, %iota3A, %eq3A_42 : vector<1024x64xi32>
    %or3A_44 = arith.ori %or3A_38, %eq3A_43 : vector<1024x64xi1>
    %slice3A_45 = vector.extract_strided_slice %get3A_28 {offsets = [0, 3], sizes = [1024, 1], strides = [1, 1]} : vector<1024x8xi32> to vector<1024x1xi32>
    %squeeze3A_46 = vector.shape_cast %slice3A_45 : vector<1024x1xi32> to vector<1024xi32>
    %broadcast_in_dim3A_47 = vector.shape_cast %squeeze3A_46 : vector<1024xi32> to vector<1024x1xi32>
    %eq3A_48 = vector.broadcast %broadcast_in_dim3A_47 : vector<1024x1xi32> to vector<1024x64xi32>
    %eq3A_49 = arith.cmpi eq, %iota3A, %eq3A_48 : vector<1024x64xi32>
    %or3A_50 = arith.ori %or3A_44, %eq3A_49 : vector<1024x64xi1>
    %slice3A_51 = vector.extract_strided_slice %get3A_28 {offsets = [0, 4], sizes = [1024, 1], strides = [1, 1]} : vector<1024x8xi32> to vector<1024x1xi32>
    %squeeze3A_52 = vector.shape_cast %slice3A_51 : vector<1024x1xi32> to vector<1024xi32>
    %broadcast_in_dim3A_53 = vector.shape_cast %squeeze3A_52 : vector<1024xi32> to vector<1024x1xi32>
    %eq3A_54 = vector.broadcast %broadcast_in_dim3A_53 : vector<1024x1xi32> to vector<1024x64xi32>
    %eq3A_55 = arith.cmpi eq, %iota3A, %eq3A_54 : vector<1024x64xi32>
    %or3A_56 = arith.ori %or3A_50, %eq3A_55 : vector<1024x64xi1>
    %slice3A_57 = vector.extract_strided_slice %get3A_28 {offsets = [0, 5], sizes = [1024, 1], strides = [1, 1]} : vector<1024x8xi32> to vector<1024x1xi32>
    %squeeze3A_58 = vector.shape_cast %slice3A_57 : vector<1024x1xi32> to vector<1024xi32>
    %broadcast_in_dim3A_59 = vector.shape_cast %squeeze3A_58 : vector<1024xi32> to vector<1024x1xi32>
    %eq3A_60 = vector.broadcast %broadcast_in_dim3A_59 : vector<1024x1xi32> to vector<1024x64xi32>
    %eq3A_61 = arith.cmpi eq, %iota3A, %eq3A_60 : vector<1024x64xi32>
    %or3A_62 = arith.ori %or3A_56, %eq3A_61 : vector<1024x64xi1>
    %slice3A_63 = vector.extract_strided_slice %get3A_28 {offsets = [0, 6], sizes = [1024, 1], strides = [1, 1]} : vector<1024x8xi32> to vector<1024x1xi32>
    %squeeze3A_64 = vector.shape_cast %slice3A_63 : vector<1024x1xi32> to vector<1024xi32>
    %broadcast_in_dim3A_65 = vector.shape_cast %squeeze3A_64 : vector<1024xi32> to vector<1024x1xi32>
    %eq3A_66 = vector.broadcast %broadcast_in_dim3A_65 : vector<1024x1xi32> to vector<1024x64xi32>
    %eq3A_67 = arith.cmpi eq, %iota3A, %eq3A_66 : vector<1024x64xi32>
    %or3A_68 = arith.ori %or3A_62, %eq3A_67 : vector<1024x64xi1>
    %slice3A_69 = vector.extract_strided_slice %get3A_28 {offsets = [0, 7], sizes = [1024, 1], strides = [1, 1]} : vector<1024x8xi32> to vector<1024x1xi32>
    %squeeze3A_70 = vector.shape_cast %slice3A_69 : vector<1024x1xi32> to vector<1024xi32>
    %broadcast_in_dim3A_71 = vector.shape_cast %squeeze3A_70 : vector<1024xi32> to vector<1024x1xi32>
    %eq3A_72 = vector.broadcast %broadcast_in_dim3A_71 : vector<1024x1xi32> to vector<1024x64xi32>
    %eq3A_73 = arith.cmpi eq, %iota3A, %eq3A_72 : vector<1024x64xi32>
    %or3A_74 = arith.ori %or3A_68, %eq3A_73 : vector<1024x64xi1>
    %jit3A = arith.constant -1.000000e+09 : f32
    %broadcast_in_dim3A_75 = vector.broadcast %jit3A : f32 to vector<1024x64xf32>
    %select_n3A = arith.select %or3A_74, %mul3A_25, %broadcast_in_dim3A_75 : vector<1024x64xi1>, vector<1024x64xf32>
    %reduce_max3A = arith.constant dense<0xFF800000> : vector<1024xf32>
    %reduce_max3A_76 = vector.multi_reduction <maximumf>, %select_n3A, %reduce_max3A [1] : vector<1024x64xf32> to vector<1024xf32>
    %broadcast_in_dim3A_77 = vector.shape_cast %reduce_max3A_76 : vector<1024xf32> to vector<1024x1xf32>
    %eq3A_78 = vector.broadcast %broadcast_in_dim3A_77 : vector<1024x1xf32> to vector<1024x64xf32>
    %eq3A_79 = arith.cmpf oeq, %select_n3A, %eq3A_78 : vector<1024x64xf32>
    %jit3A_80 = arith.constant 64 : i32
    %broadcast_in_dim3A_81 = vector.broadcast %jit3A_80 : i32 to vector<1024x64xi32>
    %select_n3A_82 = arith.select %eq3A_79, %iota3A, %broadcast_in_dim3A_81 : vector<1024x64xi1>, vector<1024x64xi32>
    %reduce_min3A = arith.constant dense<2147483647> : vector<1024xi32>
    %reduce_min3A_83 = vector.multi_reduction <minsi>, %select_n3A_82, %reduce_min3A [1] : vector<1024x64xi32> to vector<1024xi32>
    %broadcast_in_dim3A_84 = vector.shape_cast %reduce_min3A_83 : vector<1024xi32> to vector<1024x1xi32>
    %eq3A_85 = vector.broadcast %broadcast_in_dim3A_84 : vector<1024x1xi32> to vector<1024x64xi32>
    %eq3A_86 = arith.cmpi eq, %iota3A, %eq3A_85 : vector<1024x64xi32>
    %jit3A_87 = arith.constant 0xFF800000 : f32
    %broadcast_in_dim3A_88 = vector.broadcast %jit3A_87 : f32 to vector<1024x64xf32>
    %select_n3A_89 = arith.select %eq3A_86, %broadcast_in_dim3A_88, %select_n3A : vector<1024x64xi1>, vector<1024x64xf32>
    %reduce_max3A_90 = arith.constant dense<0xFF800000> : vector<1024xf32>
    %reduce_max3A_91 = vector.multi_reduction <maximumf>, %select_n3A_89, %reduce_max3A_90 [1] : vector<1024x64xf32> to vector<1024xf32>
    %broadcast_in_dim3A_92 = vector.shape_cast %reduce_max3A_91 : vector<1024xf32> to vector<1024x1xf32>
    %eq3A_93 = vector.broadcast %broadcast_in_dim3A_92 : vector<1024x1xf32> to vector<1024x64xf32>
    %eq3A_94 = arith.cmpf oeq, %select_n3A_89, %eq3A_93 : vector<1024x64xf32>
    %jit3A_95 = arith.constant 64 : i32
    %broadcast_in_dim3A_96 = vector.broadcast %jit3A_95 : i32 to vector<1024x64xi32>
    %select_n3A_97 = arith.select %eq3A_94, %iota3A, %broadcast_in_dim3A_96 : vector<1024x64xi1>, vector<1024x64xi32>
    %reduce_min3A_98 = arith.constant dense<2147483647> : vector<1024xi32>
    %reduce_min3A_99 = vector.multi_reduction <minsi>, %select_n3A_97, %reduce_min3A_98 [1] : vector<1024x64xi32> to vector<1024xi32>
    %broadcast_in_dim3A_100 = vector.shape_cast %reduce_min3A_99 : vector<1024xi32> to vector<1024x1xi32>
    %eq3A_101 = vector.broadcast %broadcast_in_dim3A_100 : vector<1024x1xi32> to vector<1024x64xi32>
    %eq3A_102 = arith.cmpi eq, %iota3A, %eq3A_101 : vector<1024x64xi32>
    %get3A_103 = arith.constant 0 : index
    %get3A_104 = arith.constant 0 : index
    %get3A_105 = vector.load %arg8[%get3A_103, %get3A_104] : memref<1x1xf32, #tpu.memory_space<vmem>>, vector<1x1xf32>
    %get3A_106 = vector.extract %get3A_105[0, 0] : f32 from vector<1x1xf32>
    %max3A = arith.constant 5.000000e-01 : f32
    %max3A_107 = arith.maximumf %get3A_106, %max3A : f32
    %sub3A = arith.subf %broadcast_in_dim3A_92, %broadcast_in_dim3A_77 : vector<1024x1xf32>
    %div3A = vector.broadcast %max3A_107 : f32 to vector<1024x1xf32>
    %div3A_108 = arith.divf %sub3A, %div3A : vector<1024x1xf32>
    %exp3A = math.exp %div3A_108 : vector<1024x1xf32>
    %add3A_109 = arith.constant 1.000000e+00 : f32
    %add3A_110 = vector.broadcast %add3A_109 : f32 to vector<1024x1xf32>
    %add3A_111 = arith.addf %add3A_110, %exp3A : vector<1024x1xf32>
    %div3A_112 = arith.constant 1.000000e+00 : f32
    %div3A_113 = vector.broadcast %div3A_112 : f32 to vector<1024x1xf32>
    %div3A_114 = arith.divf %div3A_113, %add3A_111 : vector<1024x1xf32>
    %div3A_115 = arith.divf %exp3A, %add3A_111 : vector<1024x1xf32>
    %jit3A_116 = arith.constant 0.000000e+00 : f32
    %broadcast_in_dim3A_117 = vector.shape_cast %div3A_114 : vector<1024x1xf32> to vector<1024x1xf32>
    %broadcast_in_dim3A_118 = vector.broadcast %broadcast_in_dim3A_117 : vector<1024x1xf32> to vector<1024x64xf32>
    %broadcast_in_dim3A_119 = vector.broadcast %jit3A_116 : f32 to vector<1024x64xf32>
    %select_n3A_120 = arith.select %eq3A_86, %broadcast_in_dim3A_118, %broadcast_in_dim3A_119 : vector<1024x64xi1>, vector<1024x64xf32>
    %jit3A_121 = arith.constant 0.000000e+00 : f32
    %broadcast_in_dim3A_122 = vector.shape_cast %div3A_115 : vector<1024x1xf32> to vector<1024x1xf32>
    %broadcast_in_dim3A_123 = vector.broadcast %broadcast_in_dim3A_122 : vector<1024x1xf32> to vector<1024x64xf32>
    %broadcast_in_dim3A_124 = vector.broadcast %jit3A_121 : f32 to vector<1024x64xf32>
    %select_n3A_125 = arith.select %eq3A_102, %broadcast_in_dim3A_123, %broadcast_in_dim3A_124 : vector<1024x64xi1>, vector<1024x64xf32>
    %add3A_126 = arith.addf %select_n3A_120, %select_n3A_125 : vector<1024x64xf32>
    %swap3A = arith.constant 0 : index
    %swap3A_127 = arith.constant 0 : index
    %swap3A_128 = arith.constant 0 : index
    %swap3A_129 = vector.load %arg9[%swap3A, %swap3A_127, %swap3A_128] : memref<1x1024x64xf32, #tpu.memory_space<vmem>>, vector<1x1024x64xf32>
    %swap3A_130 = vector.shape_cast %swap3A_129 : vector<1x1024x64xf32> to vector<1024x64xf32>
    %swap3A_131 = vector.shape_cast %add3A_126 : vector<1024x64xf32> to vector<1x1024x64xf32>
    tpu.vector_store %arg9[%swap3A, %swap3A_127, %swap3A_128], %swap3A_131 {strides = array<i32>} : memref<1x1024x64xf32, #tpu.memory_space<vmem>>, vector<1x1024x64xf32>,
    %broadcast_in_dim3A_132 = vector.shape_cast %reduce_min3A_83 : vector<1024xi32> to vector<1024x1xi32>
    %broadcast_in_dim3A_133 = vector.shape_cast %reduce_min3A_99 : vector<1024xi32> to vector<1024x1xi32>
    %concatenate3A = tpu.concatenate %broadcast_in_dim3A_132, %broadcast_in_dim3A_133 in 1 : vector<1024x1xi32>, vector<1024x1xi32> -> vector<1024x2xi32>
    %swap3A_134 = arith.constant 0 : index
    %swap3A_135 = arith.constant 0 : index
    %swap3A_136 = arith.constant 0 : index
    %swap3A_137 = vector.load %arg10[%swap3A_134, %swap3A_135, %swap3A_136] : memref<1x1024x2xi32, #tpu.memory_space<vmem>>, vector<1x1024x2xi32>
    %swap3A_138 = vector.shape_cast %swap3A_137 : vector<1x1024x2xi32> to vector<1024x2xi32>
    %swap3A_139 = vector.shape_cast %concatenate3A : vector<1024x2xi32> to vector<1x1024x2xi32>
    tpu.vector_store %arg10[%swap3A_134, %swap3A_135, %swap3A_136], %swap3A_139 {strides = array<i32>} : memref<1x1024x2xi32, #tpu.memory_space<vmem>>, vector<1x1024x2xi32>,
    %concatenate3A_140 = tpu.concatenate %div3A_114, %div3A_115 in 1 : vector<1024x1xf32>, vector<1024x1xf32> -> vector<1024x2xf32>
    %swap3A_141 = arith.constant 0 : index
    %swap3A_142 = arith.constant 0 : index
    %swap3A_143 = arith.constant 0 : index
    %swap3A_144 = vector.load %arg11[%swap3A_141, %swap3A_142, %swap3A_143] : memref<1x1024x2xf32, #tpu.memory_space<vmem>>, vector<1x1024x2xf32>
    %swap3A_145 = vector.shape_cast %swap3A_144 : vector<1x1024x2xf32> to vector<1024x2xf32>
    %swap3A_146 = vector.shape_cast %concatenate3A_140 : vector<1024x2xf32> to vector<1x1024x2xf32>
    tpu.vector_store %arg11[%swap3A_141, %swap3A_142, %swap3A_143], %swap3A_146 {strides = array<i32>} : memref<1x1024x2xf32, #tpu.memory_space<vmem>>, vector<1x1024x2xf32>,
    %mul3A_147 = arith.constant 64 : i32
    %mul3A_148 = arith.muli %arg0, %mul3A_147 : i32
    %add3A_149 = vector.broadcast %mul3A_148 : i32 to vector<1024x2xi32>
    %add3A_150 = arith.addi %concatenate3A, %add3A_149 : vector<1024x2xi32>
    %swap3A_151 = arith.constant 0 : index
    %swap3A_152 = arith.constant 0 : index
    %swap3A_153 = arith.constant 0 : index
    %swap3A_154 = vector.load %arg12[%swap3A_151, %swap3A_152, %swap3A_153] : memref<1x1024x2xi32, #tpu.memory_space<vmem>>, vector<1x1024x2xi32>
    %swap3A_155 = vector.shape_cast %swap3A_154 : vector<1x1024x2xi32> to vector<1024x2xi32>
    %swap3A_156 = vector.shape_cast %add3A_150 : vector<1024x2xi32> to vector<1x1024x2xi32>
    tpu.vector_store %arg12[%swap3A_151, %swap3A_152, %swap3A_153], %swap3A_156 {strides = array<i32>} : memref<1x1024x2xi32, #tpu.memory_space<vmem>>, vector<1x1024x2xi32>,
    return
  }
  func.func @transform_0(%arg0: i32, %arg1: i32) -> (i32, i32, i32) {
    %c0_i32 = arith.constant 0 : i32
    %c0_i32_0 = arith.constant 0 : i32
    return %arg0, %arg1, %c0_i32 : i32, i32, i32
  }
  func.func @transform_1(%arg0: i32, %arg1: i32) -> (i32, i32) {
    %c0_i32 = arith.constant 0 : i32
    %c0_i32_0 = arith.constant 0 : i32
    return %arg1, %c0_i32 : i32, i32
  }
  func.func @transform_2(%arg0: i32, %arg1: i32) -> (i32, i32, i32) {
    %c0_i32 = arith.constant 0 : i32
    %c0_i32_0 = arith.constant 0 : i32
    %c0_i32_1 = arith.constant 0 : i32
    return %arg0, %c0_i32, %c0_i32_0 : i32, i32, i32
  }
  func.func @transform_3(%arg0: i32, %arg1: i32) -> (i32, i32) {
    %c0_i32 = arith.constant 0 : i32
    %c0_i32_0 = arith.constant 0 : i32
    %c0_i32_1 = arith.constant 0 : i32
    return %c0_i32, %c0_i32_0 : i32, i32
  }
  func.func @transform_4(%arg0: i32, %arg1: i32) -> (i32, i32) {
    %c0_i32 = arith.constant 0 : i32
    %c0_i32_0 = arith.constant 0 : i32
    %c0_i32_1 = arith.constant 0 : i32
    return %c0_i32, %c0_i32_0 : i32, i32
  }
  func.func @transform_5(%arg0: i32, %arg1: i32) -> (i32, i32) {
    %c0_i32 = arith.constant 0 : i32
    %c0_i32_0 = arith.constant 0 : i32
    %c0_i32_1 = arith.constant 0 : i32
    return %c0_i32, %c0_i32_0 : i32, i32
  }
  func.func @transform_6(%arg0: i32, %arg1: i32) -> (i32, i32) {
    %c0_i32 = arith.constant 0 : i32
    %c0_i32_0 = arith.constant 0 : i32
    %c0_i32_1 = arith.constant 0 : i32
    return %c0_i32, %c0_i32_0 : i32, i32
  }
  func.func @transform_7(%arg0: i32, %arg1: i32) -> (i32, i32, i32) {
    %c0_i32 = arith.constant 0 : i32
    %c0_i32_0 = arith.constant 0 : i32
    return %arg0, %arg1, %c0_i32 : i32, i32, i32
  }
  func.func @transform_8(%arg0: i32, %arg1: i32) -> (i32, i32, i32) {
    %c0_i32 = arith.constant 0 : i32
    %c0_i32_0 = arith.constant 0 : i32
    return %arg0, %arg1, %c0_i32 : i32, i32, i32
  }
  func.func @transform_9(%arg0: i32, %arg1: i32) -> (i32, i32, i32) {
    %c0_i32 = arith.constant 0 : i32
    %c0_i32_0 = arith.constant 0 : i32
    return %arg0, %arg1, %c0_i32 : i32, i32, i32
  }
  func.func @transform_10(%arg0: i32, %arg1: i32) -> (i32, i32, i32) {
    %c0_i32 = arith.constant 0 : i32
    %c0_i32_0 = arith.constant 0 : i32
    return %arg0, %arg1, %c0_i32 : i32, i32, i32
  }
}

</mosaic_0001>

<sc_bundles>
// kernel: kernel.4.cloned.1.call-start
scs
__scs_entry_jumppad:
0x0: {  	(pc) =	sbr.rel $0x88, $3  }
0x1: {  	(tag) =	ssettag $0x0;
	lr =	simm.s32 $0x1  }
0x2: {  	[smem:$0x3F9A] =	sst lr;
	_ =	strace $0xD0000000  }
0x3: {  	_ = 	snop  }
0x4: {  	_ = 	snop  }
0x5: {  	_ = 	snop  }
0x6: {  	_ = 	snop  }
0x7: {  	_ = 	snop  }
__scs_overlays_trampoline_lowered:
0x8: {  	[smem:$0x3FA9] =	sst s0  }
0x9: {  	[smem:$0x3FAA] =	sst s1  }
0xa: {  	[smem:$0x3FAB] =	sst s2  }
0xb: {  	[smem:$0x3FAC] =	sst s3  }
0xc: {  	[smem:$0x3FAD] =	sst s4  }
0xd: {  	[smem:$0x3FAE] =	sst s5  }
0xe: {  	[smem:$0x3FAF] =	sst s6  }
0xf: {  	[smem:$0x3FB0] =	sst s7  }
0x10: {  	[smem:$0x3FB1] =	sst s8  }
0x11: {  	[smem:$0x3FB2] =	sst s9;
	s0 =	simm.s32 @!p0 $0x0  }
0x12: {  	s1 =	sld [smem:$0x3F98];
	s0 =	simm.s32 @p0 $0x1  }
0x13: {  	[smem:$0x3FB3] =	sst s0;
	s0 =	simm.s32 @!p1 $0x0  }
0x14: {  	s2 =	sld [smem:$0x3F97];
	s0 =	simm.s32 @p1 $0x1  }
0x15: {  	[smem:$0x3FB4] =	sst s0;
	s0 =	simm.s32 @!p2 $0x0  }
0x16: {  	s3 =	sld [smem:$0x3FDB];
	s0 =	simm.s32 @p2 $0x1  }
0x17: {  	s4 =	simm.s32 $0x1BF5;
	[smem:$0x3FB6] =	sst s0  }
0x18: {  	s0 =	sld [smem:$0x3F99];
	_ =	swait.ge [sflag:s4], $0x0  }
0x19: {  	s7 =	sld [smem:$0x3F9A]  }
0x1a: {  	s8 =	sadd.s32 $0xFFFFE003, lr  }
0x1b: {  	s9 =	sadd.s32 $0xFFFFFEF7, lr;
	s5 =	simm.s32 $0xFFFFFFFF;
	p2 =	slt.u32 s8, $0xFFFFF086  }
0x1c: {  	p1 =	slt.u32 s9, $0xF7A;
	s5 =	simm.s32 @!p2 $0x0  }
0x1d: {  	s5 =	simm.s32 @p1 $0x1;
	p0 =	seq.s32 s7, s2  }
0x1e: {  	s7 =	smul.u32 @!p0 $0xF7A, s2;
	p2 =	seq.s32 @!p0 s5, $0x0  }
0x1f: {  	s9 =	smul.u32 $0xF7A, s1;
	s8 =	simm.s32 @!p0 $0x1BF5;
	p2 =	por !p2, p0  }
0x20: {  	[sflag:s8] =	ssyncset.s32 @!p0 $0xFFFFF086;
	s6 =	sadd.s32 @!p0 s3, s7;
	s7 =	simm.s32 @!p0 $0x108  }
0x21: {  	s3 =	sadd.s32 s3, s9;
	s6 =	sadd.s32 @!p0 $0x88, s6;
	s7 =	simm.s32 @p2 $0x1082  }
0x22: {  	[simem:s7], [sflag:s8] =	dma.local @!p0 [hbm:s6], $0xF7A  }
0x23: {  	s9 =	sor.u32 $0xD0000000, s2;
	s6 =	simm.s32 $0x108;
	_ =	swait.ge @!p0 [sflag:s8], $0x0  }
0x24: {  	s3 =	sadd.s32 $0x88, s3;
	s6 =	simm.s32 @!p1 $0x1082;
	[sflag:s4] =	ssyncset.s32 $0xFFFFF086  }
0x25: {  	[simem:s6], [sflag:s4] =	dma.local [hbm:s3], $0xF7A  }
0x26: {  	[smem:$0x3F9A] =	sst s1;
	(tag) =	ssettag s2;
	_ =	strace s9  }
0x27: {  	s1 =	sld [smem:$0x3FAA]  }
0x28: {  	s2 =	sld [smem:$0x3FAB]  }
0x29: {  	s4 =	sld [smem:$0x3FAD]  }
0x2a: {  	p0 =	seq.s32 s5, $0x0;
	s5 =	sld [smem:$0x3FAE]  }
0x2b: {  	s6 =	sld [smem:$0x3FAF]  }
0x2c: {  	s7 =	sld [smem:$0x3FB0]  }
0x2d: {  	s3 =	simm.s32 $0x108;
	s8 =	sld [smem:$0x3FB1]  }
0x2e: {  	s3 =	simm.s32 @!p0 $0x1082;
	s9 =	sld [smem:$0x3FB2]  }
0x2f: {  	lr =	sadd.s32 s0, s3;
	s0 =	sld [smem:$0x3FA9]  }
0x30: {  	s3 =	sld [smem:$0x3FAC]  }
0x31: {  	[smem:$0x3FB5] =	sst s10  }
0x32: {  	s10 =	sld [smem:$0x3FB3];
	_ =	sdelay $0x3  }
0x33: {  	p0 =	seq.s32 s10, $0x1;
	s10 =	sld [smem:$0x3FB5];
	_ =	sdelay $0x3  }
0x34: {  	[smem:$0x3FB5] =	sst s10  }
0x35: {  	s10 =	sld [smem:$0x3FB4];
	_ =	sdelay $0x3  }
0x36: {  	p1 =	seq.s32 s10, $0x1;
	s10 =	sld [smem:$0x3FB5];
	_ =	sdelay $0x3  }
0x37: {  	[smem:$0x3FB5] =	sst s10  }
0x38: {  	s10 =	sld [smem:$0x3FB6]  }
0x39: {  	_ = 	snop;
	(pc) =	sbr.ind lr, $3  }
0x3a: {  	_ = 	snop  }
0x3b: {  	_ = 	snop  }
0x3c: {  	p2 =	seq.s32 s10, $0x1;
	s10 =	sld [smem:$0x3FB5]  }
0x3d: {  	_ =	shalt  }
0x3e: {  	_ =	shalt  }
0x3f: {  	_ =	shalt  }
0x40: {  	_ =	shalt  }
0x41: {  	_ =	shalt  }
0x42: {  	_ =	shalt  }
0x43: {  	_ =	shalt  }
0x44: {  	_ =	shalt  }
0x45: {  	_ =	shalt  }
0x46: {  	_ =	shalt  }
0x47: {  	_ =	shalt  }
0x48: {  	_ =	shalt  }
0x49: {  	_ =	shalt  }
0x4a: {  	_ =	shalt  }
0x4b: {  	_ =	shalt  }
0x4c: {  	_ =	shalt  }
0x4d: {  	_ =	shalt  }
0x4e: {  	_ =	shalt  }
0x4f: {  	_ =	shalt  }
0x50: {  	_ =	shalt  }
0x51: {  	_ =	shalt  }
0x52: {  	_ =	shalt  }
0x53: {  	_ =	shalt  }
0x54: {  	_ =	shalt  }
0x55: {  	_ =	shalt  }
0x56: {  	_ =	shalt  }
0x57: {  	_ =	shalt  }
0x58: {  	_ =	shalt  }
0x59: {  	_ =	shalt  }
0x5a: {  	_ =	shalt  }
0x5b: {  	_ =	shalt  }
0x5c: {  	_ =	shalt  }
0x5d: {  	_ =	shalt  }
0x5e: {  	_ =	shalt  }
0x5f: {  	_ =	shalt  }
0x60: {  	_ =	shalt  }
0x61: {  	_ =	shalt  }
0x62: {  	_ =	shalt  }
0x63: {  	_ =	shalt  }
0x64: {  	_ =	shalt  }
0x65: {  	_ =	shalt  }
0x66: {  	_ =	shalt  }
0x67: {  	_ =	shalt  }
0x68: {  	_ =	shalt  }
0x69: {  	_ =	shalt  }
0x6a: {  	_ =	shalt  }
0x6b: {  	_ =	shalt  }
0x6c: {  	_ =	shalt  }
0x6d: {  	_ =	shalt  }
0x6e: {  	_ =	shalt  }
0x6f: {  	_ =	shalt  }
0x70: {  	_ =	shalt  }
0x71: {  	_ =	shalt  }
0x72: {  	_ =	shalt  }
0x73: {  	_ =	shalt  }
0x74: {  	_ =	shalt  }
0x75: {  	_ =	shalt  }
0x76: {  	_ =	shalt  }
0x77: {  	_ =	shalt  }
0x78: {  	_ =	shalt  }
0x79: {  	_ =	shalt  }
0x7a: {  	_ =	shalt  }
0x7b: {  	_ =	shalt  }
0x7c: {  	_ =	shalt  }
0x7d: {  	_ =	shalt  }
0x7e: {  	_ =	shalt  }
0x7f: {  	_ =	shalt  }
0x80: {  	_ =	shalt  }
0x81: {  	_ =	shalt  }
0x82: {  	_ =	shalt  }
0x83: {  	_ =	shalt  }
0x84: {  	_ =	shalt  }
0x85: {  	_ =	shalt  }
0x86: {  	_ =	shalt  }
0x87: {  	_ =	shalt  }
.Lfunc_end0:
.L_simem_size_0:
called_computation_lowered:
.L_overlay_start_0:
0x88: {  	s2 =	sld [smem:$0x3FD9]  }
0x89: {  	s3 =	sld [smem:$0x3FFE];
	_ =	sdelay $0x1  }
0x8a: {  	s1 =	srdreg.scid  }
0x8b: {  	s0 =	sand.u32 $0x1, s1  }
0x8c: {  	s14 =	sshll.u32 s0, $0xA;
	s2 =	sadd.s32 s3, s2  }
0x8d: {  	s2 =	sadd.s32 s2, s14  }
0x8e: {  	[smem:$0x3FC1] =	sst s2  }
0x8f: {  	_ = 	snop  }
0x90: {  	s2 =	sld [smem:$0x3FD0];
	_ =	sdelay $0x2  }
0x91: {  	s4 =	simm.s32 $0xA;
	s5 =	simm.s32 $0x10;
	s15 =	sld [smem:$0x3FC8]  }
0x92: {  	[smem:s5], [sflag:s4] =	dma.local [hbm:s2], $0x1  }
0x93: {  	_ =	swait.eq [sflag:s4], $0x1  }
0x94: {  	[sflag:s4] =	ssyncset.done $0x0  }
0x95: {  	[sflag:s4] =	ssyncadd.s32 $0xFFFFFFFF  }
0x96: {  	s16 =	sld [smem:$0x10];
	(tm) =	ssettm $0x1  }
0x97: {  	s17 =	sld [smem:$0x3FFB];
	_ =	sdelay $0x3  }
0x98: {  	_ =	strace s17  }
0x99: {  	s4 =	sld [smem:$0x3FFC];
	_ =	sdelay $0x3  }
0x9a: {  	_ =	strace s4  }
0x9b: {  	s4 =	sld [smem:$0x3FFD];
	_ =	sdelay $0x3  }
0x9c: {  	_ =	strace s4  }
0x9d: {  	_ =	strace $0x8FFFFFFF  }
0x9e: {  	s18 =	sld [smem:$0x3FDB];
	_ =	sdelay $0x1  }
0x9f: {  	s19 =	simm.s32 $_scs_section_size  }
0xa0: {  	s6 =	simm.s32 $_size__tile_overlayer_lowered;
	s7 =	simm.s32 $_tile_overlayer_lowered  }
0xa1: {  	s22 =	simm.s32 $0x1BFF;
	s21 =	sshll.u32 s7, $0x1;
	s4 =	sadd.s32 s19, s18  }
0xa2: {  	s8 =	simm.s32 $0x0;
	s20 =	sshll.u32 s6, $0x1;
	s6 =	sadd.s32 s21, s4  }
0xa3: {  	[timem:s8], [sflag:s22] =	dma.local [hbm:s6], s20  }
0xa4: {  	_ =	swait.ge [sflag:s22], s20  }
0xa5: {  	s5 =	ssub.s32 $0x0, s20;
	[sflag:s22] =	ssyncset.done $0x0  }
0xa6: {  	[sflag:s22] =	ssyncadd.s32 s5;
	_ =	sdelay $0x1  }
0xa7: {  	s23 =	simm.s32 $0x1B8B  }
0xa8: {  	_ =	swait.ge [sflag:s23], $0x1  }
0xa9: {  	[sflag:s23] =	ssyncset.done $0x0  }
0xaa: {  	s25 =	simm.s32 $0x1B8E;
	s24 =	sld [smem:$0x3FFE];
	[sflag:s23] =	ssyncadd.s32 $0xFFFFFFFF  }
0xab: {  	s26 =	simm.s32 $execute0_lowered;
	[smem:$0x3FD2] =	sst s25  }
0xac: {  	s6 =	sshll.u32 s26, $0x1;
	_ =	strace $0x80000046;
	[dreg:$0x1] =	wrdreg $0xFFFFFFFF  }
0xad: {  	s28 =	simm.s32 $_size_execute0_lowered;
	s4 =	sadd.s32 s4, s6;
	[dreg:$0x0] =	wrdreg $0x0  }
0xae: {  	s6 =	sshll.u32 s28, $0x1;
	[dreg:$0x2] =	wrdreg s4  }
0xaf: {  	[dreg:$0x3] =	wrdreg s6  }
0xb0: {  	[dreg:$0x4] =	wrdreg $0xC0  }
0xb1: {  	_ =	task [dreg:s8], $0x5FFFF  }
0xb2: {  	[dreg:$0x1] =	wrdreg $0xFFFFFFFF  }
0xb3: {  	[dreg:$0x0] =	wrdreg $0x60  }
0xb4: {  	[dreg:$0x2] =	wrdreg s15  }
0xb5: {  	[dreg:$0x3] =	wrdreg s24  }
0xb6: {  	[dreg:$0x4] =	wrdreg s16  }
0xb7: {  	[dreg:$0x5] =	wrdreg $0x9  }
0xb8: {  	_ =	task.clear_ibuf [dreg:s8], $0x6FFFF;
	_ =	strace $0x90000046  }
0xb9: {  	s29 =	simm.s32 $0x9;
	_ =	strace $0x80000048  }
0xba: {  	_ =	swait.ge [sflag:s29], $0x1  }
0xbb: {  	[sflag:s29] =	ssyncadd.s32 $0xFFFFFFFF  }
0xbc: {  	_ =	strace $0x90000048  }
0xbd: {  	_ =	sfence  }
0xbe: {  	s30 =	sld [smem:$0x0];
	_ =	sdelay $0x2  }
0xbf: {  	s31 =	sshll.u32 s1, $0xD;
	s1 =	sshrl.u32 s1, $0x2  }
0xc0: {  	s3 =	sand.u32 $0x4000, s31;
	s1 =	sadd.s32 s1, s30  }
0xc1: {  	s0 =	sor.u32 s3, s0;
	s1 =	sshll.u32 s1, $0x11  }
0xc2: {  	s0 =	sor.u32 s1, s0  }
0xc3: {  	s0 =	sadd.s32 $0x8F2B, s0  }
0xc4: {  	[sflag:s0] =	ssyncadd.remote.s32 $0x1  }
0xc5: {  	_ =	sfence.sel $0xFFFF  }
0xc6: {  	[dreg:$0x0] =	wrdreg $0xFFFFFFFF;
	(pc) =	sbr.abs _section_cstart, $3  }
0xc7: {  	[dreg:$0x1] =	wrdreg $0xFFFFFFFF  }
0xc8: {  	_ =	task.clear_ibuf [dreg:s8], $0x2FFFF;
	_ =	strace $0x9FFFFFFF  }
0xc9: {  	(tm) =	ssettm $0x7FFFFFFF  }
tec
execute0_lowered:
.L_overlay_start_1:
0x0: {  	(tag) =	ssettag $0x1  }
0x1: {  	s1 =	rddreg [dreg:$0x0]  }
0x2: {  	s0 =	rddreg [dreg:$0x1];
	s3 =	simm.s32 $0x0;
	s2 =	srdreg.scid  }
0x3: {  	s4 =	stileid.u32;
	s11 =	simm.s32 $0x2;
	s28 =	simm.s32 $0x7100  }
0x4: {  	s29 =	simm.s32 $0x7900;
	s30 =	simm.s32 $0x8100;
	s31 =	simm.s32 $0x8900  }
0x5: {  	s10 =	simm.s32 $0xA100;
	s12 =	simm.s32 $0xB900;
	s13 =	simm.s32 $0x1  }
0x6: {  	s14 =	simm.s32 $0xC100;
	s16 =	simm.s32 $0x0;
	[smem:$0x7FF] =	sst s3  }
0x7: {  	s2 =	sand.u32 $0x1, s2;
	s5 =	sadd.s32 $0x800, s0;
	s6 =	sadd.s32 $0x1000, s0  }
0x8: {  	s26 =	sshll.u32 s4, $0x9;
	s8 =	sadd.s32 $0x100, s1;
	s9 =	sadd.s32 $0x200, s1  }
0x9: {  	s4 =	simm.s32 $0x9900;
	s3 =	simm.s32 $0xB100;
	s24 =	ssub.s32 $0x2, s2  }
0xa: {  	_ =	strace $0x80000047;
	s2 =	sshll.u32 s2, $0x8;
	s25 =	sshrl.u32 s24, $0x1  }
0xb: {  	v2 =	vlaneseq.u32;
	s7 =	sor.u32 s2, s26;
	s26 =	simm.s32 $0x6900;
	s0 =	ssub.s32 s24, s25  }
0xc: {  	vm0 =	vmmov $0xffff;
	v1 =	vshrl.u32 v2, $0x3;
	s2 =	simm.s32 $0xA900;
	s24 =	simm.s32 $0x5900;
	s0 =	smax.u32 s0, $0x1  }
0xd: {  	v0 =	vand.u32 $0x7, v2;
	v2 =	vor.u32 $0x8, v2;
	v1 =	vmul.u32 $0x8, v1;
	s25 =	simm.s32 $0x6100;
	[dreg:$0x4] =	wrdreg s0;
	s0 =	simm.s32 $0x9100  }
.LBB2_1:
0xe: {  	[dreg:$0x5] =	wrdreg s16;
	s15 =	simm.s32 $0x0  }
.LBB2_2:
0xf: {  	s16 =	sshll.u32 s15, $0x5  }
0x10: {  	s16 =	sadd.s32 s7, s16  }
0x11: {  	s18 =	sshrl.u32 s16, $0x2  }
0x12: {  	s17 =	simm.s32 $0x0;
	s19 =	sadd.s32 s5, s18  }
0x13: {  	[tilespmem:s17], [sflag:$0x2] =	stream.linear.gather [hbm4b:s19+s17], $0x40, $0x38;
	[tilespmem:$0x12100] =	vst v63  }
0x14: {  	_ =	swait.ge [sflag:s11], $0x40  }
0x15: {  	[sflag:s11] =	ssyncset.done $0x0  }
0x16: {  	s23 =	simm.s32 $0x80;
	s18 =	sadd.s32 s6, s18;
	[sflag:s11] =	ssyncadd.s32 $0xFFFFFFC0  }
0x17: {  	[tilespmem:s23], [sflag:$0x2] =	stream.linear.gather [hbm4b:s18+s17], $0x40, $0x38;
	[tilespmem:$0x12100] =	vst v63  }
0x18: {  	_ =	swait.ge [sflag:s11], $0x40  }
0x19: {  	[sflag:s11] =	ssyncset.done $0x0  }
0x1a: {  	[sflag:s11] =	ssyncadd.s32 $0xFFFFFFC0  }
0x1b: {  	v3 =	vld [tilespmem:$0x0];
	_ =	sdelay $0x4  }
0x1c: {  	v4 =	vshrl.u32 v3, $0x3  }
0x1d: {  	v4 =	vmul.u32 $0x30, v4  }
0x1e: {  	v3 =	vand.u32 $0x7, v3  }
0x1f: {  	v3 =	vor.u32 v3, v4  }
0x20: {  	v4 =	vperm.xlane v3, v0;
	_ =	sdelay $0x1  }
0x21: {  	v4 =	vadd.s32 v1, v4;
	_ =	sdelay $0x3  }
0x22: {  	s20 =	simm.s32 $0x100;
	v3 =	vperm.xlane v3, v2  }
0x23: {  	[tilespmem:s20], [sflag:$0x1] =	stream.indirect_vreg.gather [hbm4b:s1+s17], $0x80, v4, vm0, $0xb8;
	[tilespmem:$0x12100] =	vst v63  }
0x24: {  	s21 =	simm.s32 $0x900;
	v3 =	vadd.s32 v1, v3  }
0x25: {  	[tilespmem:s21], [sflag:$0x1] =	stream.indirect_vreg.gather [hbm4b:s8+s17], $0x80, v4, vm0, $0xb8;
	[tilespmem:$0x12100] =	vst v63  }
0x26: {  	s22 =	simm.s32 $0x1100  }
0x27: {  	[tilespmem:s22], [sflag:$0x1] =	stream.indirect_vreg.gather [hbm4b:s9+s17], $0x80, v4, vm0, $0xb8;
	[tilespmem:$0x12100] =	vst v63  }
0x28: {  	s23 =	simm.s32 $0x1900  }
0x29: {  	[tilespmem:s23], [sflag:$0x1] =	stream.indirect_vreg.gather [hbm4b:s1+s17], $0x80, v3, vm0, $0xb8;
	[tilespmem:$0x12100] =	vst v63  }
0x2a: {  	s19 =	simm.s32 $0x2100  }
0x2b: {  	[tilespmem:s19], [sflag:$0x1] =	stream.indirect_vreg.gather [hbm4b:s8+s17], $0x80, v3, vm0, $0xb8;
	[tilespmem:$0x12100] =	vst v63  }
0x2c: {  	s20 =	simm.s32 $0x2900  }
0x2d: {  	[tilespmem:s20], [sflag:$0x1] =	stream.indirect_vreg.gather [hbm4b:s9+s17], $0x80, v3, vm0, $0xb8;
	[tilespmem:$0x12100] =	vst v63  }
0x2e: {  	v3 =	vld [tilespmem:$0x10];
	_ =	sdelay $0x4  }
0x2f: {  	v4 =	vshrl.u32 v3, $0x3  }
0x30: {  	v4 =	vmul.u32 $0x30, v4  }
0x31: {  	v3 =	vand.u32 $0x7, v3  }
0x32: {  	v3 =	vor.u32 v3, v4  }
0x33: {  	v4 =	vperm.xlane v3, v0;
	_ =	sdelay $0x1  }
0x34: {  	v4 =	vadd.s32 v1, v4;
	_ =	sdelay $0x3  }
0x35: {  	s21 =	simm.s32 $0x3100;
	v3 =	vperm.xlane v3, v2  }
0x36: {  	[tilespmem:s21], [sflag:$0x1] =	stream.indirect_vreg.gather [hbm4b:s1+s17], $0x80, v4, vm0, $0xb8;
	[tilespmem:$0x12100] =	vst v63  }
0x37: {  	s22 =	simm.s32 $0x3900;
	v3 =	vadd.s32 v1, v3  }
0x38: {  	[tilespmem:s22], [sflag:$0x1] =	stream.indirect_vreg.gather [hbm4b:s8+s17], $0x80, v4, vm0, $0xb8;
	[tilespmem:$0x12100] =	vst v63  }
0x39: {  	s23 =	simm.s32 $0x4100  }
0x3a: {  	[tilespmem:s23], [sflag:$0x1] =	stream.indirect_vreg.gather [hbm4b:s9+s17], $0x80, v4, vm0, $0xb8;
	[tilespmem:$0x12100] =	vst v63  }
0x3b: {  	s19 =	simm.s32 $0x4900  }
0x3c: {  	[tilespmem:s19], [sflag:$0x1] =	stream.indirect_vreg.gather [hbm4b:s1+s17], $0x80, v3, vm0, $0xb8;
	[tilespmem:$0x12100] =	vst v63  }
0x3d: {  	s20 =	simm.s32 $0x5100  }
0x3e: {  	[tilespmem:s20], [sflag:$0x1] =	stream.indirect_vreg.gather [hbm4b:s8+s17], $0x80, v3, vm0, $0xb8;
	[tilespmem:$0x12100] =	vst v63  }
0x3f: {  	_ = 	snop  }
0x40: {  	[tilespmem:s24], [sflag:$0x1] =	stream.indirect_vreg.gather [hbm4b:s9+s17], $0x80, v3, vm0, $0xb8;
	[tilespmem:$0x12100] =	vst v63  }
0x41: {  	v3 =	vld [tilespmem:$0x20];
	_ =	sdelay $0x4  }
0x42: {  	v4 =	vshrl.u32 v3, $0x3  }
0x43: {  	v4 =	vmul.u32 $0x30, v4  }
0x44: {  	v3 =	vand.u32 $0x7, v3  }
0x45: {  	v3 =	vor.u32 v3, v4  }
0x46: {  	v4 =	vperm.xlane v3, v0;
	_ =	sdelay $0x1  }
0x47: {  	v4 =	vadd.s32 v1, v4;
	_ =	sdelay $0x3  }
0x48: {  	v3 =	vperm.xlane v3, v2  }
0x49: {  	[tilespmem:s25], [sflag:$0x1] =	stream.indirect_vreg.gather [hbm4b:s1+s17], $0x80, v4, vm0, $0xb8;
	[tilespmem:$0x12100] =	vst v63  }
0x4a: {  	v3 =	vadd.s32 v1, v3  }
0x4b: {  	[tilespmem:s26], [sflag:$0x1] =	stream.indirect_vreg.gather [hbm4b:s8+s17], $0x80, v4, vm0, $0xb8;
	[tilespmem:$0x12100] =	vst v63  }
0x4c: {  	_ = 	snop  }
0x4d: {  	[tilespmem:s28], [sflag:$0x1] =	stream.indirect_vreg.gather [hbm4b:s9+s17], $0x80, v4, vm0, $0xb8;
	[tilespmem:$0x12100] =	vst v63  }
0x4e: {  	_ = 	snop  }
0x4f: {  	[tilespmem:s29], [sflag:$0x1] =	stream.indirect_vreg.gather [hbm4b:s1+s17], $0x80, v3, vm0, $0xb8;
	[tilespmem:$0x12100] =	vst v63  }
0x50: {  	_ = 	snop  }
0x51: {  	[tilespmem:s30], [sflag:$0x1] =	stream.indirect_vreg.gather [hbm4b:s8+s17], $0x80, v3, vm0, $0xb8;
	[tilespmem:$0x12100] =	vst v63  }
0x52: {  	_ = 	snop  }
0x53: {  	[tilespmem:s31], [sflag:$0x1] =	stream.indirect_vreg.gather [hbm4b:s9+s17], $0x80, v3, vm0, $0xb8;
	[tilespmem:$0x12100] =	vst v63  }
0x54: {  	v3 =	vld [tilespmem:$0x30];
	_ =	sdelay $0x4  }
0x55: {  	v4 =	vshrl.u32 v3, $0x3  }
0x56: {  	v4 =	vmul.u32 $0x30, v4  }
0x57: {  	v3 =	vand.u32 $0x7, v3  }
0x58: {  	v3 =	vor.u32 v3, v4  }
0x59: {  	v4 =	vperm.xlane v3, v0;
	_ =	sdelay $0x1  }
0x5a: {  	v4 =	vadd.s32 v1, v4;
	_ =	sdelay $0x3  }
0x5b: {  	v3 =	vperm.xlane v3, v2  }
0x5c: {  	[tilespmem:s0], [sflag:$0x1] =	stream.indirect_vreg.gather [hbm4b:s1+s17], $0x80, v4, vm0, $0xb8;
	[tilespmem:$0x12100] =	vst v63  }
0x5d: {  	v3 =	vadd.s32 v1, v3  }
0x5e: {  	[tilespmem:s4], [sflag:$0x1] =	stream.indirect_vreg.gather [hbm4b:s8+s17], $0x80, v4, vm0, $0xb8;
	[tilespmem:$0x12100] =	vst v63  }
0x5f: {  	_ = 	snop  }
0x60: {  	[tilespmem:s10], [sflag:$0x1] =	stream.indirect_vreg.gather [hbm4b:s9+s17], $0x80, v4, vm0, $0xb8;
	[tilespmem:$0x12100] =	vst v63  }
0x61: {  	_ = 	snop  }
0x62: {  	[tilespmem:s2], [sflag:$0x1] =	stream.indirect_vreg.gather [hbm4b:s1+s17], $0x80, v3, vm0, $0xb8;
	[tilespmem:$0x12100] =	vst v63  }
0x63: {  	_ = 	snop  }
0x64: {  	[tilespmem:s3], [sflag:$0x1] =	stream.indirect_vreg.gather [hbm4b:s8+s17], $0x80, v3, vm0, $0xb8;
	[tilespmem:$0x12100] =	vst v63  }
0x65: {  	_ = 	snop  }
0x66: {  	[tilespmem:s12], [sflag:$0x1] =	stream.indirect_vreg.gather [hbm4b:s9+s17], $0x80, v3, vm0, $0xb8;
	[tilespmem:$0x12100] =	vst v63  }
0x67: {  	_ =	swait.ge [sflag:s13], $0xC000  }
0x68: {  	[sflag:s13] =	ssyncset.done $0x0  }
0x69: {  	s21 =	sand.u32 $0x70, s17;
	s17 =	sand.u32 $0x1C00, s17;
	[sflag:s13] =	ssyncadd.s32 $0xFFFF4000  }
0x6a: {  	s17 =	sor.u32 s21, s17;
	v4 =	vld [tilespmem:$0x80]  }
0x6b: {  	v5 =	vld [tilespmem:s17+$0x100]  }
0x6c: {  	v6 =	vld [tilespmem:s17+$0x180];
	_ =	sdelay $0x1  }
0x6d: {  	s22 =	simm.s32 $0x10;
	s23 =	simm.s32 $0x80  }
0x6e: {  	s18 =	sand.u32 $0x70, s22;
	s19 =	sand.u32 $0x1C00, s23;
	v3 =	vbroadcast v4, $0x0;
	v4 =	vbroadcast v4, $0x1  }
0x6f: {  	s18 =	sor.u32 s18, s19  }
0x70: {  	v7 =	vmul.f32 v5, v3;
	v8 =	vmul.f32 v6, v4;
	v5 =	vld [tilespmem:s18+$0x100]  }
0x71: {  	v6 =	vld [tilespmem:s18+$0x180]  }
0x72: {  	s19 =	simm.s32 $0x20;
	s20 =	simm.s32 $0x100;
	v7 =	vadd.f32 v8, v7  }
.LBB2_3:
0x73: {  	s21 =	sand.u32 $0x70, s19  }
0x74: {  	s22 =	sand.u32 $0x1C00, s20;
	[tilespmem:s17+$0xC100] =	vst v7;
	s17 =	smov.u32 s18;
	p0 =	sne.s32 s19, $0x2F0  }
.Ltmp0:
0x75: {  	s19 =	sadd.s32 $0x10, s19;
	s18 =	sor.u32 s21, s22;
	(pc) =	sbr.rel @p0 .LBB2_3-.Ltmp0, $4  }
0x76: {  	v7 =	vmul.f32 v5, v3;
	v5 =	vld [tilespmem:s18+$0x100];
	v8 =	vmul.f32 v6, v4  }
0x77: {  	v6 =	vld [tilespmem:s18+$0x180]  }
0x78: {  	v7 =	vadd.f32 v8, v7  }
0x79: {  	s20 =	sadd.s32 $0x80, s20  }
0x7a: {  	_ =	sdelay $0x1  }
0x7b: {  	v3 =	vmul.f32 v5, v3;
	v4 =	vmul.f32 v6, v4;
	_ =	sdelay $0x1  }
0x7c: {  	v3 =	vadd.f32 v4, v3  }
0x7d: {  	[tilespmem:s17+$0xC100] =	vst v7;
	s21 =	simm.s32 $0x0  }
0x7e: {  	s22 =	sand.u32 $0x70, s21;
	s17 =	sand.u32 $0x1C00, s21;
	[tilespmem:s18+$0xC100] =	vst v3  }
0x7f: {  	s17 =	sor.u32 s22, s17;
	v4 =	vld [tilespmem:$0x80]  }
0x80: {  	v5 =	vld [tilespmem:s17+$0x200]  }
0x81: {  	v6 =	vld [tilespmem:s17+$0x280];
	_ =	sdelay $0x1  }
0x82: {  	s23 =	simm.s32 $0x10;
	s19 =	simm.s32 $0x80  }
0x83: {  	s19 =	sand.u32 $0x1C00, s19;
	s18 =	sand.u32 $0x70, s23;
	v3 =	vbroadcast v4, $0x2;
	v4 =	vbroadcast v4, $0x3  }
0x84: {  	s18 =	sor.u32 s18, s19  }
0x85: {  	v7 =	vmul.f32 v5, v3;
	v8 =	vmul.f32 v6, v4;
	v5 =	vld [tilespmem:s18+$0x200]  }
0x86: {  	v6 =	vld [tilespmem:s18+$0x280]  }
0x87: {  	s20 =	simm.s32 $0x100;
	s19 =	simm.s32 $0x20;
	v7 =	vadd.f32 v8, v7  }
.LBB2_5:
0x88: {  	s21 =	sand.u32 $0x70, s19  }
0x89: {  	s22 =	sand.u32 $0x1C00, s20;
	[tilespmem:s17+$0xC180] =	vst v7;
	s17 =	smov.u32 s18;
	p0 =	sne.s32 s19, $0x2F0  }
.Ltmp1:
0x8a: {  	s19 =	sadd.s32 $0x10, s19;
	s18 =	sor.u32 s21, s22;
	(pc) =	sbr.rel @p0 .LBB2_5-.Ltmp1, $4  }
0x8b: {  	v7 =	vmul.f32 v5, v3;
	v5 =	vld [tilespmem:s18+$0x200];
	v8 =	vmul.f32 v6, v4  }
0x8c: {  	v6 =	vld [tilespmem:s18+$0x280]  }
0x8d: {  	v7 =	vadd.f32 v8, v7  }
0x8e: {  	s20 =	sadd.s32 $0x80, s20  }
0x8f: {  	_ =	sdelay $0x1  }
0x90: {  	v3 =	vmul.f32 v5, v3;
	v4 =	vmul.f32 v6, v4;
	_ =	sdelay $0x1  }
0x91: {  	v3 =	vadd.f32 v4, v3  }
0x92: {  	[tilespmem:s17+$0xC180] =	vst v7;
	s21 =	simm.s32 $0x0  }
0x93: {  	s22 =	sand.u32 $0x70, s21;
	s17 =	sand.u32 $0x1C00, s21;
	[tilespmem:s18+$0xC180] =	vst v3  }
0x94: {  	s17 =	sor.u32 s22, s17;
	v4 =	vld [tilespmem:$0x80]  }
0x95: {  	v5 =	vld [tilespmem:s17+$0x300]  }
0x96: {  	v6 =	vld [tilespmem:s17+$0x380];
	_ =	sdelay $0x1  }
0x97: {  	s23 =	simm.s32 $0x10;
	s19 =	simm.s32 $0x80  }
0x98: {  	s19 =	sand.u32 $0x1C00, s19;
	s18 =	sand.u32 $0x70, s23;
	v3 =	vbroadcast v4, $0x4;
	v4 =	vbroadcast v4, $0x5  }
0x99: {  	s18 =	sor.u32 s18, s19  }
0x9a: {  	v7 =	vmul.f32 v5, v3;
	v8 =	vmul.f32 v6, v4;
	v5 =	vld [tilespmem:s18+$0x300]  }
0x9b: {  	v6 =	vld [tilespmem:s18+$0x380]  }
0x9c: {  	s20 =	simm.s32 $0x100;
	s19 =	simm.s32 $0x20;
	v7 =	vadd.f32 v8, v7  }
.LBB2_7:
0x9d: {  	s21 =	sand.u32 $0x70, s19  }
0x9e: {  	s22 =	sand.u32 $0x1C00, s20;
	[tilespmem:s17+$0xC200] =	vst v7;
	s17 =	smov.u32 s18;
	p0 =	sne.s32 s19, $0x2F0  }
.Ltmp2:
0x9f: {  	s19 =	sadd.s32 $0x10, s19;
	s18 =	sor.u32 s21, s22;
	(pc) =	sbr.rel @p0 .LBB2_7-.Ltmp2, $4  }
0xa0: {  	v7 =	vmul.f32 v5, v3;
	v5 =	vld [tilespmem:s18+$0x300];
	v8 =	vmul.f32 v6, v4  }
0xa1: {  	v6 =	vld [tilespmem:s18+$0x380]  }
0xa2: {  	v7 =	vadd.f32 v8, v7  }
0xa3: {  	s20 =	sadd.s32 $0x80, s20  }
0xa4: {  	_ =	sdelay $0x1  }
0xa5: {  	v3 =	vmul.f32 v5, v3;
	v4 =	vmul.f32 v6, v4;
	_ =	sdelay $0x1  }
0xa6: {  	v3 =	vadd.f32 v4, v3  }
0xa7: {  	[tilespmem:s17+$0xC200] =	vst v7;
	s19 =	simm.s32 $0x0  }
0xa8: {  	s20 =	sand.u32 $0x70, s19;
	s21 =	sand.u32 $0x1C00, s19;
	[tilespmem:s18+$0xC200] =	vst v3  }
0xa9: {  	s22 =	sor.u32 s19, s19;
	s17 =	sor.u32 s20, s21;
	v4 =	vld [tilespmem:$0x80]  }
0xaa: {  	s18 =	sor.u32 $0x380, s22;
	v5 =	vld [tilespmem:s17+$0x400]  }
0xab: {  	v6 =	vld [tilespmem:s18+$0x100];
	_ =	sdelay $0x2  }
0xac: {  	v3 =	vbroadcast v4, $0x6;
	v4 =	vbroadcast v4, $0x7;
	_ =	sdelay $0x1  }
0xad: {  	v5 =	vmul.f32 v5, v3;
	v6 =	vmul.f32 v6, v4  }
0xae: {  	s23 =	simm.s32 $0x10;
	s18 =	simm.s32 $0x80  }
0xaf: {  	s20 =	sand.u32 $0x70, s23;
	s21 =	sand.u32 $0x1C00, s18;
	v5 =	vadd.f32 v6, v5  }
0xb0: {  	s19 =	simm.s32 $0x20;
	s20 =	sor.u32 s20, s21;
	s21 =	sor.u32 s18, s23  }
.LBB2_9:
0xb1: {  	p0 =	sne.s32 s19, $0x2F0;
	v6 =	vld [tilespmem:s20+$0x400];
	s21 =	sor.u32 $0x380, s21;
	[tilespmem:s17+$0xC280] =	vst v5;
	s17 =	smov.u32 s20  }
0xb2: {  	v5 =	vld [tilespmem:s21+$0x100];
	_ =	sdelay $0x3  }
.Ltmp3:
0xb3: {  	(pc) =	sbr.rel @p0 .LBB2_9-.Ltmp3, $4  }
0xb4: {  	v6 =	vmul.f32 v6, v3;
	v5 =	vmul.f32 v5, v4  }
0xb5: {  	s18 =	sadd.s32 $0x80, s18  }
0xb6: {  	s20 =	sand.u32 $0x70, s19;
	s21 =	sand.u32 $0x1C00, s18;
	v5 =	vadd.f32 v5, v6  }
0xb7: {  	s20 =	sor.u32 s20, s21;
	s21 =	sor.u32 s18, s19;
	s19 =	sadd.s32 $0x10, s19  }
0xb8: {  	v6 =	vld [tilespmem:s20+$0x400];
	s18 =	sor.u32 $0x380, s21;
	[tilespmem:s17+$0xC280] =	vst v5  }
0xb9: {  	v5 =	vld [tilespmem:s18+$0x100];
	_ =	sdelay $0x4  }
0xba: {  	v3 =	vmul.f32 v6, v3;
	v4 =	vmul.f32 v5, v4;
	_ =	sdelay $0x1  }
0xbb: {  	v3 =	vadd.f32 v4, v3  }
0xbc: {  	s21 =	simm.s32 $0x0  }
0xbd: {  	s22 =	sand.u32 $0x70, s21;
	s17 =	sand.u32 $0x1C00, s21;
	[tilespmem:s20+$0xC280] =	vst v3  }
0xbe: {  	s17 =	sor.u32 s22, s17;
	v4 =	vld [tilespmem:$0x80]  }
0xbf: {  	v5 =	vld [tilespmem:s17+$0x1900]  }
0xc0: {  	v6 =	vld [tilespmem:s17+$0x1980];
	_ =	sdelay $0x1  }
0xc1: {  	s23 =	simm.s32 $0x10;
	s19 =	simm.s32 $0x80  }
0xc2: {  	s18 =	sand.u32 $0x70, s23;
	s19 =	sand.u32 $0x1C00, s19;
	v3 =	vbroadcast v4, $0x8;
	v4 =	vbroadcast v4, $0x9  }
0xc3: {  	s18 =	sor.u32 s18, s19  }
0xc4: {  	v7 =	vmul.f32 v5, v3;
	v8 =	vmul.f32 v6, v4;
	v5 =	vld [tilespmem:s18+$0x1900]  }
0xc5: {  	v6 =	vld [tilespmem:s18+$0x1980]  }
0xc6: {  	s19 =	simm.s32 $0x20;
	s20 =	simm.s32 $0x100;
	v7 =	vadd.f32 v8, v7  }
.LBB2_11:
0xc7: {  	s21 =	sand.u32 $0x70, s19  }
0xc8: {  	s22 =	sand.u32 $0x1C00, s20;
	[tilespmem:s17+$0xC300] =	vst v7;
	s17 =	smov.u32 s18;
	p0 =	sne.s32 s19, $0x2F0  }
.Ltmp4:
0xc9: {  	s19 =	sadd.s32 $0x10, s19;
	s18 =	sor.u32 s21, s22;
	(pc) =	sbr.rel @p0 .LBB2_11-.Ltmp4, $4  }
0xca: {  	v7 =	vmul.f32 v5, v3;
	v5 =	vld [tilespmem:s18+$0x1900];
	v8 =	vmul.f32 v6, v4  }
0xcb: {  	v6 =	vld [tilespmem:s18+$0x1980]  }
0xcc: {  	v7 =	vadd.f32 v8, v7  }
0xcd: {  	s20 =	sadd.s32 $0x80, s20  }
0xce: {  	_ =	sdelay $0x1  }
0xcf: {  	v3 =	vmul.f32 v5, v3;
	v4 =	vmul.f32 v6, v4;
	_ =	sdelay $0x1  }
0xd0: {  	v3 =	vadd.f32 v4, v3  }
0xd1: {  	[tilespmem:s17+$0xC300] =	vst v7;
	s21 =	simm.s32 $0x0  }
0xd2: {  	s22 =	sand.u32 $0x70, s21;
	s17 =	sand.u32 $0x1C00, s21;
	[tilespmem:s18+$0xC300] =	vst v3  }
0xd3: {  	s17 =	sor.u32 s22, s17;
	v4 =	vld [tilespmem:$0x80]  }
0xd4: {  	v5 =	vld [tilespmem:s17+$0x1A00]  }
0xd5: {  	v6 =	vld [tilespmem:s17+$0x1A80];
	_ =	sdelay $0x1  }
0xd6: {  	s23 =	simm.s32 $0x10;
	s19 =	simm.s32 $0x80  }
0xd7: {  	s19 =	sand.u32 $0x1C00, s19;
	s18 =	sand.u32 $0x70, s23;
	v3 =	vbroadcast v4, $0xA;
	v4 =	vbroadcast v4, $0xB  }
0xd8: {  	s18 =	sor.u32 s18, s19  }
0xd9: {  	v7 =	vmul.f32 v5, v3;
	v8 =	vmul.f32 v6, v4;
	v5 =	vld [tilespmem:s18+$0x1A00]  }
0xda: {  	v6 =	vld [tilespmem:s18+$0x1A80]  }
0xdb: {  	s20 =	simm.s32 $0x100;
	s19 =	simm.s32 $0x20;
	v7 =	vadd.f32 v8, v7  }
.LBB2_13:
0xdc: {  	s21 =	sand.u32 $0x70, s19  }
0xdd: {  	s22 =	sand.u32 $0x1C00, s20;
	[tilespmem:s17+$0xC380] =	vst v7;
	s17 =	smov.u32 s18;
	p0 =	sne.s32 s19, $0x2F0  }
.Ltmp5:
0xde: {  	s19 =	sadd.s32 $0x10, s19;
	s18 =	sor.u32 s21, s22;
	(pc) =	sbr.rel @p0 .LBB2_13-.Ltmp5, $4  }
0xdf: {  	v7 =	vmul.f32 v5, v3;
	v5 =	vld [tilespmem:s18+$0x1A00];
	v8 =	vmul.f32 v6, v4  }
0xe0: {  	v6 =	vld [tilespmem:s18+$0x1A80]  }
0xe1: {  	v7 =	vadd.f32 v8, v7  }
0xe2: {  	s20 =	sadd.s32 $0x80, s20  }
0xe3: {  	_ =	sdelay $0x1  }
0xe4: {  	v3 =	vmul.f32 v5, v3;
	v4 =	vmul.f32 v6, v4;
	_ =	sdelay $0x1  }
0xe5: {  	v3 =	vadd.f32 v4, v3  }
0xe6: {  	[tilespmem:s17+$0xC380] =	vst v7;
	s21 =	simm.s32 $0x0  }
0xe7: {  	s22 =	sand.u32 $0x70, s21;
	s17 =	sand.u32 $0x1C00, s21;
	[tilespmem:s18+$0xC380] =	vst v3  }
0xe8: {  	s17 =	sor.u32 s22, s17;
	v4 =	vld [tilespmem:$0x80]  }
0xe9: {  	v5 =	vld [tilespmem:s17+$0x1B00]  }
0xea: {  	v6 =	vld [tilespmem:s17+$0x1B80];
	_ =	sdelay $0x1  }
0xeb: {  	s23 =	simm.s32 $0x10;
	s19 =	simm.s32 $0x80  }
0xec: {  	s19 =	sand.u32 $0x1C00, s19;
	s18 =	sand.u32 $0x70, s23;
	v3 =	vbroadcast v4, $0xC;
	v4 =	vbroadcast v4, $0xD  }
0xed: {  	s18 =	sor.u32 s18, s19  }
0xee: {  	v7 =	vmul.f32 v5, v3;
	v8 =	vmul.f32 v6, v4;
	v5 =	vld [tilespmem:s18+$0x1B00]  }
0xef: {  	v6 =	vld [tilespmem:s18+$0x1B80]  }
0xf0: {  	s20 =	simm.s32 $0x100;
	s19 =	simm.s32 $0x20;
	v7 =	vadd.f32 v8, v7  }
.LBB2_15:
0xf1: {  	s21 =	sand.u32 $0x70, s19  }
0xf2: {  	s22 =	sand.u32 $0x1C00, s20;
	[tilespmem:s17+$0xC400] =	vst v7;
	s17 =	smov.u32 s18;
	p0 =	sne.s32 s19, $0x2F0  }
.Ltmp6:
0xf3: {  	s19 =	sadd.s32 $0x10, s19;
	s18 =	sor.u32 s21, s22;
	(pc) =	sbr.rel @p0 .LBB2_15-.Ltmp6, $4  }
0xf4: {  	v7 =	vmul.f32 v5, v3;
	v5 =	vld [tilespmem:s18+$0x1B00];
	v8 =	vmul.f32 v6, v4  }
0xf5: {  	v6 =	vld [tilespmem:s18+$0x1B80]  }
0xf6: {  	v7 =	vadd.f32 v8, v7  }
0xf7: {  	s20 =	sadd.s32 $0x80, s20  }
0xf8: {  	_ =	sdelay $0x1  }
0xf9: {  	v3 =	vmul.f32 v5, v3;
	v4 =	vmul.f32 v6, v4;
	_ =	sdelay $0x1  }
0xfa: {  	v3 =	vadd.f32 v4, v3  }
0xfb: {  	[tilespmem:s17+$0xC400] =	vst v7  }
0xfc: {  	[tilespmem:s18+$0xC400] =	vst v3  }
0xfd: {  	v4 =	vld [tilespmem:$0x80];
	_ =	sdelay $0x2  }
0xfe: {  	s17 =	simm.s32 $0x0  }
0xff: {  	s23 =	sand.u32 $0x70, s17;
	s19 =	sand.u32 $0x1C00, s17  }
0x100: {  	s20 =	sor.u32 s23, s19;
	s19 =	simm.s32 $0x10;
	s18 =	simm.s32 $0x0;
	v3 =	vbroadcast v4, $0xE;
	v4 =	vbroadcast v4, $0xF  }
.LBB2_17:
0x101: {  	p0 =	sne.s32 s19, $0x2F0;
	v5 =	vld [tilespmem:s20+$0x1C00]  }
0x102: {  	v6 =	vld [tilespmem:s20+$0x1C80];
	_ =	sdelay $0x4  }
.Ltmp7:
0x103: {  	v5 =	vmul.f32 v5, v3;
	v6 =	vmul.f32 v6, v4;
	(pc) =	sbr.rel @p0 .LBB2_17-.Ltmp7, $4  }
0x104: {  	_ = 	snop  }
0x105: {  	s20 =	sor.u32 s18, s17;
	s18 =	sadd.s32 $0x80, s18;
	s17 =	smov.u32 s19;
	v5 =	vadd.f32 v6, v5  }
0x106: {  	s21 =	sand.u32 $0x70, s19;
	s22 =	sand.u32 $0x1C00, s18;
	s23 =	sor.u32 $0x380, s20  }
0x107: {  	s19 =	sadd.s32 $0x10, s19;
	s20 =	sor.u32 s21, s22;
	[tilespmem:s23+$0xC100] =	vst v5  }
0x108: {  	v5 =	vld [tilespmem:s20+$0x1C00]  }
0x109: {  	v6 =	vld [tilespmem:s20+$0x1C80];
	_ =	sdelay $0x4  }
0x10a: {  	v3 =	vmul.f32 v5, v3;
	v4 =	vmul.f32 v6, v4;
	_ =	sdelay $0x1  }
0x10b: {  	s17 =	sor.u32 s18, s17;
	v3 =	vadd.f32 v4, v3  }
0x10c: {  	s21 =	simm.s32 $0x0;
	s17 =	sor.u32 $0x380, s17  }
0x10d: {  	s22 =	sand.u32 $0x70, s21;
	s18 =	sand.u32 $0x1C00, s21;
	[tilespmem:s17+$0xC100] =	vst v3  }
0x10e: {  	s17 =	sor.u32 s22, s18;
	v4 =	vld [tilespmem:$0x90]  }
0x10f: {  	v5 =	vld [tilespmem:s17+$0x3100]  }
0x110: {  	v6 =	vld [tilespmem:s17+$0x3180];
	_ =	sdelay $0x1  }
0x111: {  	s23 =	simm.s32 $0x10;
	s19 =	simm.s32 $0x80  }
0x112: {  	s19 =	sand.u32 $0x1C00, s19;
	s18 =	sand.u32 $0x70, s23;
	v3 =	vbroadcast v4, $0x0;
	v4 =	vbroadcast v4, $0x1  }
0x113: {  	s18 =	sor.u32 s18, s19  }
0x114: {  	v7 =	vmul.f32 v5, v3;
	v8 =	vmul.f32 v6, v4;
	v5 =	vld [tilespmem:s18+$0x3100]  }
0x115: {  	v6 =	vld [tilespmem:s18+$0x3180]  }
0x116: {  	s20 =	simm.s32 $0x100;
	s19 =	simm.s32 $0x20;
	v7 =	vadd.f32 v8, v7  }
.LBB2_19:
0x117: {  	s21 =	sand.u32 $0x70, s19  }
0x118: {  	s22 =	sand.u32 $0x1C00, s20;
	[tilespmem:s17+$0xD900] =	vst v7;
	s17 =	smov.u32 s18;
	p0 =	sne.s32 s19, $0x2F0  }
.Ltmp8:
0x119: {  	s19 =	sadd.s32 $0x10, s19;
	s18 =	sor.u32 s21, s22;
	(pc) =	sbr.rel @p0 .LBB2_19-.Ltmp8, $4  }
0x11a: {  	v7 =	vmul.f32 v5, v3;
	v5 =	vld [tilespmem:s18+$0x3100];
	v8 =	vmul.f32 v6, v4  }
0x11b: {  	v6 =	vld [tilespmem:s18+$0x3180]  }
0x11c: {  	v7 =	vadd.f32 v8, v7  }
0x11d: {  	s20 =	sadd.s32 $0x80, s20  }
0x11e: {  	_ =	sdelay $0x1  }
0x11f: {  	v3 =	vmul.f32 v5, v3;
	v4 =	vmul.f32 v6, v4;
	_ =	sdelay $0x1  }
0x120: {  	v3 =	vadd.f32 v4, v3  }
0x121: {  	[tilespmem:s17+$0xD900] =	vst v7;
	s21 =	simm.s32 $0x0  }
0x122: {  	s22 =	sand.u32 $0x70, s21;
	s17 =	sand.u32 $0x1C00, s21;
	[tilespmem:s18+$0xD900] =	vst v3  }
0x123: {  	s17 =	sor.u32 s22, s17;
	v4 =	vld [tilespmem:$0x90]  }
0x124: {  	v5 =	vld [tilespmem:s17+$0x3200]  }
0x125: {  	v6 =	vld [tilespmem:s17+$0x3280];
	_ =	sdelay $0x1  }
0x126: {  	s23 =	simm.s32 $0x10;
	s19 =	simm.s32 $0x80  }
0x127: {  	s19 =	sand.u32 $0x1C00, s19;
	s18 =	sand.u32 $0x70, s23;
	v3 =	vbroadcast v4, $0x2;
	v4 =	vbroadcast v4, $0x3  }
0x128: {  	s18 =	sor.u32 s18, s19  }
0x129: {  	v7 =	vmul.f32 v5, v3;
	v8 =	vmul.f32 v6, v4;
	v5 =	vld [tilespmem:s18+$0x3200]  }
0x12a: {  	v6 =	vld [tilespmem:s18+$0x3280]  }
0x12b: {  	s20 =	simm.s32 $0x100;
	s19 =	simm.s32 $0x20;
	v7 =	vadd.f32 v8, v7  }
.LBB2_21:
0x12c: {  	s21 =	sand.u32 $0x70, s19  }
0x12d: {  	s22 =	sand.u32 $0x1C00, s20;
	[tilespmem:s17+$0xD980] =	vst v7;
	s17 =	smov.u32 s18;
	p0 =	sne.s32 s19, $0x2F0  }
.Ltmp9:
0x12e: {  	s19 =	sadd.s32 $0x10, s19;
	s18 =	sor.u32 s21, s22;
	(pc) =	sbr.rel @p0 .LBB2_21-.Ltmp9, $4  }
0x12f: {  	v7 =	vmul.f32 v5, v3;
	v5 =	vld [tilespmem:s18+$0x3200];
	v8 =	vmul.f32 v6, v4  }
0x130: {  	v6 =	vld [tilespmem:s18+$0x3280]  }
0x131: {  	v7 =	vadd.f32 v8, v7  }
0x132: {  	s20 =	sadd.s32 $0x80, s20  }
0x133: {  	_ =	sdelay $0x1  }
0x134: {  	v3 =	vmul.f32 v5, v3;
	v4 =	vmul.f32 v6, v4;
	_ =	sdelay $0x1  }
0x135: {  	v3 =	vadd.f32 v4, v3  }
0x136: {  	[tilespmem:s17+$0xD980] =	vst v7;
	s21 =	simm.s32 $0x0  }
0x137: {  	s22 =	sand.u32 $0x70, s21;
	s17 =	sand.u32 $0x1C00, s21;
	[tilespmem:s18+$0xD980] =	vst v3  }
0x138: {  	s17 =	sor.u32 s22, s17;
	v4 =	vld [tilespmem:$0x90]  }
0x139: {  	v5 =	vld [tilespmem:s17+$0x3300]  }
0x13a: {  	v6 =	vld [tilespmem:s17+$0x3380];
	_ =	sdelay $0x1  }
0x13b: {  	s23 =	simm.s32 $0x10;
	s19 =	simm.s32 $0x80  }
0x13c: {  	s19 =	sand.u32 $0x1C00, s19;
	s18 =	sand.u32 $0x70, s23;
	v3 =	vbroadcast v4, $0x4;
	v4 =	vbroadcast v4, $0x5  }
0x13d: {  	s18 =	sor.u32 s18, s19  }
0x13e: {  	v7 =	vmul.f32 v5, v3;
	v8 =	vmul.f32 v6, v4;
	v5 =	vld [tilespmem:s18+$0x3300]  }
0x13f: {  	v6 =	vld [tilespmem:s18+$0x3380]  }
0x140: {  	s20 =	simm.s32 $0x100;
	s19 =	simm.s32 $0x20;
	v7 =	vadd.f32 v8, v7  }
.LBB2_23:
0x141: {  	s21 =	sand.u32 $0x70, s19  }
0x142: {  	s22 =	sand.u32 $0x1C00, s20;
	[tilespmem:s17+$0xDA00] =	vst v7;
	s17 =	smov.u32 s18;
	p0 =	sne.s32 s19, $0x2F0  }
.Ltmp10:
0x143: {  	s19 =	sadd.s32 $0x10, s19;
	s18 =	sor.u32 s21, s22;
	(pc) =	sbr.rel @p0 .LBB2_23-.Ltmp10, $4  }
0x144: {  	v7 =	vmul.f32 v5, v3;
	v5 =	vld [tilespmem:s18+$0x3300];
	v8 =	vmul.f32 v6, v4  }
0x145: {  	v6 =	vld [tilespmem:s18+$0x3380]  }
0x146: {  	v7 =	vadd.f32 v8, v7  }
0x147: {  	s20 =	sadd.s32 $0x80, s20  }
0x148: {  	_ =	sdelay $0x1  }
0x149: {  	v3 =	vmul.f32 v5, v3;
	v4 =	vmul.f32 v6, v4;
	_ =	sdelay $0x1  }
0x14a: {  	v3 =	vadd.f32 v4, v3  }
0x14b: {  	[tilespmem:s17+$0xDA00] =	vst v7;
	s21 =	simm.s32 $0x0  }
0x14c: {  	s22 =	sand.u32 $0x70, s21;
	s17 =	sand.u32 $0x1C00, s21;
	[tilespmem:s18+$0xDA00] =	vst v3  }
0x14d: {  	s17 =	sor.u32 s22, s17;
	v4 =	vld [tilespmem:$0x90]  }
0x14e: {  	v5 =	vld [tilespmem:s17+$0x3400]  }
0x14f: {  	v6 =	vld [tilespmem:s17+$0x3480];
	_ =	sdelay $0x1  }
0x150: {  	s23 =	simm.s32 $0x10;
	s19 =	simm.s32 $0x80  }
0x151: {  	s19 =	sand.u32 $0x1C00, s19;
	s18 =	sand.u32 $0x70, s23;
	v3 =	vbroadcast v4, $0x6;
	v4 =	vbroadcast v4, $0x7  }
0x152: {  	s18 =	sor.u32 s18, s19  }
0x153: {  	v7 =	vmul.f32 v5, v3;
	v8 =	vmul.f32 v6, v4;
	v5 =	vld [tilespmem:s18+$0x3400]  }
0x154: {  	v6 =	vld [tilespmem:s18+$0x3480]  }
0x155: {  	s20 =	simm.s32 $0x100;
	s19 =	simm.s32 $0x20;
	v7 =	vadd.f32 v8, v7  }
.LBB2_25:
0x156: {  	s21 =	sand.u32 $0x70, s19  }
0x157: {  	s22 =	sand.u32 $0x1C00, s20;
	[tilespmem:s17+$0xDA80] =	vst v7;
	s17 =	smov.u32 s18;
	p0 =	sne.s32 s19, $0x2F0  }
.Ltmp11:
0x158: {  	s19 =	sadd.s32 $0x10, s19;
	s18 =	sor.u32 s21, s22;
	(pc) =	sbr.rel @p0 .LBB2_25-.Ltmp11, $4  }
0x159: {  	v7 =	vmul.f32 v5, v3;
	v5 =	vld [tilespmem:s18+$0x3400];
	v8 =	vmul.f32 v6, v4  }
0x15a: {  	v6 =	vld [tilespmem:s18+$0x3480]  }
0x15b: {  	v7 =	vadd.f32 v8, v7  }
0x15c: {  	s20 =	sadd.s32 $0x80, s20  }
0x15d: {  	_ =	sdelay $0x1  }
0x15e: {  	v3 =	vmul.f32 v5, v3;
	v4 =	vmul.f32 v6, v4;
	_ =	sdelay $0x1  }
0x15f: {  	v3 =	vadd.f32 v4, v3  }
0x160: {  	[tilespmem:s17+$0xDA80] =	vst v7;
	s21 =	simm.s32 $0x0  }
0x161: {  	s22 =	sand.u32 $0x70, s21;
	s17 =	sand.u32 $0x1C00, s21;
	[tilespmem:s18+$0xDA80] =	vst v3  }
0x162: {  	s17 =	sor.u32 s22, s17;
	v4 =	vld [tilespmem:$0x90]  }
0x163: {  	v5 =	vld [tilespmem:s17+$0x4900]  }
0x164: {  	v6 =	vld [tilespmem:s17+$0x4980];
	_ =	sdelay $0x1  }
0x165: {  	s23 =	simm.s32 $0x10;
	s19 =	simm.s32 $0x80  }
0x166: {  	s19 =	sand.u32 $0x1C00, s19;
	s18 =	sand.u32 $0x70, s23;
	v3 =	vbroadcast v4, $0x8;
	v4 =	vbroadcast v4, $0x9  }
0x167: {  	s18 =	sor.u32 s18, s19  }
0x168: {  	v7 =	vmul.f32 v5, v3;
	v8 =	vmul.f32 v6, v4;
	v5 =	vld [tilespmem:s18+$0x4900]  }
0x169: {  	v6 =	vld [tilespmem:s18+$0x4980]  }
0x16a: {  	s20 =	simm.s32 $0x100;
	s19 =	simm.s32 $0x20;
	v7 =	vadd.f32 v8, v7  }
.LBB2_27:
0x16b: {  	s21 =	sand.u32 $0x70, s19  }
0x16c: {  	s22 =	sand.u32 $0x1C00, s20;
	[tilespmem:s17+$0xDB00] =	vst v7;
	s17 =	smov.u32 s18;
	p0 =	sne.s32 s19, $0x2F0  }
.Ltmp12:
0x16d: {  	s19 =	sadd.s32 $0x10, s19;
	s18 =	sor.u32 s21, s22;
	(pc) =	sbr.rel @p0 .LBB2_27-.Ltmp12, $4  }
0x16e: {  	v7 =	vmul.f32 v5, v3;
	v5 =	vld [tilespmem:s18+$0x4900];
	v8 =	vmul.f32 v6, v4  }
0x16f: {  	v6 =	vld [tilespmem:s18+$0x4980]  }
0x170: {  	v7 =	vadd.f32 v8, v7  }
0x171: {  	s20 =	sadd.s32 $0x80, s20  }
0x172: {  	_ =	sdelay $0x1  }
0x173: {  	v3 =	vmul.f32 v5, v3;
	v4 =	vmul.f32 v6, v4;
	_ =	sdelay $0x1  }
0x174: {  	v3 =	vadd.f32 v4, v3  }
0x175: {  	[tilespmem:s17+$0xDB00] =	vst v7;
	s21 =	simm.s32 $0x0  }
0x176: {  	s22 =	sand.u32 $0x70, s21;
	s17 =	sand.u32 $0x1C00, s21;
	[tilespmem:s18+$0xDB00] =	vst v3  }
0x177: {  	s17 =	sor.u32 s22, s17;
	v4 =	vld [tilespmem:$0x90]  }
0x178: {  	v5 =	vld [tilespmem:s17+$0x4A00]  }
0x179: {  	v6 =	vld [tilespmem:s17+$0x4A80];
	_ =	sdelay $0x1  }
0x17a: {  	s23 =	simm.s32 $0x10;
	s19 =	simm.s32 $0x80  }
0x17b: {  	s19 =	sand.u32 $0x1C00, s19;
	s18 =	sand.u32 $0x70, s23;
	v3 =	vbroadcast v4, $0xA;
	v4 =	vbroadcast v4, $0xB  }
0x17c: {  	s18 =	sor.u32 s18, s19  }
0x17d: {  	v7 =	vmul.f32 v5, v3;
	v8 =	vmul.f32 v6, v4;
	v5 =	vld [tilespmem:s18+$0x4A00]  }
0x17e: {  	v6 =	vld [tilespmem:s18+$0x4A80]  }
0x17f: {  	s20 =	simm.s32 $0x100;
	s19 =	simm.s32 $0x20;
	v7 =	vadd.f32 v8, v7  }
.LBB2_29:
0x180: {  	s21 =	sand.u32 $0x70, s19  }
0x181: {  	s22 =	sand.u32 $0x1C00, s20;
	[tilespmem:s17+$0xDB80] =	vst v7;
	s17 =	smov.u32 s18;
	p0 =	sne.s32 s19, $0x2F0  }
.Ltmp13:
0x182: {  	s19 =	sadd.s32 $0x10, s19;
	s18 =	sor.u32 s21, s22;
	(pc) =	sbr.rel @p0 .LBB2_29-.Ltmp13, $4  }
0x183: {  	v7 =	vmul.f32 v5, v3;
	v5 =	vld [tilespmem:s18+$0x4A00];
	v8 =	vmul.f32 v6, v4  }
0x184: {  	v6 =	vld [tilespmem:s18+$0x4A80]  }
0x185: {  	v7 =	vadd.f32 v8, v7  }
0x186: {  	s20 =	sadd.s32 $0x80, s20  }
0x187: {  	_ =	sdelay $0x1  }
0x188: {  	v3 =	vmul.f32 v5, v3;
	v4 =	vmul.f32 v6, v4;
	_ =	sdelay $0x1  }
0x189: {  	v3 =	vadd.f32 v4, v3  }
0x18a: {  	[tilespmem:s17+$0xDB80] =	vst v7;
	s21 =	simm.s32 $0x0  }
0x18b: {  	s22 =	sand.u32 $0x70, s21;
	s17 =	sand.u32 $0x1C00, s21;
	[tilespmem:s18+$0xDB80] =	vst v3  }
0x18c: {  	s17 =	sor.u32 s22, s17;
	v4 =	vld [tilespmem:$0x90]  }
0x18d: {  	v5 =	vld [tilespmem:s17+$0x4B00]  }
0x18e: {  	v6 =	vld [tilespmem:s17+$0x4B80];
	_ =	sdelay $0x1  }
0x18f: {  	s23 =	simm.s32 $0x10;
	s19 =	simm.s32 $0x80  }
0x190: {  	s19 =	sand.u32 $0x1C00, s19;
	s18 =	sand.u32 $0x70, s23;
	v3 =	vbroadcast v4, $0xC;
	v4 =	vbroadcast v4, $0xD  }
0x191: {  	s18 =	sor.u32 s18, s19  }
0x192: {  	v7 =	vmul.f32 v5, v3;
	v8 =	vmul.f32 v6, v4;
	v5 =	vld [tilespmem:s18+$0x4B00]  }
0x193: {  	v6 =	vld [tilespmem:s18+$0x4B80]  }
0x194: {  	s20 =	simm.s32 $0x100;
	s19 =	simm.s32 $0x20;
	v7 =	vadd.f32 v8, v7  }
.LBB2_31:
0x195: {  	s21 =	sand.u32 $0x70, s19  }
0x196: {  	s22 =	sand.u32 $0x1C00, s20;
	[tilespmem:s17+$0xDC00] =	vst v7;
	s17 =	smov.u32 s18;
	p0 =	sne.s32 s19, $0x2F0  }
.Ltmp14:
0x197: {  	s19 =	sadd.s32 $0x10, s19;
	s18 =	sor.u32 s21, s22;
	(pc) =	sbr.rel @p0 .LBB2_31-.Ltmp14, $4  }
0x198: {  	v7 =	vmul.f32 v5, v3;
	v5 =	vld [tilespmem:s18+$0x4B00];
	v8 =	vmul.f32 v6, v4  }
0x199: {  	v6 =	vld [tilespmem:s18+$0x4B80]  }
0x19a: {  	v7 =	vadd.f32 v8, v7  }
0x19b: {  	s20 =	sadd.s32 $0x80, s20  }
0x19c: {  	_ =	sdelay $0x1  }
0x19d: {  	v3 =	vmul.f32 v5, v3;
	v4 =	vmul.f32 v6, v4;
	_ =	sdelay $0x1  }
0x19e: {  	v3 =	vadd.f32 v4, v3  }
0x19f: {  	[tilespmem:s17+$0xDC00] =	vst v7;
	s21 =	simm.s32 $0x0  }
0x1a0: {  	s22 =	sand.u32 $0x70, s21;
	s17 =	sand.u32 $0x1C00, s21;
	[tilespmem:s18+$0xDC00] =	vst v3  }
0x1a1: {  	s17 =	sor.u32 s22, s17;
	v4 =	vld [tilespmem:$0x90]  }
0x1a2: {  	v5 =	vld [tilespmem:s17+$0x4C00]  }
0x1a3: {  	v6 =	vld [tilespmem:s17+$0x4C80];
	_ =	sdelay $0x1  }
0x1a4: {  	s23 =	simm.s32 $0x10;
	s19 =	simm.s32 $0x80  }
0x1a5: {  	s19 =	sand.u32 $0x1C00, s19;
	s18 =	sand.u32 $0x70, s23;
	v3 =	vbroadcast v4, $0xE;
	v4 =	vbroadcast v4, $0xF  }
0x1a6: {  	s18 =	sor.u32 s18, s19  }
0x1a7: {  	v7 =	vmul.f32 v5, v3;
	v8 =	vmul.f32 v6, v4;
	v5 =	vld [tilespmem:s18+$0x4C00]  }
0x1a8: {  	v6 =	vld [tilespmem:s18+$0x4C80]  }
0x1a9: {  	s20 =	simm.s32 $0x100;
	s19 =	simm.s32 $0x20;
	v7 =	vadd.f32 v8, v7  }
.LBB2_33:
0x1aa: {  	s21 =	sand.u32 $0x70, s19  }
0x1ab: {  	s22 =	sand.u32 $0x1C00, s20;
	[tilespmem:s17+$0xDC80] =	vst v7;
	s17 =	smov.u32 s18;
	p0 =	sne.s32 s19, $0x2F0  }
.Ltmp15:
0x1ac: {  	s19 =	sadd.s32 $0x10, s19;
	s18 =	sor.u32 s21, s22;
	(pc) =	sbr.rel @p0 .LBB2_33-.Ltmp15, $4  }
0x1ad: {  	v7 =	vmul.f32 v5, v3;
	v5 =	vld [tilespmem:s18+$0x4C00];
	v8 =	vmul.f32 v6, v4  }
0x1ae: {  	v6 =	vld [tilespmem:s18+$0x4C80]  }
0x1af: {  	v7 =	vadd.f32 v8, v7  }
0x1b0: {  	s20 =	sadd.s32 $0x80, s20  }
0x1b1: {  	_ =	sdelay $0x1  }
0x1b2: {  	v3 =	vmul.f32 v5, v3;
	v4 =	vmul.f32 v6, v4;
	_ =	sdelay $0x1  }
0x1b3: {  	v3 =	vadd.f32 v4, v3  }
0x1b4: {  	[tilespmem:s17+$0xDC80] =	vst v7;
	s21 =	simm.s32 $0x0  }
0x1b5: {  	s22 =	sand.u32 $0x70, s21;
	s17 =	sand.u32 $0x1C00, s21;
	[tilespmem:s18+$0xDC80] =	vst v3  }
0x1b6: {  	s17 =	sor.u32 s22, s17;
	v4 =	vld [tilespmem:$0xA0]  }
0x1b7: {  	v5 =	vld [tilespmem:s17+$0x6100]  }
0x1b8: {  	v6 =	vld [tilespmem:s17+$0x6180];
	_ =	sdelay $0x1  }
0x1b9: {  	s23 =	simm.s32 $0x10;
	s19 =	simm.s32 $0x80  }
0x1ba: {  	s19 =	sand.u32 $0x1C00, s19;
	s18 =	sand.u32 $0x70, s23;
	v3 =	vbroadcast v4, $0x0;
	v4 =	vbroadcast v4, $0x1  }
0x1bb: {  	s18 =	sor.u32 s18, s19  }
0x1bc: {  	v7 =	vmul.f32 v5, v3;
	v8 =	vmul.f32 v6, v4;
	v5 =	vld [tilespmem:s18+$0x6100]  }
0x1bd: {  	v6 =	vld [tilespmem:s18+$0x6180]  }
0x1be: {  	s20 =	simm.s32 $0x100;
	s19 =	simm.s32 $0x20;
	v7 =	vadd.f32 v8, v7  }
.LBB2_35:
0x1bf: {  	s21 =	sand.u32 $0x70, s19  }
0x1c0: {  	s22 =	sand.u32 $0x1C00, s20;
	[tilespmem:s17+$0xF100] =	vst v7;
	s17 =	smov.u32 s18;
	p0 =	sne.s32 s19, $0x2F0  }
.Ltmp16:
0x1c1: {  	s19 =	sadd.s32 $0x10, s19;
	s18 =	sor.u32 s21, s22;
	(pc) =	sbr.rel @p0 .LBB2_35-.Ltmp16, $4  }
0x1c2: {  	v7 =	vmul.f32 v5, v3;
	v5 =	vld [tilespmem:s18+$0x6100];
	v8 =	vmul.f32 v6, v4  }
0x1c3: {  	v6 =	vld [tilespmem:s18+$0x6180]  }
0x1c4: {  	v7 =	vadd.f32 v8, v7  }
0x1c5: {  	s20 =	sadd.s32 $0x80, s20  }
0x1c6: {  	_ =	sdelay $0x1  }
0x1c7: {  	v3 =	vmul.f32 v5, v3;
	v4 =	vmul.f32 v6, v4;
	_ =	sdelay $0x1  }
0x1c8: {  	v3 =	vadd.f32 v4, v3  }
0x1c9: {  	[tilespmem:s17+$0xF100] =	vst v7;
	s21 =	simm.s32 $0x0  }
0x1ca: {  	s22 =	sand.u32 $0x70, s21;
	s17 =	sand.u32 $0x1C00, s21;
	[tilespmem:s18+$0xF100] =	vst v3  }
0x1cb: {  	s17 =	sor.u32 s22, s17;
	v4 =	vld [tilespmem:$0xA0]  }
0x1cc: {  	v5 =	vld [tilespmem:s17+$0x6200]  }
0x1cd: {  	v6 =	vld [tilespmem:s17+$0x6280];
	_ =	sdelay $0x1  }
0x1ce: {  	s23 =	simm.s32 $0x10;
	s19 =	simm.s32 $0x80  }
0x1cf: {  	s19 =	sand.u32 $0x1C00, s19;
	s18 =	sand.u32 $0x70, s23;
	v3 =	vbroadcast v4, $0x2;
	v4 =	vbroadcast v4, $0x3  }
0x1d0: {  	s18 =	sor.u32 s18, s19  }
0x1d1: {  	v7 =	vmul.f32 v5, v3;
	v8 =	vmul.f32 v6, v4;
	v5 =	vld [tilespmem:s18+$0x6200]  }
0x1d2: {  	v6 =	vld [tilespmem:s18+$0x6280]  }
0x1d3: {  	s20 =	simm.s32 $0x100;
	s19 =	simm.s32 $0x20;
	v7 =	vadd.f32 v8, v7  }
.LBB2_37:
0x1d4: {  	s21 =	sand.u32 $0x70, s19  }
0x1d5: {  	s22 =	sand.u32 $0x1C00, s20;
	[tilespmem:s17+$0xF180] =	vst v7;
	s17 =	smov.u32 s18;
	p0 =	sne.s32 s19, $0x2F0  }
.Ltmp17:
0x1d6: {  	s19 =	sadd.s32 $0x10, s19;
	s18 =	sor.u32 s21, s22;
	(pc) =	sbr.rel @p0 .LBB2_37-.Ltmp17, $4  }
0x1d7: {  	v7 =	vmul.f32 v5, v3;
	v5 =	vld [tilespmem:s18+$0x6200];
	v8 =	vmul.f32 v6, v4  }
0x1d8: {  	v6 =	vld [tilespmem:s18+$0x6280]  }
0x1d9: {  	v7 =	vadd.f32 v8, v7  }
0x1da: {  	s20 =	sadd.s32 $0x80, s20  }
0x1db: {  	_ =	sdelay $0x1  }
0x1dc: {  	v3 =	vmul.f32 v5, v3;
	v4 =	vmul.f32 v6, v4;
	_ =	sdelay $0x1  }
0x1dd: {  	v3 =	vadd.f32 v4, v3  }
0x1de: {  	[tilespmem:s17+$0xF180] =	vst v7;
	s21 =	simm.s32 $0x0  }
0x1df: {  	s22 =	sand.u32 $0x70, s21;
	s17 =	sand.u32 $0x1C00, s21;
	[tilespmem:s18+$0xF180] =	vst v3  }
0x1e0: {  	s17 =	sor.u32 s22, s17;
	v4 =	vld [tilespmem:$0xA0]  }
0x1e1: {  	v5 =	vld [tilespmem:s17+$0x6300]  }
0x1e2: {  	v6 =	vld [tilespmem:s17+$0x6380];
	_ =	sdelay $0x1  }
0x1e3: {  	s23 =	simm.s32 $0x10;
	s19 =	simm.s32 $0x80  }
0x1e4: {  	s19 =	sand.u32 $0x1C00, s19;
	s18 =	sand.u32 $0x70, s23;
	v3 =	vbroadcast v4, $0x4;
	v4 =	vbroadcast v4, $0x5  }
0x1e5: {  	s18 =	sor.u32 s18, s19  }
0x1e6: {  	v7 =	vmul.f32 v5, v3;
	v8 =	vmul.f32 v6, v4;
	v5 =	vld [tilespmem:s18+$0x6300]  }
0x1e7: {  	v6 =	vld [tilespmem:s18+$0x6380]  }
0x1e8: {  	s20 =	simm.s32 $0x100;
	s19 =	simm.s32 $0x20;
	v7 =	vadd.f32 v8, v7  }
.LBB2_39:
0x1e9: {  	s21 =	sand.u32 $0x70, s19  }
0x1ea: {  	s22 =	sand.u32 $0x1C00, s20;
	[tilespmem:s17+$0xF200] =	vst v7;
	s17 =	smov.u32 s18;
	p0 =	sne.s32 s19, $0x2F0  }
.Ltmp18:
0x1eb: {  	s19 =	sadd.s32 $0x10, s19;
	s18 =	sor.u32 s21, s22;
	(pc) =	sbr.rel @p0 .LBB2_39-.Ltmp18, $4  }
0x1ec: {  	v7 =	vmul.f32 v5, v3;
	v5 =	vld [tilespmem:s18+$0x6300];
	v8 =	vmul.f32 v6, v4  }
0x1ed: {  	v6 =	vld [tilespmem:s18+$0x6380]  }
0x1ee: {  	v7 =	vadd.f32 v8, v7  }
0x1ef: {  	s20 =	sadd.s32 $0x80, s20  }
0x1f0: {  	_ =	sdelay $0x1  }
0x1f1: {  	v3 =	vmul.f32 v5, v3;
	v4 =	vmul.f32 v6, v4;
	_ =	sdelay $0x1  }
0x1f2: {  	v3 =	vadd.f32 v4, v3  }
0x1f3: {  	[tilespmem:s17+$0xF200] =	vst v7;
	s21 =	simm.s32 $0x0  }
0x1f4: {  	s22 =	sand.u32 $0x70, s21;
	s17 =	sand.u32 $0x1C00, s21;
	[tilespmem:s18+$0xF200] =	vst v3  }
0x1f5: {  	s17 =	sor.u32 s22, s17;
	v4 =	vld [tilespmem:$0xA0]  }
0x1f6: {  	v5 =	vld [tilespmem:s17+$0x6400]  }
0x1f7: {  	v6 =	vld [tilespmem:s17+$0x6480];
	_ =	sdelay $0x1  }
0x1f8: {  	s23 =	simm.s32 $0x10;
	s19 =	simm.s32 $0x80  }
0x1f9: {  	s19 =	sand.u32 $0x1C00, s19;
	s18 =	sand.u32 $0x70, s23;
	v3 =	vbroadcast v4, $0x6;
	v4 =	vbroadcast v4, $0x7  }
0x1fa: {  	s18 =	sor.u32 s18, s19  }
0x1fb: {  	v7 =	vmul.f32 v5, v3;
	v8 =	vmul.f32 v6, v4;
	v5 =	vld [tilespmem:s18+$0x6400]  }
0x1fc: {  	v6 =	vld [tilespmem:s18+$0x6480]  }
0x1fd: {  	s20 =	simm.s32 $0x100;
	s19 =	simm.s32 $0x20;
	v7 =	vadd.f32 v8, v7  }
.LBB2_41:
0x1fe: {  	s21 =	sand.u32 $0x70, s19  }
0x1ff: {  	s22 =	sand.u32 $0x1C00, s20;
	[tilespmem:s17+$0xF280] =	vst v7;
	s17 =	smov.u32 s18;
	p0 =	sne.s32 s19, $0x2F0  }
.Ltmp19:
0x200: {  	s19 =	sadd.s32 $0x10, s19;
	s18 =	sor.u32 s21, s22;
	(pc) =	sbr.rel @p0 .LBB2_41-.Ltmp19, $4  }
0x201: {  	v7 =	vmul.f32 v5, v3;
	v5 =	vld [tilespmem:s18+$0x6400];
	v8 =	vmul.f32 v6, v4  }
0x202: {  	v6 =	vld [tilespmem:s18+$0x6480]  }
0x203: {  	v7 =	vadd.f32 v8, v7  }
0x204: {  	s20 =	sadd.s32 $0x80, s20  }
0x205: {  	_ =	sdelay $0x1  }
0x206: {  	v3 =	vmul.f32 v5, v3;
	v4 =	vmul.f32 v6, v4;
	_ =	sdelay $0x1  }
0x207: {  	v3 =	vadd.f32 v4, v3  }
0x208: {  	[tilespmem:s17+$0xF280] =	vst v7;
	s21 =	simm.s32 $0x0  }
0x209: {  	s22 =	sand.u32 $0x70, s21;
	s17 =	sand.u32 $0x1C00, s21;
	[tilespmem:s18+$0xF280] =	vst v3  }
0x20a: {  	s17 =	sor.u32 s22, s17;
	v4 =	vld [tilespmem:$0xA0]  }
0x20b: {  	v5 =	vld [tilespmem:s17+$0x7900]  }
0x20c: {  	v6 =	vld [tilespmem:s17+$0x7980];
	_ =	sdelay $0x1  }
0x20d: {  	s23 =	simm.s32 $0x10;
	s19 =	simm.s32 $0x80  }
0x20e: {  	s19 =	sand.u32 $0x1C00, s19;
	s18 =	sand.u32 $0x70, s23;
	v3 =	vbroadcast v4, $0x8;
	v4 =	vbroadcast v4, $0x9  }
0x20f: {  	s18 =	sor.u32 s18, s19  }
0x210: {  	v7 =	vmul.f32 v5, v3;
	v8 =	vmul.f32 v6, v4;
	v5 =	vld [tilespmem:s18+$0x7900]  }
0x211: {  	v6 =	vld [tilespmem:s18+$0x7980]  }
0x212: {  	s20 =	simm.s32 $0x100;
	s19 =	simm.s32 $0x20;
	v7 =	vadd.f32 v8, v7  }
.LBB2_43:
0x213: {  	s21 =	sand.u32 $0x70, s19  }
0x214: {  	s22 =	sand.u32 $0x1C00, s20;
	[tilespmem:s17+$0xF300] =	vst v7;
	s17 =	smov.u32 s18;
	p0 =	sne.s32 s19, $0x2F0  }
.Ltmp20:
0x215: {  	s19 =	sadd.s32 $0x10, s19;
	s18 =	sor.u32 s21, s22;
	(pc) =	sbr.rel @p0 .LBB2_43-.Ltmp20, $4  }
0x216: {  	v7 =	vmul.f32 v5, v3;
	v5 =	vld [tilespmem:s18+$0x7900];
	v8 =	vmul.f32 v6, v4  }
0x217: {  	v6 =	vld [tilespmem:s18+$0x7980]  }
0x218: {  	v7 =	vadd.f32 v8, v7  }
0x219: {  	s20 =	sadd.s32 $0x80, s20  }
0x21a: {  	_ =	sdelay $0x1  }
0x21b: {  	v3 =	vmul.f32 v5, v3;
	v4 =	vmul.f32 v6, v4;
	_ =	sdelay $0x1  }
0x21c: {  	v3 =	vadd.f32 v4, v3  }
0x21d: {  	[tilespmem:s17+$0xF300] =	vst v7;
	s21 =	simm.s32 $0x0  }
0x21e: {  	s22 =	sand.u32 $0x70, s21;
	s17 =	sand.u32 $0x1C00, s21;
	[tilespmem:s18+$0xF300] =	vst v3  }
0x21f: {  	s17 =	sor.u32 s22, s17;
	v4 =	vld [tilespmem:$0xA0]  }
0x220: {  	v5 =	vld [tilespmem:s17+$0x7A00]  }
0x221: {  	v6 =	vld [tilespmem:s17+$0x7A80];
	_ =	sdelay $0x1  }
0x222: {  	s23 =	simm.s32 $0x10;
	s19 =	simm.s32 $0x80  }
0x223: {  	s19 =	sand.u32 $0x1C00, s19;
	s18 =	sand.u32 $0x70, s23;
	v3 =	vbroadcast v4, $0xA;
	v4 =	vbroadcast v4, $0xB  }
0x224: {  	s18 =	sor.u32 s18, s19  }
0x225: {  	v7 =	vmul.f32 v5, v3;
	v8 =	vmul.f32 v6, v4;
	v5 =	vld [tilespmem:s18+$0x7A00]  }
0x226: {  	v6 =	vld [tilespmem:s18+$0x7A80]  }
0x227: {  	s20 =	simm.s32 $0x100;
	s19 =	simm.s32 $0x20;
	v7 =	vadd.f32 v8, v7  }
.LBB2_45:
0x228: {  	s21 =	sand.u32 $0x70, s19  }
0x229: {  	s22 =	sand.u32 $0x1C00, s20;
	[tilespmem:s17+$0xF380] =	vst v7;
	s17 =	smov.u32 s18;
	p0 =	sne.s32 s19, $0x2F0  }
.Ltmp21:
0x22a: {  	s19 =	sadd.s32 $0x10, s19;
	s18 =	sor.u32 s21, s22;
	(pc) =	sbr.rel @p0 .LBB2_45-.Ltmp21, $4  }
0x22b: {  	v7 =	vmul.f32 v5, v3;
	v5 =	vld [tilespmem:s18+$0x7A00];
	v8 =	vmul.f32 v6, v4  }
0x22c: {  	v6 =	vld [tilespmem:s18+$0x7A80]  }
0x22d: {  	v7 =	vadd.f32 v8, v7  }
0x22e: {  	s20 =	sadd.s32 $0x80, s20  }
0x22f: {  	_ =	sdelay $0x1  }
0x230: {  	v3 =	vmul.f32 v5, v3;
	v4 =	vmul.f32 v6, v4;
	_ =	sdelay $0x1  }
0x231: {  	v3 =	vadd.f32 v4, v3  }
0x232: {  	[tilespmem:s17+$0xF380] =	vst v7;
	s21 =	simm.s32 $0x0  }
0x233: {  	s22 =	sand.u32 $0x70, s21;
	s17 =	sand.u32 $0x1C00, s21;
	[tilespmem:s18+$0xF380] =	vst v3  }
0x234: {  	s17 =	sor.u32 s22, s17;
	v4 =	vld [tilespmem:$0xA0]  }
0x235: {  	v5 =	vld [tilespmem:s17+$0x7B00]  }
0x236: {  	v6 =	vld [tilespmem:s17+$0x7B80];
	_ =	sdelay $0x1  }
0x237: {  	s23 =	simm.s32 $0x10;
	s19 =	simm.s32 $0x80  }
0x238: {  	s19 =	sand.u32 $0x1C00, s19;
	s18 =	sand.u32 $0x70, s23;
	v3 =	vbroadcast v4, $0xC;
	v4 =	vbroadcast v4, $0xD  }
0x239: {  	s18 =	sor.u32 s18, s19  }
0x23a: {  	v7 =	vmul.f32 v5, v3;
	v8 =	vmul.f32 v6, v4;
	v5 =	vld [tilespmem:s18+$0x7B00]  }
0x23b: {  	v6 =	vld [tilespmem:s18+$0x7B80]  }
0x23c: {  	s20 =	simm.s32 $0x100;
	s19 =	simm.s32 $0x20;
	v7 =	vadd.f32 v8, v7  }
.LBB2_47:
0x23d: {  	s21 =	sand.u32 $0x70, s19  }
0x23e: {  	s22 =	sand.u32 $0x1C00, s20;
	[tilespmem:s17+$0xF400] =	vst v7;
	s17 =	smov.u32 s18;
	p0 =	sne.s32 s19, $0x2F0  }
.Ltmp22:
0x23f: {  	s19 =	sadd.s32 $0x10, s19;
	s18 =	sor.u32 s21, s22;
	(pc) =	sbr.rel @p0 .LBB2_47-.Ltmp22, $4  }
0x240: {  	v7 =	vmul.f32 v5, v3;
	v5 =	vld [tilespmem:s18+$0x7B00];
	v8 =	vmul.f32 v6, v4  }
0x241: {  	v6 =	vld [tilespmem:s18+$0x7B80]  }
0x242: {  	v7 =	vadd.f32 v8, v7  }
0x243: {  	s20 =	sadd.s32 $0x80, s20  }
0x244: {  	_ =	sdelay $0x1  }
0x245: {  	v3 =	vmul.f32 v5, v3;
	v4 =	vmul.f32 v6, v4;
	_ =	sdelay $0x1  }
0x246: {  	v3 =	vadd.f32 v4, v3  }
0x247: {  	[tilespmem:s17+$0xF400] =	vst v7;
	s21 =	simm.s32 $0x0  }
0x248: {  	s22 =	sand.u32 $0x70, s21;
	s17 =	sand.u32 $0x1C00, s21;
	[tilespmem:s18+$0xF400] =	vst v3  }
0x249: {  	s17 =	sor.u32 s22, s17;
	v4 =	vld [tilespmem:$0xA0]  }
0x24a: {  	v5 =	vld [tilespmem:s17+$0x7C00]  }
0x24b: {  	v6 =	vld [tilespmem:s17+$0x7C80];
	_ =	sdelay $0x1  }
0x24c: {  	s23 =	simm.s32 $0x10;
	s19 =	simm.s32 $0x80  }
0x24d: {  	s19 =	sand.u32 $0x1C00, s19;
	s18 =	sand.u32 $0x70, s23;
	v3 =	vbroadcast v4, $0xE;
	v4 =	vbroadcast v4, $0xF  }
0x24e: {  	s18 =	sor.u32 s18, s19  }
0x24f: {  	v7 =	vmul.f32 v5, v3;
	v8 =	vmul.f32 v6, v4;
	v5 =	vld [tilespmem:s18+$0x7C00]  }
0x250: {  	v6 =	vld [tilespmem:s18+$0x7C80]  }
0x251: {  	s20 =	simm.s32 $0x100;
	s19 =	simm.s32 $0x20;
	v7 =	vadd.f32 v8, v7  }
.LBB2_49:
0x252: {  	s21 =	sand.u32 $0x70, s19  }
0x253: {  	s22 =	sand.u32 $0x1C00, s20;
	[tilespmem:s17+$0xF480] =	vst v7;
	s17 =	smov.u32 s18;
	p0 =	sne.s32 s19, $0x2F0  }
.Ltmp23:
0x254: {  	s19 =	sadd.s32 $0x10, s19;
	s18 =	sor.u32 s21, s22;
	(pc) =	sbr.rel @p0 .LBB2_49-.Ltmp23, $4  }
0x255: {  	v7 =	vmul.f32 v5, v3;
	v5 =	vld [tilespmem:s18+$0x7C00];
	v8 =	vmul.f32 v6, v4  }
0x256: {  	v6 =	vld [tilespmem:s18+$0x7C80]  }
0x257: {  	v7 =	vadd.f32 v8, v7  }
0x258: {  	s20 =	sadd.s32 $0x80, s20  }
0x259: {  	_ =	sdelay $0x1  }
0x25a: {  	v3 =	vmul.f32 v5, v3;
	v4 =	vmul.f32 v6, v4;
	_ =	sdelay $0x1  }
0x25b: {  	v3 =	vadd.f32 v4, v3  }
0x25c: {  	[tilespmem:s17+$0xF480] =	vst v7;
	s21 =	simm.s32 $0x0  }
0x25d: {  	s22 =	sand.u32 $0x70, s21;
	s17 =	sand.u32 $0x1C00, s21;
	[tilespmem:s18+$0xF480] =	vst v3  }
0x25e: {  	s17 =	sor.u32 s22, s17;
	v4 =	vld [tilespmem:$0xB0]  }
0x25f: {  	v5 =	vld [tilespmem:s17+$0x9100]  }
0x260: {  	v6 =	vld [tilespmem:s17+$0x9180];
	_ =	sdelay $0x1  }
0x261: {  	s23 =	simm.s32 $0x10;
	s19 =	simm.s32 $0x80  }
0x262: {  	s19 =	sand.u32 $0x1C00, s19;
	s18 =	sand.u32 $0x70, s23;
	v3 =	vbroadcast v4, $0x0;
	v4 =	vbroadcast v4, $0x1  }
0x263: {  	s18 =	sor.u32 s18, s19  }
0x264: {  	v7 =	vmul.f32 v5, v3;
	v8 =	vmul.f32 v6, v4;
	v5 =	vld [tilespmem:s18+$0x9100]  }
0x265: {  	v6 =	vld [tilespmem:s18+$0x9180]  }
0x266: {  	s20 =	simm.s32 $0x100;
	s19 =	simm.s32 $0x20;
	v7 =	vadd.f32 v8, v7  }
.LBB2_51:
0x267: {  	s21 =	sand.u32 $0x70, s19  }
0x268: {  	s22 =	sand.u32 $0x1C00, s20;
	[tilespmem:s17+$0x10900] =	vst v7;
	s17 =	smov.u32 s18;
	p0 =	sne.s32 s19, $0x2F0  }
.Ltmp24:
0x269: {  	s19 =	sadd.s32 $0x10, s19;
	s18 =	sor.u32 s21, s22;
	(pc) =	sbr.rel @p0 .LBB2_51-.Ltmp24, $4  }
0x26a: {  	v7 =	vmul.f32 v5, v3;
	v5 =	vld [tilespmem:s18+$0x9100];
	v8 =	vmul.f32 v6, v4  }
0x26b: {  	v6 =	vld [tilespmem:s18+$0x9180]  }
0x26c: {  	v7 =	vadd.f32 v8, v7  }
0x26d: {  	s20 =	sadd.s32 $0x80, s20  }
0x26e: {  	_ =	sdelay $0x1  }
0x26f: {  	v3 =	vmul.f32 v5, v3;
	v4 =	vmul.f32 v6, v4;
	_ =	sdelay $0x1  }
0x270: {  	v3 =	vadd.f32 v4, v3  }
0x271: {  	[tilespmem:s17+$0x10900] =	vst v7;
	s21 =	simm.s32 $0x0  }
0x272: {  	s22 =	sand.u32 $0x70, s21;
	s17 =	sand.u32 $0x1C00, s21;
	[tilespmem:s18+$0x10900] =	vst v3  }
0x273: {  	s17 =	sor.u32 s22, s17;
	v4 =	vld [tilespmem:$0xB0]  }
0x274: {  	v5 =	vld [tilespmem:s17+$0x9200]  }
0x275: {  	v6 =	vld [tilespmem:s17+$0x9280];
	_ =	sdelay $0x1  }
0x276: {  	s23 =	simm.s32 $0x10;
	s19 =	simm.s32 $0x80  }
0x277: {  	s19 =	sand.u32 $0x1C00, s19;
	s18 =	sand.u32 $0x70, s23;
	v3 =	vbroadcast v4, $0x2;
	v4 =	vbroadcast v4, $0x3  }
0x278: {  	s18 =	sor.u32 s18, s19  }
0x279: {  	v7 =	vmul.f32 v5, v3;
	v8 =	vmul.f32 v6, v4;
	v5 =	vld [tilespmem:s18+$0x9200]  }
0x27a: {  	v6 =	vld [tilespmem:s18+$0x9280]  }
0x27b: {  	s20 =	simm.s32 $0x100;
	s19 =	simm.s32 $0x20;
	v7 =	vadd.f32 v8, v7  }
.LBB2_53:
0x27c: {  	s21 =	sand.u32 $0x70, s19  }
0x27d: {  	s22 =	sand.u32 $0x1C00, s20;
	[tilespmem:s17+$0x10980] =	vst v7;
	s17 =	smov.u32 s18;
	p0 =	sne.s32 s19, $0x2F0  }
.Ltmp25:
0x27e: {  	s19 =	sadd.s32 $0x10, s19;
	s18 =	sor.u32 s21, s22;
	(pc) =	sbr.rel @p0 .LBB2_53-.Ltmp25, $4  }
0x27f: {  	v7 =	vmul.f32 v5, v3;
	v5 =	vld [tilespmem:s18+$0x9200];
	v8 =	vmul.f32 v6, v4  }
0x280: {  	v6 =	vld [tilespmem:s18+$0x9280]  }
0x281: {  	v7 =	vadd.f32 v8, v7  }
0x282: {  	s20 =	sadd.s32 $0x80, s20  }
0x283: {  	_ =	sdelay $0x1  }
0x284: {  	v3 =	vmul.f32 v5, v3;
	v4 =	vmul.f32 v6, v4;
	_ =	sdelay $0x1  }
0x285: {  	v3 =	vadd.f32 v4, v3  }
0x286: {  	[tilespmem:s17+$0x10980] =	vst v7;
	s21 =	simm.s32 $0x0  }
0x287: {  	s22 =	sand.u32 $0x70, s21;
	s17 =	sand.u32 $0x1C00, s21;
	[tilespmem:s18+$0x10980] =	vst v3  }
0x288: {  	s17 =	sor.u32 s22, s17;
	v4 =	vld [tilespmem:$0xB0]  }
0x289: {  	v5 =	vld [tilespmem:s17+$0x9300]  }
0x28a: {  	v6 =	vld [tilespmem:s17+$0x9380];
	_ =	sdelay $0x1  }
0x28b: {  	s23 =	simm.s32 $0x10;
	s19 =	simm.s32 $0x80  }
0x28c: {  	s19 =	sand.u32 $0x1C00, s19;
	s18 =	sand.u32 $0x70, s23;
	v3 =	vbroadcast v4, $0x4;
	v4 =	vbroadcast v4, $0x5  }
0x28d: {  	s18 =	sor.u32 s18, s19  }
0x28e: {  	v7 =	vmul.f32 v5, v3;
	v8 =	vmul.f32 v6, v4;
	v5 =	vld [tilespmem:s18+$0x9300]  }
0x28f: {  	v6 =	vld [tilespmem:s18+$0x9380]  }
0x290: {  	s20 =	simm.s32 $0x100;
	s19 =	simm.s32 $0x20;
	v7 =	vadd.f32 v8, v7  }
.LBB2_55:
0x291: {  	s21 =	sand.u32 $0x70, s19  }
0x292: {  	s22 =	sand.u32 $0x1C00, s20;
	[tilespmem:s17+$0x10A00] =	vst v7;
	s17 =	smov.u32 s18;
	p0 =	sne.s32 s19, $0x2F0  }
.Ltmp26:
0x293: {  	s19 =	sadd.s32 $0x10, s19;
	s18 =	sor.u32 s21, s22;
	(pc) =	sbr.rel @p0 .LBB2_55-.Ltmp26, $4  }
0x294: {  	v7 =	vmul.f32 v5, v3;
	v5 =	vld [tilespmem:s18+$0x9300];
	v8 =	vmul.f32 v6, v4  }
0x295: {  	v6 =	vld [tilespmem:s18+$0x9380]  }
0x296: {  	v7 =	vadd.f32 v8, v7  }
0x297: {  	s20 =	sadd.s32 $0x80, s20  }
0x298: {  	_ =	sdelay $0x1  }
0x299: {  	v3 =	vmul.f32 v5, v3;
	v4 =	vmul.f32 v6, v4;
	_ =	sdelay $0x1  }
0x29a: {  	v3 =	vadd.f32 v4, v3  }
0x29b: {  	[tilespmem:s17+$0x10A00] =	vst v7;
	s21 =	simm.s32 $0x0  }
0x29c: {  	s22 =	sand.u32 $0x70, s21;
	s17 =	sand.u32 $0x1C00, s21;
	[tilespmem:s18+$0x10A00] =	vst v3  }
0x29d: {  	s17 =	sor.u32 s22, s17;
	v4 =	vld [tilespmem:$0xB0]  }
0x29e: {  	v5 =	vld [tilespmem:s17+$0x9400]  }
0x29f: {  	v6 =	vld [tilespmem:s17+$0x9480];
	_ =	sdelay $0x1  }
0x2a0: {  	s23 =	simm.s32 $0x10;
	s19 =	simm.s32 $0x80  }
0x2a1: {  	s19 =	sand.u32 $0x1C00, s19;
	s18 =	sand.u32 $0x70, s23;
	v3 =	vbroadcast v4, $0x6;
	v4 =	vbroadcast v4, $0x7  }
0x2a2: {  	s18 =	sor.u32 s18, s19  }
0x2a3: {  	v7 =	vmul.f32 v5, v3;
	v8 =	vmul.f32 v6, v4;
	v5 =	vld [tilespmem:s18+$0x9400]  }
0x2a4: {  	v6 =	vld [tilespmem:s18+$0x9480]  }
0x2a5: {  	s20 =	simm.s32 $0x100;
	s19 =	simm.s32 $0x20;
	v7 =	vadd.f32 v8, v7  }
.LBB2_57:
0x2a6: {  	s21 =	sand.u32 $0x70, s19  }
0x2a7: {  	s22 =	sand.u32 $0x1C00, s20;
	[tilespmem:s17+$0x10A80] =	vst v7;
	s17 =	smov.u32 s18;
	p0 =	sne.s32 s19, $0x2F0  }
.Ltmp27:
0x2a8: {  	s19 =	sadd.s32 $0x10, s19;
	s18 =	sor.u32 s21, s22;
	(pc) =	sbr.rel @p0 .LBB2_57-.Ltmp27, $4  }
0x2a9: {  	v7 =	vmul.f32 v5, v3;
	v5 =	vld [tilespmem:s18+$0x9400];
	v8 =	vmul.f32 v6, v4  }
0x2aa: {  	v6 =	vld [tilespmem:s18+$0x9480]  }
0x2ab: {  	v7 =	vadd.f32 v8, v7  }
0x2ac: {  	s20 =	sadd.s32 $0x80, s20  }
0x2ad: {  	_ =	sdelay $0x1  }
0x2ae: {  	v3 =	vmul.f32 v5, v3;
	v4 =	vmul.f32 v6, v4;
	_ =	sdelay $0x1  }
0x2af: {  	v3 =	vadd.f32 v4, v3  }
0x2b0: {  	[tilespmem:s17+$0x10A80] =	vst v7;
	s21 =	simm.s32 $0x0  }
0x2b1: {  	s22 =	sand.u32 $0x70, s21;
	s17 =	sand.u32 $0x1C00, s21;
	[tilespmem:s18+$0x10A80] =	vst v3  }
0x2b2: {  	s17 =	sor.u32 s22, s17;
	v4 =	vld [tilespmem:$0xB0]  }
0x2b3: {  	v5 =	vld [tilespmem:s17+$0xA900]  }
0x2b4: {  	v6 =	vld [tilespmem:s17+$0xA980];
	_ =	sdelay $0x1  }
0x2b5: {  	s23 =	simm.s32 $0x10;
	s19 =	simm.s32 $0x80  }
0x2b6: {  	s19 =	sand.u32 $0x1C00, s19;
	s18 =	sand.u32 $0x70, s23;
	v3 =	vbroadcast v4, $0x8;
	v4 =	vbroadcast v4, $0x9  }
0x2b7: {  	s18 =	sor.u32 s18, s19  }
0x2b8: {  	v7 =	vmul.f32 v5, v3;
	v8 =	vmul.f32 v6, v4;
	v5 =	vld [tilespmem:s18+$0xA900]  }
0x2b9: {  	v6 =	vld [tilespmem:s18+$0xA980]  }
0x2ba: {  	s20 =	simm.s32 $0x100;
	s19 =	simm.s32 $0x20;
	v7 =	vadd.f32 v8, v7  }
.LBB2_59:
0x2bb: {  	s21 =	sand.u32 $0x70, s19  }
0x2bc: {  	s22 =	sand.u32 $0x1C00, s20;
	[tilespmem:s17+$0x10B00] =	vst v7;
	s17 =	smov.u32 s18;
	p0 =	sne.s32 s19, $0x2F0  }
.Ltmp28:
0x2bd: {  	s19 =	sadd.s32 $0x10, s19;
	s18 =	sor.u32 s21, s22;
	(pc) =	sbr.rel @p0 .LBB2_59-.Ltmp28, $4  }
0x2be: {  	v7 =	vmul.f32 v5, v3;
	v5 =	vld [tilespmem:s18+$0xA900];
	v8 =	vmul.f32 v6, v4  }
0x2bf: {  	v6 =	vld [tilespmem:s18+$0xA980]  }
0x2c0: {  	v7 =	vadd.f32 v8, v7  }
0x2c1: {  	s20 =	sadd.s32 $0x80, s20  }
0x2c2: {  	_ =	sdelay $0x1  }
0x2c3: {  	v3 =	vmul.f32 v5, v3;
	v4 =	vmul.f32 v6, v4;
	_ =	sdelay $0x1  }
0x2c4: {  	v3 =	vadd.f32 v4, v3  }
0x2c5: {  	[tilespmem:s17+$0x10B00] =	vst v7;
	s21 =	simm.s32 $0x0  }
0x2c6: {  	s22 =	sand.u32 $0x70, s21;
	s17 =	sand.u32 $0x1C00, s21;
	[tilespmem:s18+$0x10B00] =	vst v3  }
0x2c7: {  	s17 =	sor.u32 s22, s17;
	v4 =	vld [tilespmem:$0xB0]  }
0x2c8: {  	v5 =	vld [tilespmem:s17+$0xAA00]  }
0x2c9: {  	v6 =	vld [tilespmem:s17+$0xAA80];
	_ =	sdelay $0x1  }
0x2ca: {  	s23 =	simm.s32 $0x10;
	s19 =	simm.s32 $0x80  }
0x2cb: {  	s19 =	sand.u32 $0x1C00, s19;
	s18 =	sand.u32 $0x70, s23;
	v3 =	vbroadcast v4, $0xA;
	v4 =	vbroadcast v4, $0xB  }
0x2cc: {  	s18 =	sor.u32 s18, s19  }
0x2cd: {  	v7 =	vmul.f32 v5, v3;
	v8 =	vmul.f32 v6, v4;
	v5 =	vld [tilespmem:s18+$0xAA00]  }
0x2ce: {  	v6 =	vld [tilespmem:s18+$0xAA80]  }
0x2cf: {  	s20 =	simm.s32 $0x100;
	s19 =	simm.s32 $0x20;
	v7 =	vadd.f32 v8, v7  }
.LBB2_61:
0x2d0: {  	s21 =	sand.u32 $0x70, s19  }
0x2d1: {  	s22 =	sand.u32 $0x1C00, s20;
	[tilespmem:s17+$0x10B80] =	vst v7;
	s17 =	smov.u32 s18;
	p0 =	sne.s32 s19, $0x2F0  }
.Ltmp29:
0x2d2: {  	s19 =	sadd.s32 $0x10, s19;
	s18 =	sor.u32 s21, s22;
	(pc) =	sbr.rel @p0 .LBB2_61-.Ltmp29, $4  }
0x2d3: {  	v7 =	vmul.f32 v5, v3;
	v5 =	vld [tilespmem:s18+$0xAA00];
	v8 =	vmul.f32 v6, v4  }
0x2d4: {  	v6 =	vld [tilespmem:s18+$0xAA80]  }
0x2d5: {  	v7 =	vadd.f32 v8, v7  }
0x2d6: {  	s20 =	sadd.s32 $0x80, s20  }
0x2d7: {  	_ =	sdelay $0x1  }
0x2d8: {  	v3 =	vmul.f32 v5, v3;
	v4 =	vmul.f32 v6, v4;
	_ =	sdelay $0x1  }
0x2d9: {  	v3 =	vadd.f32 v4, v3  }
0x2da: {  	[tilespmem:s17+$0x10B80] =	vst v7;
	s21 =	simm.s32 $0x0  }
0x2db: {  	s22 =	sand.u32 $0x70, s21;
	s17 =	sand.u32 $0x1C00, s21;
	[tilespmem:s18+$0x10B80] =	vst v3  }
0x2dc: {  	s17 =	sor.u32 s22, s17;
	v4 =	vld [tilespmem:$0xB0]  }
0x2dd: {  	v5 =	vld [tilespmem:s17+$0xAB00]  }
0x2de: {  	v6 =	vld [tilespmem:s17+$0xAB80];
	_ =	sdelay $0x1  }
0x2df: {  	s23 =	simm.s32 $0x10;
	s19 =	simm.s32 $0x80  }
0x2e0: {  	s19 =	sand.u32 $0x1C00, s19;
	s18 =	sand.u32 $0x70, s23;
	v3 =	vbroadcast v4, $0xC;
	v4 =	vbroadcast v4, $0xD  }
0x2e1: {  	s18 =	sor.u32 s18, s19  }
0x2e2: {  	v7 =	vmul.f32 v5, v3;
	v8 =	vmul.f32 v6, v4;
	v5 =	vld [tilespmem:s18+$0xAB00]  }
0x2e3: {  	v6 =	vld [tilespmem:s18+$0xAB80]  }
0x2e4: {  	s20 =	simm.s32 $0x100;
	s19 =	simm.s32 $0x20;
	v7 =	vadd.f32 v8, v7  }
.LBB2_63:
0x2e5: {  	s21 =	sand.u32 $0x70, s19  }
0x2e6: {  	s22 =	sand.u32 $0x1C00, s20;
	[tilespmem:s17+$0x10C00] =	vst v7;
	s17 =	smov.u32 s18;
	p0 =	sne.s32 s19, $0x2F0  }
.Ltmp30:
0x2e7: {  	s19 =	sadd.s32 $0x10, s19;
	s18 =	sor.u32 s21, s22;
	(pc) =	sbr.rel @p0 .LBB2_63-.Ltmp30, $4  }
0x2e8: {  	v7 =	vmul.f32 v5, v3;
	v5 =	vld [tilespmem:s18+$0xAB00];
	v8 =	vmul.f32 v6, v4  }
0x2e9: {  	v6 =	vld [tilespmem:s18+$0xAB80]  }
0x2ea: {  	v7 =	vadd.f32 v8, v7  }
0x2eb: {  	s20 =	sadd.s32 $0x80, s20  }
0x2ec: {  	_ =	sdelay $0x1  }
0x2ed: {  	v3 =	vmul.f32 v5, v3;
	v4 =	vmul.f32 v6, v4;
	_ =	sdelay $0x1  }
0x2ee: {  	v3 =	vadd.f32 v4, v3  }
0x2ef: {  	[tilespmem:s17+$0x10C00] =	vst v7;
	s21 =	simm.s32 $0x0  }
0x2f0: {  	s22 =	sand.u32 $0x70, s21;
	s17 =	sand.u32 $0x1C00, s21;
	[tilespmem:s18+$0x10C00] =	vst v3  }
0x2f1: {  	s17 =	sor.u32 s22, s17;
	v4 =	vld [tilespmem:$0xB0]  }
0x2f2: {  	v5 =	vld [tilespmem:s17+$0xAC00]  }
0x2f3: {  	v6 =	vld [tilespmem:s17+$0xAC80];
	_ =	sdelay $0x1  }
0x2f4: {  	s23 =	simm.s32 $0x10;
	s19 =	simm.s32 $0x80  }
0x2f5: {  	s19 =	sand.u32 $0x1C00, s19;
	s18 =	sand.u32 $0x70, s23;
	v3 =	vbroadcast v4, $0xE;
	v4 =	vbroadcast v4, $0xF  }
0x2f6: {  	s18 =	sor.u32 s18, s19  }
0x2f7: {  	v7 =	vmul.f32 v5, v3;
	v8 =	vmul.f32 v6, v4;
	v5 =	vld [tilespmem:s18+$0xAC00]  }
0x2f8: {  	v6 =	vld [tilespmem:s18+$0xAC80]  }
0x2f9: {  	s20 =	simm.s32 $0x100;
	s19 =	simm.s32 $0x20;
	v7 =	vadd.f32 v8, v7  }
.LBB2_65:
0x2fa: {  	s21 =	sand.u32 $0x70, s19  }
0x2fb: {  	s22 =	sand.u32 $0x1C00, s20;
	[tilespmem:s17+$0x10C80] =	vst v7;
	s17 =	smov.u32 s18;
	p0 =	sne.s32 s19, $0x2F0  }
.Ltmp31:
0x2fc: {  	s19 =	sadd.s32 $0x10, s19;
	s18 =	sor.u32 s21, s22;
	(pc) =	sbr.rel @p0 .LBB2_65-.Ltmp31, $4  }
0x2fd: {  	v7 =	vmul.f32 v5, v3;
	v5 =	vld [tilespmem:s18+$0xAC00];
	v8 =	vmul.f32 v6, v4  }
0x2fe: {  	v6 =	vld [tilespmem:s18+$0xAC80]  }
0x2ff: {  	v7 =	vadd.f32 v8, v7  }
0x300: {  	s20 =	sadd.s32 $0x80, s20  }
0x301: {  	_ =	sdelay $0x1  }
0x302: {  	v3 =	vmul.f32 v5, v3;
	v4 =	vmul.f32 v6, v4  }
0x303: {  	s16 =	sshrl.u32 s16, $0x3  }
0x304: {  	s15 =	sadd.s32 $0x1, s15;
	s16 =	smul.u32 $0x300, s16;
	v3 =	vadd.f32 v4, v3  }
0x305: {  	[tilespmem:s17+$0x10C80] =	vst v7;
	s22 =	rddreg [dreg:$0x2];
	p0 =	sne.s32 s15, $0x8  }
.Ltmp32:
0x306: {  	s23 =	simm.s32 $0x0;
	s16 =	sadd.s32 s22, s16;
	[tilespmem:s18+$0x10C80] =	vst v3;
	(pc) =	sbr.rel @p0 .LBB2_2-.Ltmp32, $4  }
0x307: {  	[hbm4b:s16+s23] =	stream.linear.scatter [tilespmem:s14], [sflag:$0x2], $0x6000, $0x38;
	[tilespmem:$0x12100] =	vst v63  }
0x308: {  	_ =	swait.ge [sflag:s11], $0x6000  }
0x309: {  	[sflag:s11] =	ssyncset.done $0x0  }
0x30a: {  	[sflag:s11] =	ssyncadd.s32 $0xFFFFA000  }
0x30b: {  	s16 =	rddreg [dreg:$0x5]  }
0x30c: {  	s15 =	rddreg [dreg:$0x4];
	s16 =	sadd.s32 $0x1, s16  }
0x30d: {  	p0 =	sne.s32 s16, s15  }
.Ltmp33:
0x30e: {  	_ = 	snop;
	(pc) =	sbr.rel @p0 .LBB2_1-.Ltmp33, $1  }
0x30f: {  	_ =	sdelay $0x3  }
0x310: {  	_ =	sfence.sel $0x180000  }
0x311: {  	[bflag:$0x0] =	sbarrier.arrive $0xFFFF  }
0x312: {  	_ =	strace $0x90000047  }
0x313: {  	s0 =	stileid.u32;
	[bflag:$0x2] =	sbarrier.arrive $0xFFFF  }
0x314: {  	p0 =	sne.s32 s0, $0x0;
	s0 =	rddreg [dreg:$0x3]  }
0x315: {  	s0 =	sadd.s32 @!p0 $0x100000, s0  }
0x316: {  	[sflag:s0] =	ssyncadd.tile.s32 @!p0 $0x1;
	_ =	shalt  }
.Lfunc_end2:
_tile_overlayer_lowered:
.L_overlay_start_2:
0x317: {  	(tag) =	ssettag $0x2  }
0x318: {  	s0 =	rddreg [dreg:$0x0];
	s2 =	stileid.u32  }
0x319: {  	s1 =	rddreg [dreg:$0x1];
	p0 =	sne.s32 s2, $0x0  }
0x31a: {  	s3 =	rddreg [dreg:$0x2];
	[bflag:$0x3] =	sbarrier.arrive $0xFFFF;
	s2 =	simm.s32 @!p0 $0x1C02  }
0x31b: {  	[timem:s3], [sflag:s2] =	dma.local @!p0 [hbm:s0], s1  }
0x31c: {  	s0 =	simm.s32 @!p0 $0x2  }
0x31d: {  	_ =	swait.ge @!p0 [sflag:s0], s1  }
0x31e: {  	s1 =	ssub.s32 @!p0 $0x0, s1;
	[sflag:s0] =	ssyncset.done @!p0 $0x0  }
0x31f: {  	[sflag:s0] =	ssyncadd.s32 @!p0 s1  }
0x320: {  	[bflag:$0x3] =	sbarrier.arrive $0xFFFF  }
0x321: {  	_ =	shalt  }

</sc_bundles>
